<compile_context>
chip_gen: v7x
topology: tpu7x:2x2x1
jax: 0.10.2.dev20260603
libtpu: 0.0.44.dev20260713+nightly
codegen_flags: <defaults>
</compile_context>

<pallas_src>
import functools

import jax
import jax.numpy as jnp
from jax import lax
from jax.experimental import pallas as pl
from jax.experimental.pallas import tpu as pltpu
from jax.experimental.pallas import tpu_sc as plsc

NUM_FEATURES = 512
ZMAX = 87
CONFIG_DIM = 20
N_ATOMS = 100000

NC = 2
NS = 16
NW = NC * NS

LANES = 16
NSLICE = NUM_FEATURES // LANES

CHUNK = 80
NCH = N_ATOMS // CHUNK
T_MAX = (NCH + NW - 1) // NW
S_MAX = (T_MAX + 1) // 2


def _table_body(ee_ref, ec_ref, w_ref, out_ref):
    out_ref[...] = ee_ref[...] + lax.dot_general(
        ec_ref[...], w_ref[...],
        dimension_numbers=(((1,), (1,)), ((), ())),
        preferred_element_type=jnp.float32,
    )


def _build_table(element_embedding, electron_config, W):
    return pl.pallas_call(
        _table_body,
        out_shape=jax.ShapeDtypeStruct((ZMAX, NUM_FEATURES), jnp.float32),
    )(element_embedding, electron_config, W)


_mesh = plsc.VectorSubcoreMesh(
    core_axis_name="c", subcore_axis_name="s", num_cores=NC, num_subcores=NS
)


@functools.partial(
    pl.kernel,
    out_type=jax.ShapeDtypeStruct((N_ATOMS, NUM_FEATURES), jnp.float32),
    mesh=_mesh,
    scratch_types=[
        pltpu.VMEM((ZMAX, NUM_FEATURES), jnp.float32),
        pltpu.VMEM((CHUNK, NUM_FEATURES), jnp.float32),
        pltpu.VMEM((CHUNK, NUM_FEATURES), jnp.float32),
        pltpu.VMEM((2, CHUNK + LANES), jnp.int32),
        pltpu.SemaphoreType.DMA,
        pltpu.SemaphoreType.DMA,
        pltpu.SemaphoreType.DMA,
        pltpu.SemaphoreType.DMA,
        pltpu.SemaphoreType.DMA,
    ],
)
def _gather_kernel(table_hbm, z_hbm, out_hbm, table_v, stag0, stag1, idx_v,
                   so0, so1, si0, si1, st):
    wid = lax.axis_index("s") * NC + lax.axis_index("c")
    stag = (stag0, stag1)
    so = (so0, so1)
    si = (si0, si1)

    table_copy = pltpu.async_copy(table_hbm, table_v, st)

    def cid_of(tt):
        return wid + tt * NW

    def out_wait(b):
        pltpu.make_async_copy(
            stag[b], out_hbm.at[pl.ds(0, CHUNK)], so[b]
        ).wait()

    def idx_start(tt, b):
        @pl.when(cid_of(tt) < NCH)
        def _():
            pltpu.async_copy(
                z_hbm.at[pl.ds(cid_of(tt) * CHUNK, CHUNK)],
                idx_v.at[b, pl.ds(0, CHUNK)],
                si[b],
            )

    def idx_wait(b):
        pltpu.make_async_copy(
            z_hbm.at[pl.ds(0, CHUNK)], idx_v.at[b, pl.ds(0, CHUNK)], si[b]
        ).wait()

    idx_start(0, 0)
    idx_start(1, 1)
    table_copy.wait()

    def do_chunk(tt, b, first):
        cid = cid_of(tt)

        @pl.when(cid < NCH)
        def _():
            base = cid * CHUNK
            idx_wait(b)

            @pl.when(jnp.logical_not(first))
            def _():
                out_wait(b)

            @plsc.parallel_loop(0, CHUNK, unroll=8)
            def _(i):
                z = idx_v[b, pl.ds(i, LANES)][0]
                for f in range(NSLICE):
                    stag[b][i, pl.ds(f * LANES, LANES)] = (
                        table_v[z, pl.ds(f * LANES, LANES)]
                    )
            idx_start(tt + 2, b)
            pltpu.async_copy(stag[b], out_hbm.at[pl.ds(base, CHUNK)], so[b])

    def body(s, carry):
        for b in (0, 1):
            do_chunk(2 * s + b, b, s == 0)
        return carry

    lax.fori_loop(0, S_MAX, body, 0)

    out_wait(0)
    out_wait(1)


def kernel(Z, element_embedding, W, electron_config):
    table = _build_table(element_embedding, electron_config, W)
    return _gather_kernel(table, Z.astype(jnp.int32))

# --- scband reference (transcript-rebuilt; emitter-appended) ---
"""Pipeline reference for scband-embedding-69406671503693 (READ-ONLY COPY).

The authoritative reference and input builder live on the scoring server;
editing this copy changes nothing except your own understanding.
"""

import jax, jax.numpy as jnp
import numpy as np

NUM_FEATURES = 512
ZMAX = 87
CONFIG_DIM = 20
N_ATOMS = 100000


def setup_inputs(seed: int = 0) -> dict:
    key = jax.random.key(seed)
    k1, k2, k3, k4 = jax.random.split(key, 4)
    Z = jax.random.randint(k1, (N_ATOMS,), 0, ZMAX, dtype=jnp.int64 if jax.config.jax_enable_x64 else jnp.int32)
    # element_embedding ~ U(-sqrt(3), sqrt(3)) as in reset_parameters
    element_embedding = jax.random.uniform(
        k2, (ZMAX, NUM_FEATURES), minval=-np.sqrt(3.0), maxval=np.sqrt(3.0), dtype=jnp.float32
    )
    # config_linear.weight [num_features, config_dim]; orthogonal init approximated via QR
    A = jax.random.normal(k3, (NUM_FEATURES, CONFIG_DIM), dtype=jnp.float32)
    Q, _ = jnp.linalg.qr(A)
    W = Q[:, :CONFIG_DIM].astype(jnp.float32)
    # electron_config buffer: constant per-element shell occupations (use fixed pseudo-data)
    electron_config = jax.random.uniform(k4, (ZMAX, CONFIG_DIM), dtype=jnp.float32)
    return {
        "Z": Z,
        "element_embedding": element_embedding,
        "W": W,
        "electron_config": electron_config,
    }


def reference(Z, element_embedding, W, electron_config):
    # config_linear(electron_config): [Zmax, config_dim] @ [config_dim, num_features]
    embedding = element_embedding + electron_config @ W.T
    # gather rows by atomic number
    return jnp.take(embedding, Z, axis=0)

if __name__ == "__main__":
    import jax
    _d = setup_inputs()
    print(jax.jit(kernel)(*tuple(_d.values())))

</pallas_src>

<mosaic_0001>
#map = affine_map<(d0, d1) -> (0, 0)>
#map1 = affine_map<(d0, d1) -> (0)>
module attributes {stable_mosaic.version = 14 : i64} {
  func.func @_gather_kernel(%arg0: i32, %arg1: i32, %arg2: memref<87x512xf32, #tpu.memory_space<hbm>>, %arg3: memref<100000xi32, #tpu.memory_space<hbm>>, %arg4: memref<100000x512xf32, #tpu.memory_space<hbm>>, %arg5: memref<87x512xf32, #tpu.memory_space<vmem>>, %arg6: memref<80x512xf32, #tpu.memory_space<vmem>>, %arg7: memref<80x512xf32, #tpu.memory_space<vmem>>, %arg8: memref<2x96xi32, #tpu.memory_space<vmem>>, %arg9: memref<!tpu.dma_semaphore, #tpu.memory_space<semaphore_mem>>, %arg10: memref<!tpu.dma_semaphore, #tpu.memory_space<semaphore_mem>>, %arg11: memref<!tpu.dma_semaphore, #tpu.memory_space<semaphore_mem>>, %arg12: memref<!tpu.dma_semaphore, #tpu.memory_space<semaphore_mem>>, %arg13: memref<!tpu.dma_semaphore, #tpu.memory_space<semaphore_mem>>) attributes {dimension_semantics = [#tpu.dimension_semantics<core_parallel>, #tpu.dimension_semantics<subcore_parallel>], iteration_bounds = array<i64: 2, 16>, scalar_prefetch = 0 : i64, scratch_operands = 9 : i64, tpu.core_type = #tpu.core_type<sc_vector_subcore>, window_params = [{transform_indices = #map}, {transform_indices = #map1}, {transform_indices = #map}]} {
    %mul3A = arith.constant 2 : i32
    %mul3A_0 = arith.muli %arg1, %mul3A : i32
    %add3A = arith.addi %mul3A_0, %arg0 : i32
    tpu.enqueue_dma source(%arg2 : memref<87x512xf32, #tpu.memory_space<hbm>>) target(%arg5 : memref<87x512xf32, #tpu.memory_space<vmem>>) target_semaphore(%arg13 : memref<!tpu.dma_semaphore, #tpu.memory_space<semaphore_mem>>)
    %add3A_1 = arith.constant 0 : i32
    %add3A_2 = arith.addi %add3A, %add3A_1 : i32
    %lt3A = arith.constant 1250 : i32
    %lt3A_3 = arith.cmpi slt, %add3A_2, %lt3A : i32
    %convert_element_type3A = arith.extui %lt3A_3 : i1 to i32
    %cond3A = arith.constant 0 : i32
    %cond3A_4 = arith.cmpi ne, %convert_element_type3A, %cond3A : i32
    scf.if %cond3A_4 {
      %add3A_28 = arith.constant 0 : i32
      %add3A_29 = arith.addi %add3A, %add3A_28 : i32
      %mul3A_30 = arith.constant 80 : i32
      %mul3A_31 = arith.muli %add3A_29, %mul3A_30 : i32
      %dma_start3A = arith.constant 0 : i32
      %dma_start3A_32 = arith.constant 0 : i32
      %dma_start3A_33 = tpu.memref_slice %arg8[%dma_start3A, %dma_start3A_32] : memref<2x96xi32, #tpu.memory_space<vmem>> -> memref<1x80xi32, #tpu.memory_space<vmem>>
      %dma_start3A_34 = tpu.memref_squeeze %dma_start3A_33 : memref<1x80xi32, #tpu.memory_space<vmem>> -> memref<80xi32, #tpu.memory_space<vmem>>
      %dma_start3A_35 = tpu.memref_slice %arg3[%mul3A_31] : memref<100000xi32, #tpu.memory_space<hbm>> -> memref<80xi32, #tpu.memory_space<hbm>>
      %dma_start3A_36 = arith.constant 0 : i32
      %dma_start3A_37 = tpu.memref_slice %arg8[%dma_start3A, %dma_start3A_36] : memref<2x96xi32, #tpu.memory_space<vmem>> -> memref<1x80xi32, #tpu.memory_space<vmem>>
      %dma_start3A_38 = tpu.memref_squeeze %dma_start3A_37 : memref<1x80xi32, #tpu.memory_space<vmem>> -> memref<80xi32, #tpu.memory_space<vmem>>
      %dma_start3A_39 = tpu.memref_slice %arg3[%mul3A_31] : memref<100000xi32, #tpu.memory_space<hbm>> -> memref<80xi32, #tpu.memory_space<hbm>>
      tpu.enqueue_dma source(%dma_start3A_39 : memref<80xi32, #tpu.memory_space<hbm>>) target(%dma_start3A_38 : memref<80xi32, #tpu.memory_space<vmem>>) target_semaphore(%arg11 : memref<!tpu.dma_semaphore, #tpu.memory_space<semaphore_mem>>)
    } else {
    }
    %add3A_5 = arith.constant 32 : i32
    %add3A_6 = arith.addi %add3A, %add3A_5 : i32
    %lt3A_7 = arith.constant 1250 : i32
    %lt3A_8 = arith.cmpi slt, %add3A_6, %lt3A_7 : i32
    %convert_element_type3A_9 = arith.extui %lt3A_8 : i1 to i32
    %cond3A_10 = arith.constant 0 : i32
    %cond3A_11 = arith.cmpi ne, %convert_element_type3A_9, %cond3A_10 : i32
    scf.if %cond3A_11 {
      %add3A_28 = arith.constant 32 : i32
      %add3A_29 = arith.addi %add3A, %add3A_28 : i32
      %mul3A_30 = arith.constant 80 : i32
      %mul3A_31 = arith.muli %add3A_29, %mul3A_30 : i32
      %dma_start3A = arith.constant 1 : i32
      %dma_start3A_32 = arith.constant 0 : i32
      %dma_start3A_33 = tpu.memref_slice %arg8[%dma_start3A, %dma_start3A_32] : memref<2x96xi32, #tpu.memory_space<vmem>> -> memref<1x80xi32, #tpu.memory_space<vmem>>
      %dma_start3A_34 = tpu.memref_squeeze %dma_start3A_33 : memref<1x80xi32, #tpu.memory_space<vmem>> -> memref<80xi32, #tpu.memory_space<vmem>>
      %dma_start3A_35 = tpu.memref_slice %arg3[%mul3A_31] : memref<100000xi32, #tpu.memory_space<hbm>> -> memref<80xi32, #tpu.memory_space<hbm>>
      %dma_start3A_36 = arith.constant 0 : i32
      %dma_start3A_37 = tpu.memref_slice %arg8[%dma_start3A, %dma_start3A_36] : memref<2x96xi32, #tpu.memory_space<vmem>> -> memref<1x80xi32, #tpu.memory_space<vmem>>
      %dma_start3A_38 = tpu.memref_squeeze %dma_start3A_37 : memref<1x80xi32, #tpu.memory_space<vmem>> -> memref<80xi32, #tpu.memory_space<vmem>>
      %dma_start3A_39 = tpu.memref_slice %arg3[%mul3A_31] : memref<100000xi32, #tpu.memory_space<hbm>> -> memref<80xi32, #tpu.memory_space<hbm>>
      tpu.enqueue_dma source(%dma_start3A_39 : memref<80xi32, #tpu.memory_space<hbm>>) target(%dma_start3A_38 : memref<80xi32, #tpu.memory_space<vmem>>) target_semaphore(%arg12 : memref<!tpu.dma_semaphore, #tpu.memory_space<semaphore_mem>>)
    } else {
    }
    tpu.wait_dma2 semaphore(%arg13 : memref<!tpu.dma_semaphore, #tpu.memory_space<semaphore_mem>>) src(%arg2 : memref<87x512xf32, #tpu.memory_space<hbm>>) dst(%arg5 : memref<87x512xf32, #tpu.memory_space<vmem>>)
    %scan3A = arith.constant 0 : i32
    %scan3A_12 = arith.constant 0 : i32
    %scan3A_13 = arith.constant 20 : i32
    %scan3A_14 = arith.addi %scan3A_12, %scan3A_13 : i32
    %scan3A_15 = arith.constant 1 : i32
    scf.for %scan3A_28 = %scan3A_12 to %scan3A_14 step %scan3A_15  : i32 {
      %mul3A_29 = arith.constant 2 : i32
      %mul3A_30 = arith.muli %mul3A_29, %scan3A_28 : i32
      %add3A_31 = arith.constant 0 : i32
      %add3A_32 = arith.addi %mul3A_30, %add3A_31 : i32
      %eq3A = arith.constant 0 : i32
      %eq3A_33 = arith.cmpi eq, %scan3A_28, %eq3A : i32
      %mul3A_34 = arith.constant 32 : i32
      %mul3A_35 = arith.muli %add3A_32, %mul3A_34 : i32
      %add3A_36 = arith.addi %add3A, %mul3A_35 : i32
      %lt3A_37 = arith.constant 1250 : i32
      %lt3A_38 = arith.cmpi slt, %add3A_36, %lt3A_37 : i32
      %convert_element_type3A_39 = arith.extui %lt3A_38 : i1 to i32
      %cond3A_40 = arith.constant 0 : i32
      %cond3A_41 = arith.cmpi ne, %convert_element_type3A_39, %cond3A_40 : i32
      scf.if %cond3A_41 {
        %mul3A_56 = arith.constant 80 : i32
        %mul3A_57 = arith.muli %add3A_36, %mul3A_56 : i32
        %dma_wait3A_58 = arith.constant 0 : i32
        %dma_wait3A_59 = arith.constant 0 : i32
        %dma_wait3A_60 = tpu.memref_slice %arg8[%dma_wait3A_58, %dma_wait3A_59] : memref<2x96xi32, #tpu.memory_space<vmem>> -> memref<1x80xi32, #tpu.memory_space<vmem>>
        %dma_wait3A_61 = tpu.memref_squeeze %dma_wait3A_60 : memref<1x80xi32, #tpu.memory_space<vmem>> -> memref<80xi32, #tpu.memory_space<vmem>>
        %dma_wait3A_62 = arith.constant 0 : i32
        %dma_wait3A_63 = tpu.memref_slice %arg3[%dma_wait3A_62] : memref<100000xi32, #tpu.memory_space<hbm>> -> memref<80xi32, #tpu.memory_space<hbm>>
        %dma_wait3A_64 = arith.constant 0 : i32
        %dma_wait3A_65 = tpu.memref_slice %arg8[%dma_wait3A_58, %dma_wait3A_64] : memref<2x96xi32, #tpu.memory_space<vmem>> -> memref<1x80xi32, #tpu.memory_space<vmem>>
        %dma_wait3A_66 = tpu.memref_squeeze %dma_wait3A_65 : memref<1x80xi32, #tpu.memory_space<vmem>> -> memref<80xi32, #tpu.memory_space<vmem>>
        %dma_wait3A_67 = arith.constant 0 : i32
        %dma_wait3A_68 = tpu.memref_slice %arg3[%dma_wait3A_67] : memref<100000xi32, #tpu.memory_space<hbm>> -> memref<80xi32, #tpu.memory_space<hbm>>
        tpu.wait_dma2 semaphore(%arg11 : memref<!tpu.dma_semaphore, #tpu.memory_space<semaphore_mem>>) src(%dma_wait3A_68 : memref<80xi32, #tpu.memory_space<hbm>>) dst(%dma_wait3A_66 : memref<80xi32, #tpu.memory_space<vmem>>)
        %not3A = arith.constant true
        %not3A_69 = arith.xori %eq3A_33, %not3A : i1
        %convert_element_type3A_70 = arith.extui %not3A_69 : i1 to i32
        %cond3A_71 = arith.constant 0 : i32
        %cond3A_72 = arith.cmpi ne, %convert_element_type3A_70, %cond3A_71 : i32
        scf.if %cond3A_72 {
          %dma_wait3A_88 = arith.constant 0 : i32
          %dma_wait3A_89 = arith.constant 0 : i32
          %dma_wait3A_90 = tpu.memref_slice %arg4[%dma_wait3A_88, %dma_wait3A_89] : memref<100000x512xf32, #tpu.memory_space<hbm>> -> memref<80x512xf32, #tpu.memory_space<hbm>>
          %dma_wait3A_91 = arith.constant 0 : i32
          %dma_wait3A_92 = arith.constant 0 : i32
          %dma_wait3A_93 = tpu.memref_slice %arg4[%dma_wait3A_91, %dma_wait3A_92] : memref<100000x512xf32, #tpu.memory_space<hbm>> -> memref<80x512xf32, #tpu.memory_space<hbm>>
          tpu.wait_dma2 semaphore(%arg9 : memref<!tpu.dma_semaphore, #tpu.memory_space<semaphore_mem>>) src(%arg6 : memref<80x512xf32, #tpu.memory_space<vmem>>) dst(%dma_wait3A_93 : memref<80x512xf32, #tpu.memory_space<hbm>>)
        } else {
        }
        %parallel_loop3A = arith.constant 0 : i32
        %parallel_loop3A_73 = arith.constant 80 : i32
        %parallel_loop3A_74 = arith.constant 1 : i32
        scf.for %parallel_loop3A_88 = %parallel_loop3A to %parallel_loop3A_73 step %parallel_loop3A_74  : i32 {
          %parallel_loop3A_89 = arith.constant 0 : i32
          %parallel_loop3A_90 = arith.index_cast %parallel_loop3A_89 : i32 to index
          %parallel_loop3A_91 = arith.index_cast %parallel_loop3A_88 : i32 to index
          %parallel_loop3A_92 = tpu.vector_load %arg8[%parallel_loop3A_90, %parallel_loop3A_91] {strides = array<i32>} : memref<2x96xi32, #tpu.memory_space<vmem>>, vector<1x16xi32>,
          %parallel_loop3A_93 = vector.shape_cast %parallel_loop3A_92 : vector<1x16xi32> to vector<16xi32>
          %parallel_loop3A_94 = vector.extract_strided_slice %parallel_loop3A_93 {offsets = [0], sizes = [1], strides = [1]} : vector<16xi32> to vector<1xi32>
          %parallel_loop3A_95 = vector.extract %parallel_loop3A_94[0] : i32 from vector<1xi32>
          %parallel_loop3A_96 = arith.index_cast %parallel_loop3A_95 : i32 to index
          %parallel_loop3A_97 = arith.constant 0 : index
          %parallel_loop3A_98 = tpu.vector_load %arg5[%parallel_loop3A_96, %parallel_loop3A_97] {strides = array<i32>} : memref<87x512xf32, #tpu.memory_space<vmem>>, vector<1x16xf32>,
          %parallel_loop3A_99 = vector.shape_cast %parallel_loop3A_98 : vector<1x16xf32> to vector<16xf32>
          %parallel_loop3A_100 = arith.index_cast %parallel_loop3A_88 : i32 to index
          %parallel_loop3A_101 = arith.constant 0 : index
          %parallel_loop3A_102 = tpu.vector_load %arg6[%parallel_loop3A_100, %parallel_loop3A_101] {strides = array<i32>} : memref<80x512xf32, #tpu.memory_space<vmem>>, vector<1x16xf32>,
          %parallel_loop3A_103 = vector.shape_cast %parallel_loop3A_102 : vector<1x16xf32> to vector<16xf32>
          %parallel_loop3A_104 = vector.shape_cast %parallel_loop3A_99 : vector<16xf32> to vector<1x16xf32>
          tpu.vector_store %arg6[%parallel_loop3A_100, %parallel_loop3A_101], %parallel_loop3A_104 {strides = array<i32>} : memref<80x512xf32, #tpu.memory_space<vmem>>, vector<1x16xf32>,
          %parallel_loop3A_105 = arith.index_cast %parallel_loop3A_95 : i32 to index
          %parallel_loop3A_106 = arith.constant 16 : index
          %parallel_loop3A_107 = tpu.vector_load %arg5[%parallel_loop3A_105, %parallel_loop3A_106] {strides = array<i32>} : memref<87x512xf32, #tpu.memory_space<vmem>>, vector<1x16xf32>,
          %parallel_loop3A_108 = vector.shape_cast %parallel_loop3A_107 : vector<1x16xf32> to vector<16xf32>
          %parallel_loop3A_109 = arith.index_cast %parallel_loop3A_88 : i32 to index
          %parallel_loop3A_110 = arith.constant 16 : index
          %parallel_loop3A_111 = tpu.vector_load %arg6[%parallel_loop3A_109, %parallel_loop3A_110] {strides = array<i32>} : memref<80x512xf32, #tpu.memory_space<vmem>>, vector<1x16xf32>,
          %parallel_loop3A_112 = vector.shape_cast %parallel_loop3A_111 : vector<1x16xf32> to vector<16xf32>
          %parallel_loop3A_113 = vector.shape_cast %parallel_loop3A_108 : vector<16xf32> to vector<1x16xf32>
          tpu.vector_store %arg6[%parallel_loop3A_109, %parallel_loop3A_110], %parallel_loop3A_113 {strides = array<i32>} : memref<80x512xf32, #tpu.memory_space<vmem>>, vector<1x16xf32>,
          %parallel_loop3A_114 = arith.index_cast %parallel_loop3A_95 : i32 to index
          %parallel_loop3A_115 = arith.constant 32 : index
          %parallel_loop3A_116 = tpu.vector_load %arg5[%parallel_loop3A_114, %parallel_loop3A_115] {strides = array<i32>} : memref<87x512xf32, #tpu.memory_space<vmem>>, vector<1x16xf32>,
          %parallel_loop3A_117 = vector.shape_cast %parallel_loop3A_116 : vector<1x16xf32> to vector<16xf32>
          %parallel_loop3A_118 = arith.index_cast %parallel_loop3A_88 : i32 to index
          %parallel_loop3A_119 = arith.constant 32 : index
          %parallel_loop3A_120 = tpu.vector_load %arg6[%parallel_loop3A_118, %parallel_loop3A_119] {strides = array<i32>} : memref<80x512xf32, #tpu.memory_space<vmem>>, vector<1x16xf32>,
          %parallel_loop3A_121 = vector.shape_cast %parallel_loop3A_120 : vector<1x16xf32> to vector<16xf32>
          %parallel_loop3A_122 = vector.shape_cast %parallel_loop3A_117 : vector<16xf32> to vector<1x16xf32>
          tpu.vector_store %arg6[%parallel_loop3A_118, %parallel_loop3A_119], %parallel_loop3A_122 {strides = array<i32>} : memref<80x512xf32, #tpu.memory_space<vmem>>, vector<1x16xf32>,
          %parallel_loop3A_123 = arith.index_cast %parallel_loop3A_95 : i32 to index
          %parallel_loop3A_124 = arith.constant 48 : index
          %parallel_loop3A_125 = tpu.vector_load %arg5[%parallel_loop3A_123, %parallel_loop3A_124] {strides = array<i32>} : memref<87x512xf32, #tpu.memory_space<vmem>>, vector<1x16xf32>,
          %parallel_loop3A_126 = vector.shape_cast %parallel_loop3A_125 : vector<1x16xf32> to vector<16xf32>
          %parallel_loop3A_127 = arith.index_cast %parallel_loop3A_88 : i32 to index
          %parallel_loop3A_128 = arith.constant 48 : index
          %parallel_loop3A_129 = tpu.vector_load %arg6[%parallel_loop3A_127, %parallel_loop3A_128] {strides = array<i32>} : memref<80x512xf32, #tpu.memory_space<vmem>>, vector<1x16xf32>,
          %parallel_loop3A_130 = vector.shape_cast %parallel_loop3A_129 : vector<1x16xf32> to vector<16xf32>
          %parallel_loop3A_131 = vector.shape_cast %parallel_loop3A_126 : vector<16xf32> to vector<1x16xf32>
          tpu.vector_store %arg6[%parallel_loop3A_127, %parallel_loop3A_128], %parallel_loop3A_131 {strides = array<i32>} : memref<80x512xf32, #tpu.memory_space<vmem>>, vector<1x16xf32>,
          %parallel_loop3A_132 = arith.index_cast %parallel_loop3A_95 : i32 to index
          %parallel_loop3A_133 = arith.constant 64 : index
          %parallel_loop3A_134 = tpu.vector_load %arg5[%parallel_loop3A_132, %parallel_loop3A_133] {strides = array<i32>} : memref<87x512xf32, #tpu.memory_space<vmem>>, vector<1x16xf32>,
          %parallel_loop3A_135 = vector.shape_cast %parallel_loop3A_134 : vector<1x16xf32> to vector<16xf32>
          %parallel_loop3A_136 = arith.index_cast %parallel_loop3A_88 : i32 to index
          %parallel_loop3A_137 = arith.constant 64 : index
          %parallel_loop3A_138 = tpu.vector_load %arg6[%parallel_loop3A_136, %parallel_loop3A_137] {strides = array<i32>} : memref<80x512xf32, #tpu.memory_space<vmem>>, vector<1x16xf32>,
          %parallel_loop3A_139 = vector.shape_cast %parallel_loop3A_138 : vector<1x16xf32> to vector<16xf32>
          %parallel_loop3A_140 = vector.shape_cast %parallel_loop3A_135 : vector<16xf32> to vector<1x16xf32>
          tpu.vector_store %arg6[%parallel_loop3A_136, %parallel_loop3A_137], %parallel_loop3A_140 {strides = array<i32>} : memref<80x512xf32, #tpu.memory_space<vmem>>, vector<1x16xf32>,
          %parallel_loop3A_141 = arith.index_cast %parallel_loop3A_95 : i32 to index
          %parallel_loop3A_142 = arith.constant 80 : index
          %parallel_loop3A_143 = tpu.vector_load %arg5[%parallel_loop3A_141, %parallel_loop3A_142] {strides = array<i32>} : memref<87x512xf32, #tpu.memory_space<vmem>>, vector<1x16xf32>,
          %parallel_loop3A_144 = vector.shape_cast %parallel_loop3A_143 : vector<1x16xf32> to vector<16xf32>
          %parallel_loop3A_145 = arith.index_cast %parallel_loop3A_88 : i32 to index
          %parallel_loop3A_146 = arith.constant 80 : index
          %parallel_loop3A_147 = tpu.vector_load %arg6[%parallel_loop3A_145, %parallel_loop3A_146] {strides = array<i32>} : memref<80x512xf32, #tpu.memory_space<vmem>>, vector<1x16xf32>,
          %parallel_loop3A_148 = vector.shape_cast %parallel_loop3A_147 : vector<1x16xf32> to vector<16xf32>
          %parallel_loop3A_149 = vector.shape_cast %parallel_loop3A_144 : vector<16xf32> to vector<1x16xf32>
          tpu.vector_store %arg6[%parallel_loop3A_145, %parallel_loop3A_146], %parallel_loop3A_149 {strides = array<i32>} : memref<80x512xf32, #tpu.memory_space<vmem>>, vector<1x16xf32>,
          %parallel_loop3A_150 = arith.index_cast %parallel_loop3A_95 : i32 to index
          %parallel_loop3A_151 = arith.constant 96 : index
          %parallel_loop3A_152 = tpu.vector_load %arg5[%parallel_loop3A_150, %parallel_loop3A_151] {strides = array<i32>} : memref<87x512xf32, #tpu.memory_space<vmem>>, vector<1x16xf32>,
          %parallel_loop3A_153 = vector.shape_cast %parallel_loop3A_152 : vector<1x16xf32> to vector<16xf32>
          %parallel_loop3A_154 = arith.index_cast %parallel_loop3A_88 : i32 to index
          %parallel_loop3A_155 = arith.constant 96 : index
          %parallel_loop3A_156 = tpu.vector_load %arg6[%parallel_loop3A_154, %parallel_loop3A_155] {strides = array<i32>} : memref<80x512xf32, #tpu.memory_space<vmem>>, vector<1x16xf32>,
          %parallel_loop3A_157 = vector.shape_cast %parallel_loop3A_156 : vector<1x16xf32> to vector<16xf32>
          %parallel_loop3A_158 = vector.shape_cast %parallel_loop3A_153 : vector<16xf32> to vector<1x16xf32>
          tpu.vector_store %arg6[%parallel_loop3A_154, %parallel_loop3A_155], %parallel_loop3A_158 {strides = array<i32>} : memref<80x512xf32, #tpu.memory_space<vmem>>, vector<1x16xf32>,
          %parallel_loop3A_159 = arith.index_cast %parallel_loop3A_95 : i32 to index
          %parallel_loop3A_160 = arith.constant 112 : index
          %parallel_loop3A_161 = tpu.vector_load %arg5[%parallel_loop3A_159, %parallel_loop3A_160] {strides = array<i32>} : memref<87x512xf32, #tpu.memory_space<vmem>>, vector<1x16xf32>,
          %parallel_loop3A_162 = vector.shape_cast %parallel_loop3A_161 : vector<1x16xf32> to vector<16xf32>
          %parallel_loop3A_163 = arith.index_cast %parallel_loop3A_88 : i32 to index
          %parallel_loop3A_164 = arith.constant 112 : index
          %parallel_loop3A_165 = tpu.vector_load %arg6[%parallel_loop3A_163, %parallel_loop3A_164] {strides = array<i32>} : memref<80x512xf32, #tpu.memory_space<vmem>>, vector<1x16xf32>,
          %parallel_loop3A_166 = vector.shape_cast %parallel_loop3A_165 : vector<1x16xf32> to vector<16xf32>
          %parallel_loop3A_167 = vector.shape_cast %parallel_loop3A_162 : vector<16xf32> to vector<1x16xf32>
          tpu.vector_store %arg6[%parallel_loop3A_163, %parallel_loop3A_164], %parallel_loop3A_167 {strides = array<i32>} : memref<80x512xf32, #tpu.memory_space<vmem>>, vector<1x16xf32>,
          %parallel_loop3A_168 = arith.index_cast %parallel_loop3A_95 : i32 to index
          %parallel_loop3A_169 = arith.constant 128 : index
          %parallel_loop3A_170 = tpu.vector_load %arg5[%parallel_loop3A_168, %parallel_loop3A_169] {strides = array<i32>} : memref<87x512xf32, #tpu.memory_space<vmem>>, vector<1x16xf32>,
          %parallel_loop3A_171 = vector.shape_cast %parallel_loop3A_170 : vector<1x16xf32> to vector<16xf32>
          %parallel_loop3A_172 = arith.index_cast %parallel_loop3A_88 : i32 to index
          %parallel_loop3A_173 = arith.constant 128 : index
          %parallel_loop3A_174 = tpu.vector_load %arg6[%parallel_loop3A_172, %parallel_loop3A_173] {strides = array<i32>} : memref<80x512xf32, #tpu.memory_space<vmem>>, vector<1x16xf32>,
          %parallel_loop3A_175 = vector.shape_cast %parallel_loop3A_174 : vector<1x16xf32> to vector<16xf32>
          %parallel_loop3A_176 = vector.shape_cast %parallel_loop3A_171 : vector<16xf32> to vector<1x16xf32>
          tpu.vector_store %arg6[%parallel_loop3A_172, %parallel_loop3A_173], %parallel_loop3A_176 {strides = array<i32>} : memref<80x512xf32, #tpu.memory_space<vmem>>, vector<1x16xf32>,
          %parallel_loop3A_177 = arith.index_cast %parallel_loop3A_95 : i32 to index
          %parallel_loop3A_178 = arith.constant 144 : index
          %parallel_loop3A_179 = tpu.vector_load %arg5[%parallel_loop3A_177, %parallel_loop3A_178] {strides = array<i32>} : memref<87x512xf32, #tpu.memory_space<vmem>>, vector<1x16xf32>,
          %parallel_loop3A_180 = vector.shape_cast %parallel_loop3A_179 : vector<1x16xf32> to vector<16xf32>
          %parallel_loop3A_181 = arith.index_cast %parallel_loop3A_88 : i32 to index
          %parallel_loop3A_182 = arith.constant 144 : index
          %parallel_loop3A_183 = tpu.vector_load %arg6[%parallel_loop3A_181, %parallel_loop3A_182] {strides = array<i32>} : memref<80x512xf32, #tpu.memory_space<vmem>>, vector<1x16xf32>,
          %parallel_loop3A_184 = vector.shape_cast %parallel_loop3A_183 : vector<1x16xf32> to vector<16xf32>
          %parallel_loop3A_185 = vector.shape_cast %parallel_loop3A_180 : vector<16xf32> to vector<1x16xf32>
          tpu.vector_store %arg6[%parallel_loop3A_181, %parallel_loop3A_182], %parallel_loop3A_185 {strides = array<i32>} : memref<80x512xf32, #tpu.memory_space<vmem>>, vector<1x16xf32>,
          %parallel_loop3A_186 = arith.index_cast %parallel_loop3A_95 : i32 to index
          %parallel_loop3A_187 = arith.constant 160 : index
          %parallel_loop3A_188 = tpu.vector_load %arg5[%parallel_loop3A_186, %parallel_loop3A_187] {strides = array<i32>} : memref<87x512xf32, #tpu.memory_space<vmem>>, vector<1x16xf32>,
          %parallel_loop3A_189 = vector.shape_cast %parallel_loop3A_188 : vector<1x16xf32> to vector<16xf32>
          %parallel_loop3A_190 = arith.index_cast %parallel_loop3A_88 : i32 to index
          %parallel_loop3A_191 = arith.constant 160 : index
          %parallel_loop3A_192 = tpu.vector_load %arg6[%parallel_loop3A_190, %parallel_loop3A_191] {strides = array<i32>} : memref<80x512xf32, #tpu.memory_space<vmem>>, vector<1x16xf32>,
          %parallel_loop3A_193 = vector.shape_cast %parallel_loop3A_192 : vector<1x16xf32> to vector<16xf32>
          %parallel_loop3A_194 = vector.shape_cast %parallel_loop3A_189 : vector<16xf32> to vector<1x16xf32>
          tpu.vector_store %arg6[%parallel_loop3A_190, %parallel_loop3A_191], %parallel_loop3A_194 {strides = array<i32>} : memref<80x512xf32, #tpu.memory_space<vmem>>, vector<1x16xf32>,
          %parallel_loop3A_195 = arith.index_cast %parallel_loop3A_95 : i32 to index
          %parallel_loop3A_196 = arith.constant 176 : index
          %parallel_loop3A_197 = tpu.vector_load %arg5[%parallel_loop3A_195, %parallel_loop3A_196] {strides = array<i32>} : memref<87x512xf32, #tpu.memory_space<vmem>>, vector<1x16xf32>,
          %parallel_loop3A_198 = vector.shape_cast %parallel_loop3A_197 : vector<1x16xf32> to vector<16xf32>
          %parallel_loop3A_199 = arith.index_cast %parallel_loop3A_88 : i32 to index
          %parallel_loop3A_200 = arith.constant 176 : index
          %parallel_loop3A_201 = tpu.vector_load %arg6[%parallel_loop3A_199, %parallel_loop3A_200] {strides = array<i32>} : memref<80x512xf32, #tpu.memory_space<vmem>>, vector<1x16xf32>,
          %parallel_loop3A_202 = vector.shape_cast %parallel_loop3A_201 : vector<1x16xf32> to vector<16xf32>
          %parallel_loop3A_203 = vector.shape_cast %parallel_loop3A_198 : vector<16xf32> to vector<1x16xf32>
          tpu.vector_store %arg6[%parallel_loop3A_199, %parallel_loop3A_200], %parallel_loop3A_203 {strides = array<i32>} : memref<80x512xf32, #tpu.memory_space<vmem>>, vector<1x16xf32>,
          %parallel_loop3A_204 = arith.index_cast %parallel_loop3A_95 : i32 to index
          %parallel_loop3A_205 = arith.constant 192 : index
          %parallel_loop3A_206 = tpu.vector_load %arg5[%parallel_loop3A_204, %parallel_loop3A_205] {strides = array<i32>} : memref<87x512xf32, #tpu.memory_space<vmem>>, vector<1x16xf32>,
          %parallel_loop3A_207 = vector.shape_cast %parallel_loop3A_206 : vector<1x16xf32> to vector<16xf32>
          %parallel_loop3A_208 = arith.index_cast %parallel_loop3A_88 : i32 to index
          %parallel_loop3A_209 = arith.constant 192 : index
          %parallel_loop3A_210 = tpu.vector_load %arg6[%parallel_loop3A_208, %parallel_loop3A_209] {strides = array<i32>} : memref<80x512xf32, #tpu.memory_space<vmem>>, vector<1x16xf32>,
          %parallel_loop3A_211 = vector.shape_cast %parallel_loop3A_210 : vector<1x16xf32> to vector<16xf32>
          %parallel_loop3A_212 = vector.shape_cast %parallel_loop3A_207 : vector<16xf32> to vector<1x16xf32>
          tpu.vector_store %arg6[%parallel_loop3A_208, %parallel_loop3A_209], %parallel_loop3A_212 {strides = array<i32>} : memref<80x512xf32, #tpu.memory_space<vmem>>, vector<1x16xf32>,
          %parallel_loop3A_213 = arith.index_cast %parallel_loop3A_95 : i32 to index
          %parallel_loop3A_214 = arith.constant 208 : index
          %parallel_loop3A_215 = tpu.vector_load %arg5[%parallel_loop3A_213, %parallel_loop3A_214] {strides = array<i32>} : memref<87x512xf32, #tpu.memory_space<vmem>>, vector<1x16xf32>,
          %parallel_loop3A_216 = vector.shape_cast %parallel_loop3A_215 : vector<1x16xf32> to vector<16xf32>
          %parallel_loop3A_217 = arith.index_cast %parallel_loop3A_88 : i32 to index
          %parallel_loop3A_218 = arith.constant 208 : index
          %parallel_loop3A_219 = tpu.vector_load %arg6[%parallel_loop3A_217, %parallel_loop3A_218] {strides = array<i32>} : memref<80x512xf32, #tpu.memory_space<vmem>>, vector<1x16xf32>,
          %parallel_loop3A_220 = vector.shape_cast %parallel_loop3A_219 : vector<1x16xf32> to vector<16xf32>
          %parallel_loop3A_221 = vector.shape_cast %parallel_loop3A_216 : vector<16xf32> to vector<1x16xf32>
          tpu.vector_store %arg6[%parallel_loop3A_217, %parallel_loop3A_218], %parallel_loop3A_221 {strides = array<i32>} : memref<80x512xf32, #tpu.memory_space<vmem>>, vector<1x16xf32>,
          %parallel_loop3A_222 = arith.index_cast %parallel_loop3A_95 : i32 to index
          %parallel_loop3A_223 = arith.constant 224 : index
          %parallel_loop3A_224 = tpu.vector_load %arg5[%parallel_loop3A_222, %parallel_loop3A_223] {strides = array<i32>} : memref<87x512xf32, #tpu.memory_space<vmem>>, vector<1x16xf32>,
          %parallel_loop3A_225 = vector.shape_cast %parallel_loop3A_224 : vector<1x16xf32> to vector<16xf32>
          %parallel_loop3A_226 = arith.index_cast %parallel_loop3A_88 : i32 to index
          %parallel_loop3A_227 = arith.constant 224 : index
          %parallel_loop3A_228 = tpu.vector_load %arg6[%parallel_loop3A_226, %parallel_loop3A_227] {strides = array<i32>} : memref<80x512xf32, #tpu.memory_space<vmem>>, vector<1x16xf32>,
          %parallel_loop3A_229 = vector.shape_cast %parallel_loop3A_228 : vector<1x16xf32> to vector<16xf32>
          %parallel_loop3A_230 = vector.shape_cast %parallel_loop3A_225 : vector<16xf32> to vector<1x16xf32>
          tpu.vector_store %arg6[%parallel_loop3A_226, %parallel_loop3A_227], %parallel_loop3A_230 {strides = array<i32>} : memref<80x512xf32, #tpu.memory_space<vmem>>, vector<1x16xf32>,
          %parallel_loop3A_231 = arith.index_cast %parallel_loop3A_95 : i32 to index
          %parallel_loop3A_232 = arith.constant 240 : index
          %parallel_loop3A_233 = tpu.vector_load %arg5[%parallel_loop3A_231, %parallel_loop3A_232] {strides = array<i32>} : memref<87x512xf32, #tpu.memory_space<vmem>>, vector<1x16xf32>,
          %parallel_loop3A_234 = vector.shape_cast %parallel_loop3A_233 : vector<1x16xf32> to vector<16xf32>
          %parallel_loop3A_235 = arith.index_cast %parallel_loop3A_88 : i32 to index
          %parallel_loop3A_236 = arith.constant 240 : index
          %parallel_loop3A_237 = tpu.vector_load %arg6[%parallel_loop3A_235, %parallel_loop3A_236] {strides = array<i32>} : memref<80x512xf32, #tpu.memory_space<vmem>>, vector<1x16xf32>,
          %parallel_loop3A_238 = vector.shape_cast %parallel_loop3A_237 : vector<1x16xf32> to vector<16xf32>
          %parallel_loop3A_239 = vector.shape_cast %parallel_loop3A_234 : vector<16xf32> to vector<1x16xf32>
          tpu.vector_store %arg6[%parallel_loop3A_235, %parallel_loop3A_236], %parallel_loop3A_239 {strides = array<i32>} : memref<80x512xf32, #tpu.memory_space<vmem>>, vector<1x16xf32>,
          %parallel_loop3A_240 = arith.index_cast %parallel_loop3A_95 : i32 to index
          %parallel_loop3A_241 = arith.constant 256 : index
          %parallel_loop3A_242 = tpu.vector_load %arg5[%parallel_loop3A_240, %parallel_loop3A_241] {strides = array<i32>} : memref<87x512xf32, #tpu.memory_space<vmem>>, vector<1x16xf32>,
          %parallel_loop3A_243 = vector.shape_cast %parallel_loop3A_242 : vector<1x16xf32> to vector<16xf32>
          %parallel_loop3A_244 = arith.index_cast %parallel_loop3A_88 : i32 to index
          %parallel_loop3A_245 = arith.constant 256 : index
          %parallel_loop3A_246 = tpu.vector_load %arg6[%parallel_loop3A_244, %parallel_loop3A_245] {strides = array<i32>} : memref<80x512xf32, #tpu.memory_space<vmem>>, vector<1x16xf32>,
          %parallel_loop3A_247 = vector.shape_cast %parallel_loop3A_246 : vector<1x16xf32> to vector<16xf32>
          %parallel_loop3A_248 = vector.shape_cast %parallel_loop3A_243 : vector<16xf32> to vector<1x16xf32>
          tpu.vector_store %arg6[%parallel_loop3A_244, %parallel_loop3A_245], %parallel_loop3A_248 {strides = array<i32>} : memref<80x512xf32, #tpu.memory_space<vmem>>, vector<1x16xf32>,
          %parallel_loop3A_249 = arith.index_cast %parallel_loop3A_95 : i32 to index
          %parallel_loop3A_250 = arith.constant 272 : index
          %parallel_loop3A_251 = tpu.vector_load %arg5[%parallel_loop3A_249, %parallel_loop3A_250] {strides = array<i32>} : memref<87x512xf32, #tpu.memory_space<vmem>>, vector<1x16xf32>,
          %parallel_loop3A_252 = vector.shape_cast %parallel_loop3A_251 : vector<1x16xf32> to vector<16xf32>
          %parallel_loop3A_253 = arith.index_cast %parallel_loop3A_88 : i32 to index
          %parallel_loop3A_254 = arith.constant 272 : index
          %parallel_loop3A_255 = tpu.vector_load %arg6[%parallel_loop3A_253, %parallel_loop3A_254] {strides = array<i32>} : memref<80x512xf32, #tpu.memory_space<vmem>>, vector<1x16xf32>,
          %parallel_loop3A_256 = vector.shape_cast %parallel_loop3A_255 : vector<1x16xf32> to vector<16xf32>
          %parallel_loop3A_257 = vector.shape_cast %parallel_loop3A_252 : vector<16xf32> to vector<1x16xf32>
          tpu.vector_store %arg6[%parallel_loop3A_253, %parallel_loop3A_254], %parallel_loop3A_257 {strides = array<i32>} : memref<80x512xf32, #tpu.memory_space<vmem>>, vector<1x16xf32>,
          %parallel_loop3A_258 = arith.index_cast %parallel_loop3A_95 : i32 to index
          %parallel_loop3A_259 = arith.constant 288 : index
          %parallel_loop3A_260 = tpu.vector_load %arg5[%parallel_loop3A_258, %parallel_loop3A_259] {strides = array<i32>} : memref<87x512xf32, #tpu.memory_space<vmem>>, vector<1x16xf32>,
          %parallel_loop3A_261 = vector.shape_cast %parallel_loop3A_260 : vector<1x16xf32> to vector<16xf32>
          %parallel_loop3A_262 = arith.index_cast %parallel_loop3A_88 : i32 to index
          %parallel_loop3A_263 = arith.constant 288 : index
          %parallel_loop3A_264 = tpu.vector_load %arg6[%parallel_loop3A_262, %parallel_loop3A_263] {strides = array<i32>} : memref<80x512xf32, #tpu.memory_space<vmem>>, vector<1x16xf32>,
          %parallel_loop3A_265 = vector.shape_cast %parallel_loop3A_264 : vector<1x16xf32> to vector<16xf32>
          %parallel_loop3A_266 = vector.shape_cast %parallel_loop3A_261 : vector<16xf32> to vector<1x16xf32>
          tpu.vector_store %arg6[%parallel_loop3A_262, %parallel_loop3A_263], %parallel_loop3A_266 {strides = array<i32>} : memref<80x512xf32, #tpu.memory_space<vmem>>, vector<1x16xf32>,
          %parallel_loop3A_267 = arith.index_cast %parallel_loop3A_95 : i32 to index
          %parallel_loop3A_268 = arith.constant 304 : index
          %parallel_loop3A_269 = tpu.vector_load %arg5[%parallel_loop3A_267, %parallel_loop3A_268] {strides = array<i32>} : memref<87x512xf32, #tpu.memory_space<vmem>>, vector<1x16xf32>,
          %parallel_loop3A_270 = vector.shape_cast %parallel_loop3A_269 : vector<1x16xf32> to vector<16xf32>
          %parallel_loop3A_271 = arith.index_cast %parallel_loop3A_88 : i32 to index
          %parallel_loop3A_272 = arith.constant 304 : index
          %parallel_loop3A_273 = tpu.vector_load %arg6[%parallel_loop3A_271, %parallel_loop3A_272] {strides = array<i32>} : memref<80x512xf32, #tpu.memory_space<vmem>>, vector<1x16xf32>,
          %parallel_loop3A_274 = vector.shape_cast %parallel_loop3A_273 : vector<1x16xf32> to vector<16xf32>
          %parallel_loop3A_275 = vector.shape_cast %parallel_loop3A_270 : vector<16xf32> to vector<1x16xf32>
          tpu.vector_store %arg6[%parallel_loop3A_271, %parallel_loop3A_272], %parallel_loop3A_275 {strides = array<i32>} : memref<80x512xf32, #tpu.memory_space<vmem>>, vector<1x16xf32>,
          %parallel_loop3A_276 = arith.index_cast %parallel_loop3A_95 : i32 to index
          %parallel_loop3A_277 = arith.constant 320 : index
          %parallel_loop3A_278 = tpu.vector_load %arg5[%parallel_loop3A_276, %parallel_loop3A_277] {strides = array<i32>} : memref<87x512xf32, #tpu.memory_space<vmem>>, vector<1x16xf32>,
          %parallel_loop3A_279 = vector.shape_cast %parallel_loop3A_278 : vector<1x16xf32> to vector<16xf32>
          %parallel_loop3A_280 = arith.index_cast %parallel_loop3A_88 : i32 to index
          %parallel_loop3A_281 = arith.constant 320 : index
          %parallel_loop3A_282 = tpu.vector_load %arg6[%parallel_loop3A_280, %parallel_loop3A_281] {strides = array<i32>} : memref<80x512xf32, #tpu.memory_space<vmem>>, vector<1x16xf32>,
          %parallel_loop3A_283 = vector.shape_cast %parallel_loop3A_282 : vector<1x16xf32> to vector<16xf32>
          %parallel_loop3A_284 = vector.shape_cast %parallel_loop3A_279 : vector<16xf32> to vector<1x16xf32>
          tpu.vector_store %arg6[%parallel_loop3A_280, %parallel_loop3A_281], %parallel_loop3A_284 {strides = array<i32>} : memref<80x512xf32, #tpu.memory_space<vmem>>, vector<1x16xf32>,
          %parallel_loop3A_285 = arith.index_cast %parallel_loop3A_95 : i32 to index
          %parallel_loop3A_286 = arith.constant 336 : index
          %parallel_loop3A_287 = tpu.vector_load %arg5[%parallel_loop3A_285, %parallel_loop3A_286] {strides = array<i32>} : memref<87x512xf32, #tpu.memory_space<vmem>>, vector<1x16xf32>,
          %parallel_loop3A_288 = vector.shape_cast %parallel_loop3A_287 : vector<1x16xf32> to vector<16xf32>
          %parallel_loop3A_289 = arith.index_cast %parallel_loop3A_88 : i32 to index
          %parallel_loop3A_290 = arith.constant 336 : index
          %parallel_loop3A_291 = tpu.vector_load %arg6[%parallel_loop3A_289, %parallel_loop3A_290] {strides = array<i32>} : memref<80x512xf32, #tpu.memory_space<vmem>>, vector<1x16xf32>,
          %parallel_loop3A_292 = vector.shape_cast %parallel_loop3A_291 : vector<1x16xf32> to vector<16xf32>
          %parallel_loop3A_293 = vector.shape_cast %parallel_loop3A_288 : vector<16xf32> to vector<1x16xf32>
          tpu.vector_store %arg6[%parallel_loop3A_289, %parallel_loop3A_290], %parallel_loop3A_293 {strides = array<i32>} : memref<80x512xf32, #tpu.memory_space<vmem>>, vector<1x16xf32>,
          %parallel_loop3A_294 = arith.index_cast %parallel_loop3A_95 : i32 to index
          %parallel_loop3A_295 = arith.constant 352 : index
          %parallel_loop3A_296 = tpu.vector_load %arg5[%parallel_loop3A_294, %parallel_loop3A_295] {strides = array<i32>} : memref<87x512xf32, #tpu.memory_space<vmem>>, vector<1x16xf32>,
          %parallel_loop3A_297 = vector.shape_cast %parallel_loop3A_296 : vector<1x16xf32> to vector<16xf32>
          %parallel_loop3A_298 = arith.index_cast %parallel_loop3A_88 : i32 to index
          %parallel_loop3A_299 = arith.constant 352 : index
          %parallel_loop3A_300 = tpu.vector_load %arg6[%parallel_loop3A_298, %parallel_loop3A_299] {strides = array<i32>} : memref<80x512xf32, #tpu.memory_space<vmem>>, vector<1x16xf32>,
          %parallel_loop3A_301 = vector.shape_cast %parallel_loop3A_300 : vector<1x16xf32> to vector<16xf32>
          %parallel_loop3A_302 = vector.shape_cast %parallel_loop3A_297 : vector<16xf32> to vector<1x16xf32>
          tpu.vector_store %arg6[%parallel_loop3A_298, %parallel_loop3A_299], %parallel_loop3A_302 {strides = array<i32>} : memref<80x512xf32, #tpu.memory_space<vmem>>, vector<1x16xf32>,
          %parallel_loop3A_303 = arith.index_cast %parallel_loop3A_95 : i32 to index
          %parallel_loop3A_304 = arith.constant 368 : index
          %parallel_loop3A_305 = tpu.vector_load %arg5[%parallel_loop3A_303, %parallel_loop3A_304] {strides = array<i32>} : memref<87x512xf32, #tpu.memory_space<vmem>>, vector<1x16xf32>,
          %parallel_loop3A_306 = vector.shape_cast %parallel_loop3A_305 : vector<1x16xf32> to vector<16xf32>
          %parallel_loop3A_307 = arith.index_cast %parallel_loop3A_88 : i32 to index
          %parallel_loop3A_308 = arith.constant 368 : index
          %parallel_loop3A_309 = tpu.vector_load %arg6[%parallel_loop3A_307, %parallel_loop3A_308] {strides = array<i32>} : memref<80x512xf32, #tpu.memory_space<vmem>>, vector<1x16xf32>,
          %parallel_loop3A_310 = vector.shape_cast %parallel_loop3A_309 : vector<1x16xf32> to vector<16xf32>
          %parallel_loop3A_311 = vector.shape_cast %parallel_loop3A_306 : vector<16xf32> to vector<1x16xf32>
          tpu.vector_store %arg6[%parallel_loop3A_307, %parallel_loop3A_308], %parallel_loop3A_311 {strides = array<i32>} : memref<80x512xf32, #tpu.memory_space<vmem>>, vector<1x16xf32>,
          %parallel_loop3A_312 = arith.index_cast %parallel_loop3A_95 : i32 to index
          %parallel_loop3A_313 = arith.constant 384 : index
          %parallel_loop3A_314 = tpu.vector_load %arg5[%parallel_loop3A_312, %parallel_loop3A_313] {strides = array<i32>} : memref<87x512xf32, #tpu.memory_space<vmem>>, vector<1x16xf32>,
          %parallel_loop3A_315 = vector.shape_cast %parallel_loop3A_314 : vector<1x16xf32> to vector<16xf32>
          %parallel_loop3A_316 = arith.index_cast %parallel_loop3A_88 : i32 to index
          %parallel_loop3A_317 = arith.constant 384 : index
          %parallel_loop3A_318 = tpu.vector_load %arg6[%parallel_loop3A_316, %parallel_loop3A_317] {strides = array<i32>} : memref<80x512xf32, #tpu.memory_space<vmem>>, vector<1x16xf32>,
          %parallel_loop3A_319 = vector.shape_cast %parallel_loop3A_318 : vector<1x16xf32> to vector<16xf32>
          %parallel_loop3A_320 = vector.shape_cast %parallel_loop3A_315 : vector<16xf32> to vector<1x16xf32>
          tpu.vector_store %arg6[%parallel_loop3A_316, %parallel_loop3A_317], %parallel_loop3A_320 {strides = array<i32>} : memref<80x512xf32, #tpu.memory_space<vmem>>, vector<1x16xf32>,
          %parallel_loop3A_321 = arith.index_cast %parallel_loop3A_95 : i32 to index
          %parallel_loop3A_322 = arith.constant 400 : index
          %parallel_loop3A_323 = tpu.vector_load %arg5[%parallel_loop3A_321, %parallel_loop3A_322] {strides = array<i32>} : memref<87x512xf32, #tpu.memory_space<vmem>>, vector<1x16xf32>,
          %parallel_loop3A_324 = vector.shape_cast %parallel_loop3A_323 : vector<1x16xf32> to vector<16xf32>
          %parallel_loop3A_325 = arith.index_cast %parallel_loop3A_88 : i32 to index
          %parallel_loop3A_326 = arith.constant 400 : index
          %parallel_loop3A_327 = tpu.vector_load %arg6[%parallel_loop3A_325, %parallel_loop3A_326] {strides = array<i32>} : memref<80x512xf32, #tpu.memory_space<vmem>>, vector<1x16xf32>,
          %parallel_loop3A_328 = vector.shape_cast %parallel_loop3A_327 : vector<1x16xf32> to vector<16xf32>
          %parallel_loop3A_329 = vector.shape_cast %parallel_loop3A_324 : vector<16xf32> to vector<1x16xf32>
          tpu.vector_store %arg6[%parallel_loop3A_325, %parallel_loop3A_326], %parallel_loop3A_329 {strides = array<i32>} : memref<80x512xf32, #tpu.memory_space<vmem>>, vector<1x16xf32>,
          %parallel_loop3A_330 = arith.index_cast %parallel_loop3A_95 : i32 to index
          %parallel_loop3A_331 = arith.constant 416 : index
          %parallel_loop3A_332 = tpu.vector_load %arg5[%parallel_loop3A_330, %parallel_loop3A_331] {strides = array<i32>} : memref<87x512xf32, #tpu.memory_space<vmem>>, vector<1x16xf32>,
          %parallel_loop3A_333 = vector.shape_cast %parallel_loop3A_332 : vector<1x16xf32> to vector<16xf32>
          %parallel_loop3A_334 = arith.index_cast %parallel_loop3A_88 : i32 to index
          %parallel_loop3A_335 = arith.constant 416 : index
          %parallel_loop3A_336 = tpu.vector_load %arg6[%parallel_loop3A_334, %parallel_loop3A_335] {strides = array<i32>} : memref<80x512xf32, #tpu.memory_space<vmem>>, vector<1x16xf32>,
          %parallel_loop3A_337 = vector.shape_cast %parallel_loop3A_336 : vector<1x16xf32> to vector<16xf32>
          %parallel_loop3A_338 = vector.shape_cast %parallel_loop3A_333 : vector<16xf32> to vector<1x16xf32>
          tpu.vector_store %arg6[%parallel_loop3A_334, %parallel_loop3A_335], %parallel_loop3A_338 {strides = array<i32>} : memref<80x512xf32, #tpu.memory_space<vmem>>, vector<1x16xf32>,
          %parallel_loop3A_339 = arith.index_cast %parallel_loop3A_95 : i32 to index
          %parallel_loop3A_340 = arith.constant 432 : index
          %parallel_loop3A_341 = tpu.vector_load %arg5[%parallel_loop3A_339, %parallel_loop3A_340] {strides = array<i32>} : memref<87x512xf32, #tpu.memory_space<vmem>>, vector<1x16xf32>,
          %parallel_loop3A_342 = vector.shape_cast %parallel_loop3A_341 : vector<1x16xf32> to vector<16xf32>
          %parallel_loop3A_343 = arith.index_cast %parallel_loop3A_88 : i32 to index
          %parallel_loop3A_344 = arith.constant 432 : index
          %parallel_loop3A_345 = tpu.vector_load %arg6[%parallel_loop3A_343, %parallel_loop3A_344] {strides = array<i32>} : memref<80x512xf32, #tpu.memory_space<vmem>>, vector<1x16xf32>,
          %parallel_loop3A_346 = vector.shape_cast %parallel_loop3A_345 : vector<1x16xf32> to vector<16xf32>
          %parallel_loop3A_347 = vector.shape_cast %parallel_loop3A_342 : vector<16xf32> to vector<1x16xf32>
          tpu.vector_store %arg6[%parallel_loop3A_343, %parallel_loop3A_344], %parallel_loop3A_347 {strides = array<i32>} : memref<80x512xf32, #tpu.memory_space<vmem>>, vector<1x16xf32>,
          %parallel_loop3A_348 = arith.index_cast %parallel_loop3A_95 : i32 to index
          %parallel_loop3A_349 = arith.constant 448 : index
          %parallel_loop3A_350 = tpu.vector_load %arg5[%parallel_loop3A_348, %parallel_loop3A_349] {strides = array<i32>} : memref<87x512xf32, #tpu.memory_space<vmem>>, vector<1x16xf32>,
          %parallel_loop3A_351 = vector.shape_cast %parallel_loop3A_350 : vector<1x16xf32> to vector<16xf32>
          %parallel_loop3A_352 = arith.index_cast %parallel_loop3A_88 : i32 to index
          %parallel_loop3A_353 = arith.constant 448 : index
          %parallel_loop3A_354 = tpu.vector_load %arg6[%parallel_loop3A_352, %parallel_loop3A_353] {strides = array<i32>} : memref<80x512xf32, #tpu.memory_space<vmem>>, vector<1x16xf32>,
          %parallel_loop3A_355 = vector.shape_cast %parallel_loop3A_354 : vector<1x16xf32> to vector<16xf32>
          %parallel_loop3A_356 = vector.shape_cast %parallel_loop3A_351 : vector<16xf32> to vector<1x16xf32>
          tpu.vector_store %arg6[%parallel_loop3A_352, %parallel_loop3A_353], %parallel_loop3A_356 {strides = array<i32>} : memref<80x512xf32, #tpu.memory_space<vmem>>, vector<1x16xf32>,
          %parallel_loop3A_357 = arith.index_cast %parallel_loop3A_95 : i32 to index
          %parallel_loop3A_358 = arith.constant 464 : index
          %parallel_loop3A_359 = tpu.vector_load %arg5[%parallel_loop3A_357, %parallel_loop3A_358] {strides = array<i32>} : memref<87x512xf32, #tpu.memory_space<vmem>>, vector<1x16xf32>,
          %parallel_loop3A_360 = vector.shape_cast %parallel_loop3A_359 : vector<1x16xf32> to vector<16xf32>
          %parallel_loop3A_361 = arith.index_cast %parallel_loop3A_88 : i32 to index
          %parallel_loop3A_362 = arith.constant 464 : index
          %parallel_loop3A_363 = tpu.vector_load %arg6[%parallel_loop3A_361, %parallel_loop3A_362] {strides = array<i32>} : memref<80x512xf32, #tpu.memory_space<vmem>>, vector<1x16xf32>,
          %parallel_loop3A_364 = vector.shape_cast %parallel_loop3A_363 : vector<1x16xf32> to vector<16xf32>
          %parallel_loop3A_365 = vector.shape_cast %parallel_loop3A_360 : vector<16xf32> to vector<1x16xf32>
          tpu.vector_store %arg6[%parallel_loop3A_361, %parallel_loop3A_362], %parallel_loop3A_365 {strides = array<i32>} : memref<80x512xf32, #tpu.memory_space<vmem>>, vector<1x16xf32>,
          %parallel_loop3A_366 = arith.index_cast %parallel_loop3A_95 : i32 to index
          %parallel_loop3A_367 = arith.constant 480 : index
          %parallel_loop3A_368 = tpu.vector_load %arg5[%parallel_loop3A_366, %parallel_loop3A_367] {strides = array<i32>} : memref<87x512xf32, #tpu.memory_space<vmem>>, vector<1x16xf32>,
          %parallel_loop3A_369 = vector.shape_cast %parallel_loop3A_368 : vector<1x16xf32> to vector<16xf32>
          %parallel_loop3A_370 = arith.index_cast %parallel_loop3A_88 : i32 to index
          %parallel_loop3A_371 = arith.constant 480 : index
          %parallel_loop3A_372 = tpu.vector_load %arg6[%parallel_loop3A_370, %parallel_loop3A_371] {strides = array<i32>} : memref<80x512xf32, #tpu.memory_space<vmem>>, vector<1x16xf32>,
          %parallel_loop3A_373 = vector.shape_cast %parallel_loop3A_372 : vector<1x16xf32> to vector<16xf32>
          %parallel_loop3A_374 = vector.shape_cast %parallel_loop3A_369 : vector<16xf32> to vector<1x16xf32>
          tpu.vector_store %arg6[%parallel_loop3A_370, %parallel_loop3A_371], %parallel_loop3A_374 {strides = array<i32>} : memref<80x512xf32, #tpu.memory_space<vmem>>, vector<1x16xf32>,
          %parallel_loop3A_375 = arith.index_cast %parallel_loop3A_95 : i32 to index
          %parallel_loop3A_376 = arith.constant 496 : index
          %parallel_loop3A_377 = tpu.vector_load %arg5[%parallel_loop3A_375, %parallel_loop3A_376] {strides = array<i32>} : memref<87x512xf32, #tpu.memory_space<vmem>>, vector<1x16xf32>,
          %parallel_loop3A_378 = vector.shape_cast %parallel_loop3A_377 : vector<1x16xf32> to vector<16xf32>
          %parallel_loop3A_379 = arith.index_cast %parallel_loop3A_88 : i32 to index
          %parallel_loop3A_380 = arith.constant 496 : index
          %parallel_loop3A_381 = tpu.vector_load %arg6[%parallel_loop3A_379, %parallel_loop3A_380] {strides = array<i32>} : memref<80x512xf32, #tpu.memory_space<vmem>>, vector<1x16xf32>,
          %parallel_loop3A_382 = vector.shape_cast %parallel_loop3A_381 : vector<1x16xf32> to vector<16xf32>
          %parallel_loop3A_383 = vector.shape_cast %parallel_loop3A_378 : vector<16xf32> to vector<1x16xf32>
          tpu.vector_store %arg6[%parallel_loop3A_379, %parallel_loop3A_380], %parallel_loop3A_383 {strides = array<i32>} : memref<80x512xf32, #tpu.memory_space<vmem>>, vector<1x16xf32>,
        } {sc.loop_unroll_factor = 8 : i64, sc.parallel_access}
        %add3A_75 = arith.constant 2 : i32
        %add3A_76 = arith.addi %add3A_32, %add3A_75 : i32
        %mul3A_77 = arith.constant 32 : i32
        %mul3A_78 = arith.muli %add3A_76, %mul3A_77 : i32
        %add3A_79 = arith.addi %add3A, %mul3A_78 : i32
        %lt3A_80 = arith.constant 1250 : i32
        %lt3A_81 = arith.cmpi slt, %add3A_79, %lt3A_80 : i32
        %convert_element_type3A_82 = arith.extui %lt3A_81 : i1 to i32
        %cond3A_83 = arith.constant 0 : i32
        %cond3A_84 = arith.cmpi ne, %convert_element_type3A_82, %cond3A_83 : i32
        scf.if %cond3A_84 {
          %mul3A_88 = arith.constant 32 : i32
          %mul3A_89 = arith.muli %add3A_76, %mul3A_88 : i32
          %add3A_90 = arith.addi %add3A, %mul3A_89 : i32
          %mul3A_91 = arith.constant 80 : i32
          %mul3A_92 = arith.muli %add3A_90, %mul3A_91 : i32
          %dma_start3A_93 = arith.constant 0 : i32
          %dma_start3A_94 = arith.constant 0 : i32
          %dma_start3A_95 = tpu.memref_slice %arg8[%dma_start3A_93, %dma_start3A_94] : memref<2x96xi32, #tpu.memory_space<vmem>> -> memref<1x80xi32, #tpu.memory_space<vmem>>
          %dma_start3A_96 = tpu.memref_squeeze %dma_start3A_95 : memref<1x80xi32, #tpu.memory_space<vmem>> -> memref<80xi32, #tpu.memory_space<vmem>>
          %dma_start3A_97 = tpu.memref_slice %arg3[%mul3A_92] : memref<100000xi32, #tpu.memory_space<hbm>> -> memref<80xi32, #tpu.memory_space<hbm>>
          %dma_start3A_98 = arith.constant 0 : i32
          %dma_start3A_99 = tpu.memref_slice %arg8[%dma_start3A_93, %dma_start3A_98] : memref<2x96xi32, #tpu.memory_space<vmem>> -> memref<1x80xi32, #tpu.memory_space<vmem>>
          %dma_start3A_100 = tpu.memref_squeeze %dma_start3A_99 : memref<1x80xi32, #tpu.memory_space<vmem>> -> memref<80xi32, #tpu.memory_space<vmem>>
          %dma_start3A_101 = tpu.memref_slice %arg3[%mul3A_92] : memref<100000xi32, #tpu.memory_space<hbm>> -> memref<80xi32, #tpu.memory_space<hbm>>
          tpu.enqueue_dma source(%dma_start3A_101 : memref<80xi32, #tpu.memory_space<hbm>>) target(%dma_start3A_100 : memref<80xi32, #tpu.memory_space<vmem>>) target_semaphore(%arg11 : memref<!tpu.dma_semaphore, #tpu.memory_space<semaphore_mem>>)
        } else {
        }
        %dma_start3A = arith.constant 0 : i32
        %dma_start3A_85 = tpu.memref_slice %arg4[%mul3A_57, %dma_start3A] : memref<100000x512xf32, #tpu.memory_space<hbm>> -> memref<80x512xf32, #tpu.memory_space<hbm>>
        %dma_start3A_86 = arith.constant 0 : i32
        %dma_start3A_87 = tpu.memref_slice %arg4[%mul3A_57, %dma_start3A_86] : memref<100000x512xf32, #tpu.memory_space<hbm>> -> memref<80x512xf32, #tpu.memory_space<hbm>>
        tpu.enqueue_dma source(%arg6 : memref<80x512xf32, #tpu.memory_space<vmem>>) target(%dma_start3A_87 : memref<80x512xf32, #tpu.memory_space<hbm>>) target_semaphore(%arg9 : memref<!tpu.dma_semaphore, #tpu.memory_space<semaphore_mem>>)
      } else {
      }
      %mul3A_42 = arith.constant 2 : i32
      %mul3A_43 = arith.muli %mul3A_42, %scan3A_28 : i32
      %add3A_44 = arith.constant 1 : i32
      %add3A_45 = arith.addi %mul3A_43, %add3A_44 : i32
      %eq3A_46 = arith.constant 0 : i32
      %eq3A_47 = arith.cmpi eq, %scan3A_28, %eq3A_46 : i32
      %mul3A_48 = arith.constant 32 : i32
      %mul3A_49 = arith.muli %add3A_45, %mul3A_48 : i32
      %add3A_50 = arith.addi %add3A, %mul3A_49 : i32
      %lt3A_51 = arith.constant 1250 : i32
      %lt3A_52 = arith.cmpi slt, %add3A_50, %lt3A_51 : i32
      %convert_element_type3A_53 = arith.extui %lt3A_52 : i1 to i32
      %cond3A_54 = arith.constant 0 : i32
      %cond3A_55 = arith.cmpi ne, %convert_element_type3A_53, %cond3A_54 : i32
      scf.if %cond3A_55 {
        %mul3A_56 = arith.constant 80 : i32
        %mul3A_57 = arith.muli %add3A_50, %mul3A_56 : i32
        %dma_wait3A_58 = arith.constant 1 : i32
        %dma_wait3A_59 = arith.constant 0 : i32
        %dma_wait3A_60 = tpu.memref_slice %arg8[%dma_wait3A_58, %dma_wait3A_59] : memref<2x96xi32, #tpu.memory_space<vmem>> -> memref<1x80xi32, #tpu.memory_space<vmem>>
        %dma_wait3A_61 = tpu.memref_squeeze %dma_wait3A_60 : memref<1x80xi32, #tpu.memory_space<vmem>> -> memref<80xi32, #tpu.memory_space<vmem>>
        %dma_wait3A_62 = arith.constant 0 : i32
        %dma_wait3A_63 = tpu.memref_slice %arg3[%dma_wait3A_62] : memref<100000xi32, #tpu.memory_space<hbm>> -> memref<80xi32, #tpu.memory_space<hbm>>
        %dma_wait3A_64 = arith.constant 0 : i32
        %dma_wait3A_65 = tpu.memref_slice %arg8[%dma_wait3A_58, %dma_wait3A_64] : memref<2x96xi32, #tpu.memory_space<vmem>> -> memref<1x80xi32, #tpu.memory_space<vmem>>
        %dma_wait3A_66 = tpu.memref_squeeze %dma_wait3A_65 : memref<1x80xi32, #tpu.memory_space<vmem>> -> memref<80xi32, #tpu.memory_space<vmem>>
        %dma_wait3A_67 = arith.constant 0 : i32
        %dma_wait3A_68 = tpu.memref_slice %arg3[%dma_wait3A_67] : memref<100000xi32, #tpu.memory_space<hbm>> -> memref<80xi32, #tpu.memory_space<hbm>>
        tpu.wait_dma2 semaphore(%arg12 : memref<!tpu.dma_semaphore, #tpu.memory_space<semaphore_mem>>) src(%dma_wait3A_68 : memref<80xi32, #tpu.memory_space<hbm>>) dst(%dma_wait3A_66 : memref<80xi32, #tpu.memory_space<vmem>>)
        %not3A = arith.constant true
        %not3A_69 = arith.xori %eq3A_47, %not3A : i1
        %convert_element_type3A_70 = arith.extui %not3A_69 : i1 to i32
        %cond3A_71 = arith.constant 0 : i32
        %cond3A_72 = arith.cmpi ne, %convert_element_type3A_70, %cond3A_71 : i32
        scf.if %cond3A_72 {
          %dma_wait3A_88 = arith.constant 0 : i32
          %dma_wait3A_89 = arith.constant 0 : i32
          %dma_wait3A_90 = tpu.memref_slice %arg4[%dma_wait3A_88, %dma_wait3A_89] : memref<100000x512xf32, #tpu.memory_space<hbm>> -> memref<80x512xf32, #tpu.memory_space<hbm>>
          %dma_wait3A_91 = arith.constant 0 : i32
          %dma_wait3A_92 = arith.constant 0 : i32
          %dma_wait3A_93 = tpu.memref_slice %arg4[%dma_wait3A_91, %dma_wait3A_92] : memref<100000x512xf32, #tpu.memory_space<hbm>> -> memref<80x512xf32, #tpu.memory_space<hbm>>
          tpu.wait_dma2 semaphore(%arg10 : memref<!tpu.dma_semaphore, #tpu.memory_space<semaphore_mem>>) src(%arg7 : memref<80x512xf32, #tpu.memory_space<vmem>>) dst(%dma_wait3A_93 : memref<80x512xf32, #tpu.memory_space<hbm>>)
        } else {
        }
        %parallel_loop3A = arith.constant 0 : i32
        %parallel_loop3A_73 = arith.constant 80 : i32
        %parallel_loop3A_74 = arith.constant 1 : i32
        scf.for %parallel_loop3A_88 = %parallel_loop3A to %parallel_loop3A_73 step %parallel_loop3A_74  : i32 {
          %parallel_loop3A_89 = arith.constant 1 : i32
          %parallel_loop3A_90 = arith.index_cast %parallel_loop3A_89 : i32 to index
          %parallel_loop3A_91 = arith.index_cast %parallel_loop3A_88 : i32 to index
          %parallel_loop3A_92 = tpu.vector_load %arg8[%parallel_loop3A_90, %parallel_loop3A_91] {strides = array<i32>} : memref<2x96xi32, #tpu.memory_space<vmem>>, vector<1x16xi32>,
          %parallel_loop3A_93 = vector.shape_cast %parallel_loop3A_92 : vector<1x16xi32> to vector<16xi32>
          %parallel_loop3A_94 = vector.extract_strided_slice %parallel_loop3A_93 {offsets = [0], sizes = [1], strides = [1]} : vector<16xi32> to vector<1xi32>
          %parallel_loop3A_95 = vector.extract %parallel_loop3A_94[0] : i32 from vector<1xi32>
          %parallel_loop3A_96 = arith.index_cast %parallel_loop3A_95 : i32 to index
          %parallel_loop3A_97 = arith.constant 0 : index
          %parallel_loop3A_98 = tpu.vector_load %arg5[%parallel_loop3A_96, %parallel_loop3A_97] {strides = array<i32>} : memref<87x512xf32, #tpu.memory_space<vmem>>, vector<1x16xf32>,
          %parallel_loop3A_99 = vector.shape_cast %parallel_loop3A_98 : vector<1x16xf32> to vector<16xf32>
          %parallel_loop3A_100 = arith.index_cast %parallel_loop3A_88 : i32 to index
          %parallel_loop3A_101 = arith.constant 0 : index
          %parallel_loop3A_102 = tpu.vector_load %arg7[%parallel_loop3A_100, %parallel_loop3A_101] {strides = array<i32>} : memref<80x512xf32, #tpu.memory_space<vmem>>, vector<1x16xf32>,
          %parallel_loop3A_103 = vector.shape_cast %parallel_loop3A_102 : vector<1x16xf32> to vector<16xf32>
          %parallel_loop3A_104 = vector.shape_cast %parallel_loop3A_99 : vector<16xf32> to vector<1x16xf32>
          tpu.vector_store %arg7[%parallel_loop3A_100, %parallel_loop3A_101], %parallel_loop3A_104 {strides = array<i32>} : memref<80x512xf32, #tpu.memory_space<vmem>>, vector<1x16xf32>,
          %parallel_loop3A_105 = arith.index_cast %parallel_loop3A_95 : i32 to index
          %parallel_loop3A_106 = arith.constant 16 : index
          %parallel_loop3A_107 = tpu.vector_load %arg5[%parallel_loop3A_105, %parallel_loop3A_106] {strides = array<i32>} : memref<87x512xf32, #tpu.memory_space<vmem>>, vector<1x16xf32>,
          %parallel_loop3A_108 = vector.shape_cast %parallel_loop3A_107 : vector<1x16xf32> to vector<16xf32>
          %parallel_loop3A_109 = arith.index_cast %parallel_loop3A_88 : i32 to index
          %parallel_loop3A_110 = arith.constant 16 : index
          %parallel_loop3A_111 = tpu.vector_load %arg7[%parallel_loop3A_109, %parallel_loop3A_110] {strides = array<i32>} : memref<80x512xf32, #tpu.memory_space<vmem>>, vector<1x16xf32>,
          %parallel_loop3A_112 = vector.shape_cast %parallel_loop3A_111 : vector<1x16xf32> to vector<16xf32>
          %parallel_loop3A_113 = vector.shape_cast %parallel_loop3A_108 : vector<16xf32> to vector<1x16xf32>
          tpu.vector_store %arg7[%parallel_loop3A_109, %parallel_loop3A_110], %parallel_loop3A_113 {strides = array<i32>} : memref<80x512xf32, #tpu.memory_space<vmem>>, vector<1x16xf32>,
          %parallel_loop3A_114 = arith.index_cast %parallel_loop3A_95 : i32 to index
          %parallel_loop3A_115 = arith.constant 32 : index
          %parallel_loop3A_116 = tpu.vector_load %arg5[%parallel_loop3A_114, %parallel_loop3A_115] {strides = array<i32>} : memref<87x512xf32, #tpu.memory_space<vmem>>, vector<1x16xf32>,
          %parallel_loop3A_117 = vector.shape_cast %parallel_loop3A_116 : vector<1x16xf32> to vector<16xf32>
          %parallel_loop3A_118 = arith.index_cast %parallel_loop3A_88 : i32 to index
          %parallel_loop3A_119 = arith.constant 32 : index
          %parallel_loop3A_120 = tpu.vector_load %arg7[%parallel_loop3A_118, %parallel_loop3A_119] {strides = array<i32>} : memref<80x512xf32, #tpu.memory_space<vmem>>, vector<1x16xf32>,
          %parallel_loop3A_121 = vector.shape_cast %parallel_loop3A_120 : vector<1x16xf32> to vector<16xf32>
          %parallel_loop3A_122 = vector.shape_cast %parallel_loop3A_117 : vector<16xf32> to vector<1x16xf32>
          tpu.vector_store %arg7[%parallel_loop3A_118, %parallel_loop3A_119], %parallel_loop3A_122 {strides = array<i32>} : memref<80x512xf32, #tpu.memory_space<vmem>>, vector<1x16xf32>,
          %parallel_loop3A_123 = arith.index_cast %parallel_loop3A_95 : i32 to index
          %parallel_loop3A_124 = arith.constant 48 : index
          %parallel_loop3A_125 = tpu.vector_load %arg5[%parallel_loop3A_123, %parallel_loop3A_124] {strides = array<i32>} : memref<87x512xf32, #tpu.memory_space<vmem>>, vector<1x16xf32>,
          %parallel_loop3A_126 = vector.shape_cast %parallel_loop3A_125 : vector<1x16xf32> to vector<16xf32>
          %parallel_loop3A_127 = arith.index_cast %parallel_loop3A_88 : i32 to index
          %parallel_loop3A_128 = arith.constant 48 : index
          %parallel_loop3A_129 = tpu.vector_load %arg7[%parallel_loop3A_127, %parallel_loop3A_128] {strides = array<i32>} : memref<80x512xf32, #tpu.memory_space<vmem>>, vector<1x16xf32>,
          %parallel_loop3A_130 = vector.shape_cast %parallel_loop3A_129 : vector<1x16xf32> to vector<16xf32>
          %parallel_loop3A_131 = vector.shape_cast %parallel_loop3A_126 : vector<16xf32> to vector<1x16xf32>
          tpu.vector_store %arg7[%parallel_loop3A_127, %parallel_loop3A_128], %parallel_loop3A_131 {strides = array<i32>} : memref<80x512xf32, #tpu.memory_space<vmem>>, vector<1x16xf32>,
          %parallel_loop3A_132 = arith.index_cast %parallel_loop3A_95 : i32 to index
          %parallel_loop3A_133 = arith.constant 64 : index
          %parallel_loop3A_134 = tpu.vector_load %arg5[%parallel_loop3A_132, %parallel_loop3A_133] {strides = array<i32>} : memref<87x512xf32, #tpu.memory_space<vmem>>, vector<1x16xf32>,
          %parallel_loop3A_135 = vector.shape_cast %parallel_loop3A_134 : vector<1x16xf32> to vector<16xf32>
          %parallel_loop3A_136 = arith.index_cast %parallel_loop3A_88 : i32 to index
          %parallel_loop3A_137 = arith.constant 64 : index
          %parallel_loop3A_138 = tpu.vector_load %arg7[%parallel_loop3A_136, %parallel_loop3A_137] {strides = array<i32>} : memref<80x512xf32, #tpu.memory_space<vmem>>, vector<1x16xf32>,
          %parallel_loop3A_139 = vector.shape_cast %parallel_loop3A_138 : vector<1x16xf32> to vector<16xf32>
          %parallel_loop3A_140 = vector.shape_cast %parallel_loop3A_135 : vector<16xf32> to vector<1x16xf32>
          tpu.vector_store %arg7[%parallel_loop3A_136, %parallel_loop3A_137], %parallel_loop3A_140 {strides = array<i32>} : memref<80x512xf32, #tpu.memory_space<vmem>>, vector<1x16xf32>,
          %parallel_loop3A_141 = arith.index_cast %parallel_loop3A_95 : i32 to index
          %parallel_loop3A_142 = arith.constant 80 : index
          %parallel_loop3A_143 = tpu.vector_load %arg5[%parallel_loop3A_141, %parallel_loop3A_142] {strides = array<i32>} : memref<87x512xf32, #tpu.memory_space<vmem>>, vector<1x16xf32>,
          %parallel_loop3A_144 = vector.shape_cast %parallel_loop3A_143 : vector<1x16xf32> to vector<16xf32>
          %parallel_loop3A_145 = arith.index_cast %parallel_loop3A_88 : i32 to index
          %parallel_loop3A_146 = arith.constant 80 : index
          %parallel_loop3A_147 = tpu.vector_load %arg7[%parallel_loop3A_145, %parallel_loop3A_146] {strides = array<i32>} : memref<80x512xf32, #tpu.memory_space<vmem>>, vector<1x16xf32>,
          %parallel_loop3A_148 = vector.shape_cast %parallel_loop3A_147 : vector<1x16xf32> to vector<16xf32>
          %parallel_loop3A_149 = vector.shape_cast %parallel_loop3A_144 : vector<16xf32> to vector<1x16xf32>
          tpu.vector_store %arg7[%parallel_loop3A_145, %parallel_loop3A_146], %parallel_loop3A_149 {strides = array<i32>} : memref<80x512xf32, #tpu.memory_space<vmem>>, vector<1x16xf32>,
          %parallel_loop3A_150 = arith.index_cast %parallel_loop3A_95 : i32 to index
          %parallel_loop3A_151 = arith.constant 96 : index
          %parallel_loop3A_152 = tpu.vector_load %arg5[%parallel_loop3A_150, %parallel_loop3A_151] {strides = array<i32>} : memref<87x512xf32, #tpu.memory_space<vmem>>, vector<1x16xf32>,
          %parallel_loop3A_153 = vector.shape_cast %parallel_loop3A_152 : vector<1x16xf32> to vector<16xf32>
          %parallel_loop3A_154 = arith.index_cast %parallel_loop3A_88 : i32 to index
          %parallel_loop3A_155 = arith.constant 96 : index
          %parallel_loop3A_156 = tpu.vector_load %arg7[%parallel_loop3A_154, %parallel_loop3A_155] {strides = array<i32>} : memref<80x512xf32, #tpu.memory_space<vmem>>, vector<1x16xf32>,
          %parallel_loop3A_157 = vector.shape_cast %parallel_loop3A_156 : vector<1x16xf32> to vector<16xf32>
          %parallel_loop3A_158 = vector.shape_cast %parallel_loop3A_153 : vector<16xf32> to vector<1x16xf32>
          tpu.vector_store %arg7[%parallel_loop3A_154, %parallel_loop3A_155], %parallel_loop3A_158 {strides = array<i32>} : memref<80x512xf32, #tpu.memory_space<vmem>>, vector<1x16xf32>,
          %parallel_loop3A_159 = arith.index_cast %parallel_loop3A_95 : i32 to index
          %parallel_loop3A_160 = arith.constant 112 : index
          %parallel_loop3A_161 = tpu.vector_load %arg5[%parallel_loop3A_159, %parallel_loop3A_160] {strides = array<i32>} : memref<87x512xf32, #tpu.memory_space<vmem>>, vector<1x16xf32>,
          %parallel_loop3A_162 = vector.shape_cast %parallel_loop3A_161 : vector<1x16xf32> to vector<16xf32>
          %parallel_loop3A_163 = arith.index_cast %parallel_loop3A_88 : i32 to index
          %parallel_loop3A_164 = arith.constant 112 : index
          %parallel_loop3A_165 = tpu.vector_load %arg7[%parallel_loop3A_163, %parallel_loop3A_164] {strides = array<i32>} : memref<80x512xf32, #tpu.memory_space<vmem>>, vector<1x16xf32>,
          %parallel_loop3A_166 = vector.shape_cast %parallel_loop3A_165 : vector<1x16xf32> to vector<16xf32>
          %parallel_loop3A_167 = vector.shape_cast %parallel_loop3A_162 : vector<16xf32> to vector<1x16xf32>
          tpu.vector_store %arg7[%parallel_loop3A_163, %parallel_loop3A_164], %parallel_loop3A_167 {strides = array<i32>} : memref<80x512xf32, #tpu.memory_space<vmem>>, vector<1x16xf32>,
          %parallel_loop3A_168 = arith.index_cast %parallel_loop3A_95 : i32 to index
          %parallel_loop3A_169 = arith.constant 128 : index
          %parallel_loop3A_170 = tpu.vector_load %arg5[%parallel_loop3A_168, %parallel_loop3A_169] {strides = array<i32>} : memref<87x512xf32, #tpu.memory_space<vmem>>, vector<1x16xf32>,
          %parallel_loop3A_171 = vector.shape_cast %parallel_loop3A_170 : vector<1x16xf32> to vector<16xf32>
          %parallel_loop3A_172 = arith.index_cast %parallel_loop3A_88 : i32 to index
          %parallel_loop3A_173 = arith.constant 128 : index
          %parallel_loop3A_174 = tpu.vector_load %arg7[%parallel_loop3A_172, %parallel_loop3A_173] {strides = array<i32>} : memref<80x512xf32, #tpu.memory_space<vmem>>, vector<1x16xf32>,
          %parallel_loop3A_175 = vector.shape_cast %parallel_loop3A_174 : vector<1x16xf32> to vector<16xf32>
          %parallel_loop3A_176 = vector.shape_cast %parallel_loop3A_171 : vector<16xf32> to vector<1x16xf32>
          tpu.vector_store %arg7[%parallel_loop3A_172, %parallel_loop3A_173], %parallel_loop3A_176 {strides = array<i32>} : memref<80x512xf32, #tpu.memory_space<vmem>>, vector<1x16xf32>,
          %parallel_loop3A_177 = arith.index_cast %parallel_loop3A_95 : i32 to index
          %parallel_loop3A_178 = arith.constant 144 : index
          %parallel_loop3A_179 = tpu.vector_load %arg5[%parallel_loop3A_177, %parallel_loop3A_178] {strides = array<i32>} : memref<87x512xf32, #tpu.memory_space<vmem>>, vector<1x16xf32>,
          %parallel_loop3A_180 = vector.shape_cast %parallel_loop3A_179 : vector<1x16xf32> to vector<16xf32>
          %parallel_loop3A_181 = arith.index_cast %parallel_loop3A_88 : i32 to index
          %parallel_loop3A_182 = arith.constant 144 : index
          %parallel_loop3A_183 = tpu.vector_load %arg7[%parallel_loop3A_181, %parallel_loop3A_182] {strides = array<i32>} : memref<80x512xf32, #tpu.memory_space<vmem>>, vector<1x16xf32>,
          %parallel_loop3A_184 = vector.shape_cast %parallel_loop3A_183 : vector<1x16xf32> to vector<16xf32>
          %parallel_loop3A_185 = vector.shape_cast %parallel_loop3A_180 : vector<16xf32> to vector<1x16xf32>
          tpu.vector_store %arg7[%parallel_loop3A_181, %parallel_loop3A_182], %parallel_loop3A_185 {strides = array<i32>} : memref<80x512xf32, #tpu.memory_space<vmem>>, vector<1x16xf32>,
          %parallel_loop3A_186 = arith.index_cast %parallel_loop3A_95 : i32 to index
          %parallel_loop3A_187 = arith.constant 160 : index
          %parallel_loop3A_188 = tpu.vector_load %arg5[%parallel_loop3A_186, %parallel_loop3A_187] {strides = array<i32>} : memref<87x512xf32, #tpu.memory_space<vmem>>, vector<1x16xf32>,
          %parallel_loop3A_189 = vector.shape_cast %parallel_loop3A_188 : vector<1x16xf32> to vector<16xf32>
          %parallel_loop3A_190 = arith.index_cast %parallel_loop3A_88 : i32 to index
          %parallel_loop3A_191 = arith.constant 160 : index
          %parallel_loop3A_192 = tpu.vector_load %arg7[%parallel_loop3A_190, %parallel_loop3A_191] {strides = array<i32>} : memref<80x512xf32, #tpu.memory_space<vmem>>, vector<1x16xf32>,
          %parallel_loop3A_193 = vector.shape_cast %parallel_loop3A_192 : vector<1x16xf32> to vector<16xf32>
          %parallel_loop3A_194 = vector.shape_cast %parallel_loop3A_189 : vector<16xf32> to vector<1x16xf32>
          tpu.vector_store %arg7[%parallel_loop3A_190, %parallel_loop3A_191], %parallel_loop3A_194 {strides = array<i32>} : memref<80x512xf32, #tpu.memory_space<vmem>>, vector<1x16xf32>,
          %parallel_loop3A_195 = arith.index_cast %parallel_loop3A_95 : i32 to index
          %parallel_loop3A_196 = arith.constant 176 : index
          %parallel_loop3A_197 = tpu.vector_load %arg5[%parallel_loop3A_195, %parallel_loop3A_196] {strides = array<i32>} : memref<87x512xf32, #tpu.memory_space<vmem>>, vector<1x16xf32>,
          %parallel_loop3A_198 = vector.shape_cast %parallel_loop3A_197 : vector<1x16xf32> to vector<16xf32>
          %parallel_loop3A_199 = arith.index_cast %parallel_loop3A_88 : i32 to index
          %parallel_loop3A_200 = arith.constant 176 : index
          %parallel_loop3A_201 = tpu.vector_load %arg7[%parallel_loop3A_199, %parallel_loop3A_200] {strides = array<i32>} : memref<80x512xf32, #tpu.memory_space<vmem>>, vector<1x16xf32>,
          %parallel_loop3A_202 = vector.shape_cast %parallel_loop3A_201 : vector<1x16xf32> to vector<16xf32>
          %parallel_loop3A_203 = vector.shape_cast %parallel_loop3A_198 : vector<16xf32> to vector<1x16xf32>
          tpu.vector_store %arg7[%parallel_loop3A_199, %parallel_loop3A_200], %parallel_loop3A_203 {strides = array<i32>} : memref<80x512xf32, #tpu.memory_space<vmem>>, vector<1x16xf32>,
          %parallel_loop3A_204 = arith.index_cast %parallel_loop3A_95 : i32 to index
          %parallel_loop3A_205 = arith.constant 192 : index
          %parallel_loop3A_206 = tpu.vector_load %arg5[%parallel_loop3A_204, %parallel_loop3A_205] {strides = array<i32>} : memref<87x512xf32, #tpu.memory_space<vmem>>, vector<1x16xf32>,
          %parallel_loop3A_207 = vector.shape_cast %parallel_loop3A_206 : vector<1x16xf32> to vector<16xf32>
          %parallel_loop3A_208 = arith.index_cast %parallel_loop3A_88 : i32 to index
          %parallel_loop3A_209 = arith.constant 192 : index
          %parallel_loop3A_210 = tpu.vector_load %arg7[%parallel_loop3A_208, %parallel_loop3A_209] {strides = array<i32>} : memref<80x512xf32, #tpu.memory_space<vmem>>, vector<1x16xf32>,
          %parallel_loop3A_211 = vector.shape_cast %parallel_loop3A_210 : vector<1x16xf32> to vector<16xf32>
          %parallel_loop3A_212 = vector.shape_cast %parallel_loop3A_207 : vector<16xf32> to vector<1x16xf32>
          tpu.vector_store %arg7[%parallel_loop3A_208, %parallel_loop3A_209], %parallel_loop3A_212 {strides = array<i32>} : memref<80x512xf32, #tpu.memory_space<vmem>>, vector<1x16xf32>,
          %parallel_loop3A_213 = arith.index_cast %parallel_loop3A_95 : i32 to index
          %parallel_loop3A_214 = arith.constant 208 : index
          %parallel_loop3A_215 = tpu.vector_load %arg5[%parallel_loop3A_213, %parallel_loop3A_214] {strides = array<i32>} : memref<87x512xf32, #tpu.memory_space<vmem>>, vector<1x16xf32>,
          %parallel_loop3A_216 = vector.shape_cast %parallel_loop3A_215 : vector<1x16xf32> to vector<16xf32>
          %parallel_loop3A_217 = arith.index_cast %parallel_loop3A_88 : i32 to index
          %parallel_loop3A_218 = arith.constant 208 : index
          %parallel_loop3A_219 = tpu.vector_load %arg7[%parallel_loop3A_217, %parallel_loop3A_218] {strides = array<i32>} : memref<80x512xf32, #tpu.memory_space<vmem>>, vector<1x16xf32>,
          %parallel_loop3A_220 = vector.shape_cast %parallel_loop3A_219 : vector<1x16xf32> to vector<16xf32>
          %parallel_loop3A_221 = vector.shape_cast %parallel_loop3A_216 : vector<16xf32> to vector<1x16xf32>
          tpu.vector_store %arg7[%parallel_loop3A_217, %parallel_loop3A_218], %parallel_loop3A_221 {strides = array<i32>} : memref<80x512xf32, #tpu.memory_space<vmem>>, vector<1x16xf32>,
          %parallel_loop3A_222 = arith.index_cast %parallel_loop3A_95 : i32 to index
          %parallel_loop3A_223 = arith.constant 224 : index
          %parallel_loop3A_224 = tpu.vector_load %arg5[%parallel_loop3A_222, %parallel_loop3A_223] {strides = array<i32>} : memref<87x512xf32, #tpu.memory_space<vmem>>, vector<1x16xf32>,
          %parallel_loop3A_225 = vector.shape_cast %parallel_loop3A_224 : vector<1x16xf32> to vector<16xf32>
          %parallel_loop3A_226 = arith.index_cast %parallel_loop3A_88 : i32 to index
          %parallel_loop3A_227 = arith.constant 224 : index
          %parallel_loop3A_228 = tpu.vector_load %arg7[%parallel_loop3A_226, %parallel_loop3A_227] {strides = array<i32>} : memref<80x512xf32, #tpu.memory_space<vmem>>, vector<1x16xf32>,
          %parallel_loop3A_229 = vector.shape_cast %parallel_loop3A_228 : vector<1x16xf32> to vector<16xf32>
          %parallel_loop3A_230 = vector.shape_cast %parallel_loop3A_225 : vector<16xf32> to vector<1x16xf32>
          tpu.vector_store %arg7[%parallel_loop3A_226, %parallel_loop3A_227], %parallel_loop3A_230 {strides = array<i32>} : memref<80x512xf32, #tpu.memory_space<vmem>>, vector<1x16xf32>,
          %parallel_loop3A_231 = arith.index_cast %parallel_loop3A_95 : i32 to index
          %parallel_loop3A_232 = arith.constant 240 : index
          %parallel_loop3A_233 = tpu.vector_load %arg5[%parallel_loop3A_231, %parallel_loop3A_232] {strides = array<i32>} : memref<87x512xf32, #tpu.memory_space<vmem>>, vector<1x16xf32>,
          %parallel_loop3A_234 = vector.shape_cast %parallel_loop3A_233 : vector<1x16xf32> to vector<16xf32>
          %parallel_loop3A_235 = arith.index_cast %parallel_loop3A_88 : i32 to index
          %parallel_loop3A_236 = arith.constant 240 : index
          %parallel_loop3A_237 = tpu.vector_load %arg7[%parallel_loop3A_235, %parallel_loop3A_236] {strides = array<i32>} : memref<80x512xf32, #tpu.memory_space<vmem>>, vector<1x16xf32>,
          %parallel_loop3A_238 = vector.shape_cast %parallel_loop3A_237 : vector<1x16xf32> to vector<16xf32>
          %parallel_loop3A_239 = vector.shape_cast %parallel_loop3A_234 : vector<16xf32> to vector<1x16xf32>
          tpu.vector_store %arg7[%parallel_loop3A_235, %parallel_loop3A_236], %parallel_loop3A_239 {strides = array<i32>} : memref<80x512xf32, #tpu.memory_space<vmem>>, vector<1x16xf32>,
          %parallel_loop3A_240 = arith.index_cast %parallel_loop3A_95 : i32 to index
          %parallel_loop3A_241 = arith.constant 256 : index
          %parallel_loop3A_242 = tpu.vector_load %arg5[%parallel_loop3A_240, %parallel_loop3A_241] {strides = array<i32>} : memref<87x512xf32, #tpu.memory_space<vmem>>, vector<1x16xf32>,
          %parallel_loop3A_243 = vector.shape_cast %parallel_loop3A_242 : vector<1x16xf32> to vector<16xf32>
          %parallel_loop3A_244 = arith.index_cast %parallel_loop3A_88 : i32 to index
          %parallel_loop3A_245 = arith.constant 256 : index
          %parallel_loop3A_246 = tpu.vector_load %arg7[%parallel_loop3A_244, %parallel_loop3A_245] {strides = array<i32>} : memref<80x512xf32, #tpu.memory_space<vmem>>, vector<1x16xf32>,
          %parallel_loop3A_247 = vector.shape_cast %parallel_loop3A_246 : vector<1x16xf32> to vector<16xf32>
          %parallel_loop3A_248 = vector.shape_cast %parallel_loop3A_243 : vector<16xf32> to vector<1x16xf32>
          tpu.vector_store %arg7[%parallel_loop3A_244, %parallel_loop3A_245], %parallel_loop3A_248 {strides = array<i32>} : memref<80x512xf32, #tpu.memory_space<vmem>>, vector<1x16xf32>,
          %parallel_loop3A_249 = arith.index_cast %parallel_loop3A_95 : i32 to index
          %parallel_loop3A_250 = arith.constant 272 : index
          %parallel_loop3A_251 = tpu.vector_load %arg5[%parallel_loop3A_249, %parallel_loop3A_250] {strides = array<i32>} : memref<87x512xf32, #tpu.memory_space<vmem>>, vector<1x16xf32>,
          %parallel_loop3A_252 = vector.shape_cast %parallel_loop3A_251 : vector<1x16xf32> to vector<16xf32>
          %parallel_loop3A_253 = arith.index_cast %parallel_loop3A_88 : i32 to index
          %parallel_loop3A_254 = arith.constant 272 : index
          %parallel_loop3A_255 = tpu.vector_load %arg7[%parallel_loop3A_253, %parallel_loop3A_254] {strides = array<i32>} : memref<80x512xf32, #tpu.memory_space<vmem>>, vector<1x16xf32>,
          %parallel_loop3A_256 = vector.shape_cast %parallel_loop3A_255 : vector<1x16xf32> to vector<16xf32>
          %parallel_loop3A_257 = vector.shape_cast %parallel_loop3A_252 : vector<16xf32> to vector<1x16xf32>
          tpu.vector_store %arg7[%parallel_loop3A_253, %parallel_loop3A_254], %parallel_loop3A_257 {strides = array<i32>} : memref<80x512xf32, #tpu.memory_space<vmem>>, vector<1x16xf32>,
          %parallel_loop3A_258 = arith.index_cast %parallel_loop3A_95 : i32 to index
          %parallel_loop3A_259 = arith.constant 288 : index
          %parallel_loop3A_260 = tpu.vector_load %arg5[%parallel_loop3A_258, %parallel_loop3A_259] {strides = array<i32>} : memref<87x512xf32, #tpu.memory_space<vmem>>, vector<1x16xf32>,
          %parallel_loop3A_261 = vector.shape_cast %parallel_loop3A_260 : vector<1x16xf32> to vector<16xf32>
          %parallel_loop3A_262 = arith.index_cast %parallel_loop3A_88 : i32 to index
          %parallel_loop3A_263 = arith.constant 288 : index
          %parallel_loop3A_264 = tpu.vector_load %arg7[%parallel_loop3A_262, %parallel_loop3A_263] {strides = array<i32>} : memref<80x512xf32, #tpu.memory_space<vmem>>, vector<1x16xf32>,
          %parallel_loop3A_265 = vector.shape_cast %parallel_loop3A_264 : vector<1x16xf32> to vector<16xf32>
          %parallel_loop3A_266 = vector.shape_cast %parallel_loop3A_261 : vector<16xf32> to vector<1x16xf32>
          tpu.vector_store %arg7[%parallel_loop3A_262, %parallel_loop3A_263], %parallel_loop3A_266 {strides = array<i32>} : memref<80x512xf32, #tpu.memory_space<vmem>>, vector<1x16xf32>,
          %parallel_loop3A_267 = arith.index_cast %parallel_loop3A_95 : i32 to index
          %parallel_loop3A_268 = arith.constant 304 : index
          %parallel_loop3A_269 = tpu.vector_load %arg5[%parallel_loop3A_267, %parallel_loop3A_268] {strides = array<i32>} : memref<87x512xf32, #tpu.memory_space<vmem>>, vector<1x16xf32>,
          %parallel_loop3A_270 = vector.shape_cast %parallel_loop3A_269 : vector<1x16xf32> to vector<16xf32>
          %parallel_loop3A_271 = arith.index_cast %parallel_loop3A_88 : i32 to index
          %parallel_loop3A_272 = arith.constant 304 : index
          %parallel_loop3A_273 = tpu.vector_load %arg7[%parallel_loop3A_271, %parallel_loop3A_272] {strides = array<i32>} : memref<80x512xf32, #tpu.memory_space<vmem>>, vector<1x16xf32>,
          %parallel_loop3A_274 = vector.shape_cast %parallel_loop3A_273 : vector<1x16xf32> to vector<16xf32>
          %parallel_loop3A_275 = vector.shape_cast %parallel_loop3A_270 : vector<16xf32> to vector<1x16xf32>
          tpu.vector_store %arg7[%parallel_loop3A_271, %parallel_loop3A_272], %parallel_loop3A_275 {strides = array<i32>} : memref<80x512xf32, #tpu.memory_space<vmem>>, vector<1x16xf32>,
          %parallel_loop3A_276 = arith.index_cast %parallel_loop3A_95 : i32 to index
          %parallel_loop3A_277 = arith.constant 320 : index
          %parallel_loop3A_278 = tpu.vector_load %arg5[%parallel_loop3A_276, %parallel_loop3A_277] {strides = array<i32>} : memref<87x512xf32, #tpu.memory_space<vmem>>, vector<1x16xf32>,
          %parallel_loop3A_279 = vector.shape_cast %parallel_loop3A_278 : vector<1x16xf32> to vector<16xf32>
          %parallel_loop3A_280 = arith.index_cast %parallel_loop3A_88 : i32 to index
          %parallel_loop3A_281 = arith.constant 320 : index
          %parallel_loop3A_282 = tpu.vector_load %arg7[%parallel_loop3A_280, %parallel_loop3A_281] {strides = array<i32>} : memref<80x512xf32, #tpu.memory_space<vmem>>, vector<1x16xf32>,
          %parallel_loop3A_283 = vector.shape_cast %parallel_loop3A_282 : vector<1x16xf32> to vector<16xf32>
          %parallel_loop3A_284 = vector.shape_cast %parallel_loop3A_279 : vector<16xf32> to vector<1x16xf32>
          tpu.vector_store %arg7[%parallel_loop3A_280, %parallel_loop3A_281], %parallel_loop3A_284 {strides = array<i32>} : memref<80x512xf32, #tpu.memory_space<vmem>>, vector<1x16xf32>,
          %parallel_loop3A_285 = arith.index_cast %parallel_loop3A_95 : i32 to index
          %parallel_loop3A_286 = arith.constant 336 : index
          %parallel_loop3A_287 = tpu.vector_load %arg5[%parallel_loop3A_285, %parallel_loop3A_286] {strides = array<i32>} : memref<87x512xf32, #tpu.memory_space<vmem>>, vector<1x16xf32>,
          %parallel_loop3A_288 = vector.shape_cast %parallel_loop3A_287 : vector<1x16xf32> to vector<16xf32>
          %parallel_loop3A_289 = arith.index_cast %parallel_loop3A_88 : i32 to index
          %parallel_loop3A_290 = arith.constant 336 : index
          %parallel_loop3A_291 = tpu.vector_load %arg7[%parallel_loop3A_289, %parallel_loop3A_290] {strides = array<i32>} : memref<80x512xf32, #tpu.memory_space<vmem>>, vector<1x16xf32>,
          %parallel_loop3A_292 = vector.shape_cast %parallel_loop3A_291 : vector<1x16xf32> to vector<16xf32>
          %parallel_loop3A_293 = vector.shape_cast %parallel_loop3A_288 : vector<16xf32> to vector<1x16xf32>
          tpu.vector_store %arg7[%parallel_loop3A_289, %parallel_loop3A_290], %parallel_loop3A_293 {strides = array<i32>} : memref<80x512xf32, #tpu.memory_space<vmem>>, vector<1x16xf32>,
          %parallel_loop3A_294 = arith.index_cast %parallel_loop3A_95 : i32 to index
          %parallel_loop3A_295 = arith.constant 352 : index
          %parallel_loop3A_296 = tpu.vector_load %arg5[%parallel_loop3A_294, %parallel_loop3A_295] {strides = array<i32>} : memref<87x512xf32, #tpu.memory_space<vmem>>, vector<1x16xf32>,
          %parallel_loop3A_297 = vector.shape_cast %parallel_loop3A_296 : vector<1x16xf32> to vector<16xf32>
          %parallel_loop3A_298 = arith.index_cast %parallel_loop3A_88 : i32 to index
          %parallel_loop3A_299 = arith.constant 352 : index
          %parallel_loop3A_300 = tpu.vector_load %arg7[%parallel_loop3A_298, %parallel_loop3A_299] {strides = array<i32>} : memref<80x512xf32, #tpu.memory_space<vmem>>, vector<1x16xf32>,
          %parallel_loop3A_301 = vector.shape_cast %parallel_loop3A_300 : vector<1x16xf32> to vector<16xf32>
          %parallel_loop3A_302 = vector.shape_cast %parallel_loop3A_297 : vector<16xf32> to vector<1x16xf32>
          tpu.vector_store %arg7[%parallel_loop3A_298, %parallel_loop3A_299], %parallel_loop3A_302 {strides = array<i32>} : memref<80x512xf32, #tpu.memory_space<vmem>>, vector<1x16xf32>,
          %parallel_loop3A_303 = arith.index_cast %parallel_loop3A_95 : i32 to index
          %parallel_loop3A_304 = arith.constant 368 : index
          %parallel_loop3A_305 = tpu.vector_load %arg5[%parallel_loop3A_303, %parallel_loop3A_304] {strides = array<i32>} : memref<87x512xf32, #tpu.memory_space<vmem>>, vector<1x16xf32>,
          %parallel_loop3A_306 = vector.shape_cast %parallel_loop3A_305 : vector<1x16xf32> to vector<16xf32>
          %parallel_loop3A_307 = arith.index_cast %parallel_loop3A_88 : i32 to index
          %parallel_loop3A_308 = arith.constant 368 : index
          %parallel_loop3A_309 = tpu.vector_load %arg7[%parallel_loop3A_307, %parallel_loop3A_308] {strides = array<i32>} : memref<80x512xf32, #tpu.memory_space<vmem>>, vector<1x16xf32>,
          %parallel_loop3A_310 = vector.shape_cast %parallel_loop3A_309 : vector<1x16xf32> to vector<16xf32>
          %parallel_loop3A_311 = vector.shape_cast %parallel_loop3A_306 : vector<16xf32> to vector<1x16xf32>
          tpu.vector_store %arg7[%parallel_loop3A_307, %parallel_loop3A_308], %parallel_loop3A_311 {strides = array<i32>} : memref<80x512xf32, #tpu.memory_space<vmem>>, vector<1x16xf32>,
          %parallel_loop3A_312 = arith.index_cast %parallel_loop3A_95 : i32 to index
          %parallel_loop3A_313 = arith.constant 384 : index
          %parallel_loop3A_314 = tpu.vector_load %arg5[%parallel_loop3A_312, %parallel_loop3A_313] {strides = array<i32>} : memref<87x512xf32, #tpu.memory_space<vmem>>, vector<1x16xf32>,
          %parallel_loop3A_315 = vector.shape_cast %parallel_loop3A_314 : vector<1x16xf32> to vector<16xf32>
          %parallel_loop3A_316 = arith.index_cast %parallel_loop3A_88 : i32 to index
          %parallel_loop3A_317 = arith.constant 384 : index
          %parallel_loop3A_318 = tpu.vector_load %arg7[%parallel_loop3A_316, %parallel_loop3A_317] {strides = array<i32>} : memref<80x512xf32, #tpu.memory_space<vmem>>, vector<1x16xf32>,
          %parallel_loop3A_319 = vector.shape_cast %parallel_loop3A_318 : vector<1x16xf32> to vector<16xf32>
          %parallel_loop3A_320 = vector.shape_cast %parallel_loop3A_315 : vector<16xf32> to vector<1x16xf32>
          tpu.vector_store %arg7[%parallel_loop3A_316, %parallel_loop3A_317], %parallel_loop3A_320 {strides = array<i32>} : memref<80x512xf32, #tpu.memory_space<vmem>>, vector<1x16xf32>,
          %parallel_loop3A_321 = arith.index_cast %parallel_loop3A_95 : i32 to index
          %parallel_loop3A_322 = arith.constant 400 : index
          %parallel_loop3A_323 = tpu.vector_load %arg5[%parallel_loop3A_321, %parallel_loop3A_322] {strides = array<i32>} : memref<87x512xf32, #tpu.memory_space<vmem>>, vector<1x16xf32>,
          %parallel_loop3A_324 = vector.shape_cast %parallel_loop3A_323 : vector<1x16xf32> to vector<16xf32>
          %parallel_loop3A_325 = arith.index_cast %parallel_loop3A_88 : i32 to index
          %parallel_loop3A_326 = arith.constant 400 : index
          %parallel_loop3A_327 = tpu.vector_load %arg7[%parallel_loop3A_325, %parallel_loop3A_326] {strides = array<i32>} : memref<80x512xf32, #tpu.memory_space<vmem>>, vector<1x16xf32>,
          %parallel_loop3A_328 = vector.shape_cast %parallel_loop3A_327 : vector<1x16xf32> to vector<16xf32>
          %parallel_loop3A_329 = vector.shape_cast %parallel_loop3A_324 : vector<16xf32> to vector<1x16xf32>
          tpu.vector_store %arg7[%parallel_loop3A_325, %parallel_loop3A_326], %parallel_loop3A_329 {strides = array<i32>} : memref<80x512xf32, #tpu.memory_space<vmem>>, vector<1x16xf32>,
          %parallel_loop3A_330 = arith.index_cast %parallel_loop3A_95 : i32 to index
          %parallel_loop3A_331 = arith.constant 416 : index
          %parallel_loop3A_332 = tpu.vector_load %arg5[%parallel_loop3A_330, %parallel_loop3A_331] {strides = array<i32>} : memref<87x512xf32, #tpu.memory_space<vmem>>, vector<1x16xf32>,
          %parallel_loop3A_333 = vector.shape_cast %parallel_loop3A_332 : vector<1x16xf32> to vector<16xf32>
          %parallel_loop3A_334 = arith.index_cast %parallel_loop3A_88 : i32 to index
          %parallel_loop3A_335 = arith.constant 416 : index
          %parallel_loop3A_336 = tpu.vector_load %arg7[%parallel_loop3A_334, %parallel_loop3A_335] {strides = array<i32>} : memref<80x512xf32, #tpu.memory_space<vmem>>, vector<1x16xf32>,
          %parallel_loop3A_337 = vector.shape_cast %parallel_loop3A_336 : vector<1x16xf32> to vector<16xf32>
          %parallel_loop3A_338 = vector.shape_cast %parallel_loop3A_333 : vector<16xf32> to vector<1x16xf32>
          tpu.vector_store %arg7[%parallel_loop3A_334, %parallel_loop3A_335], %parallel_loop3A_338 {strides = array<i32>} : memref<80x512xf32, #tpu.memory_space<vmem>>, vector<1x16xf32>,
          %parallel_loop3A_339 = arith.index_cast %parallel_loop3A_95 : i32 to index
          %parallel_loop3A_340 = arith.constant 432 : index
          %parallel_loop3A_341 = tpu.vector_load %arg5[%parallel_loop3A_339, %parallel_loop3A_340] {strides = array<i32>} : memref<87x512xf32, #tpu.memory_space<vmem>>, vector<1x16xf32>,
          %parallel_loop3A_342 = vector.shape_cast %parallel_loop3A_341 : vector<1x16xf32> to vector<16xf32>
          %parallel_loop3A_343 = arith.index_cast %parallel_loop3A_88 : i32 to index
          %parallel_loop3A_344 = arith.constant 432 : index
          %parallel_loop3A_345 = tpu.vector_load %arg7[%parallel_loop3A_343, %parallel_loop3A_344] {strides = array<i32>} : memref<80x512xf32, #tpu.memory_space<vmem>>, vector<1x16xf32>,
          %parallel_loop3A_346 = vector.shape_cast %parallel_loop3A_345 : vector<1x16xf32> to vector<16xf32>
          %parallel_loop3A_347 = vector.shape_cast %parallel_loop3A_342 : vector<16xf32> to vector<1x16xf32>
          tpu.vector_store %arg7[%parallel_loop3A_343, %parallel_loop3A_344], %parallel_loop3A_347 {strides = array<i32>} : memref<80x512xf32, #tpu.memory_space<vmem>>, vector<1x16xf32>,
          %parallel_loop3A_348 = arith.index_cast %parallel_loop3A_95 : i32 to index
          %parallel_loop3A_349 = arith.constant 448 : index
          %parallel_loop3A_350 = tpu.vector_load %arg5[%parallel_loop3A_348, %parallel_loop3A_349] {strides = array<i32>} : memref<87x512xf32, #tpu.memory_space<vmem>>, vector<1x16xf32>,
          %parallel_loop3A_351 = vector.shape_cast %parallel_loop3A_350 : vector<1x16xf32> to vector<16xf32>
          %parallel_loop3A_352 = arith.index_cast %parallel_loop3A_88 : i32 to index
          %parallel_loop3A_353 = arith.constant 448 : index
          %parallel_loop3A_354 = tpu.vector_load %arg7[%parallel_loop3A_352, %parallel_loop3A_353] {strides = array<i32>} : memref<80x512xf32, #tpu.memory_space<vmem>>, vector<1x16xf32>,
          %parallel_loop3A_355 = vector.shape_cast %parallel_loop3A_354 : vector<1x16xf32> to vector<16xf32>
          %parallel_loop3A_356 = vector.shape_cast %parallel_loop3A_351 : vector<16xf32> to vector<1x16xf32>
          tpu.vector_store %arg7[%parallel_loop3A_352, %parallel_loop3A_353], %parallel_loop3A_356 {strides = array<i32>} : memref<80x512xf32, #tpu.memory_space<vmem>>, vector<1x16xf32>,
          %parallel_loop3A_357 = arith.index_cast %parallel_loop3A_95 : i32 to index
          %parallel_loop3A_358 = arith.constant 464 : index
          %parallel_loop3A_359 = tpu.vector_load %arg5[%parallel_loop3A_357, %parallel_loop3A_358] {strides = array<i32>} : memref<87x512xf32, #tpu.memory_space<vmem>>, vector<1x16xf32>,
          %parallel_loop3A_360 = vector.shape_cast %parallel_loop3A_359 : vector<1x16xf32> to vector<16xf32>
          %parallel_loop3A_361 = arith.index_cast %parallel_loop3A_88 : i32 to index
          %parallel_loop3A_362 = arith.constant 464 : index
          %parallel_loop3A_363 = tpu.vector_load %arg7[%parallel_loop3A_361, %parallel_loop3A_362] {strides = array<i32>} : memref<80x512xf32, #tpu.memory_space<vmem>>, vector<1x16xf32>,
          %parallel_loop3A_364 = vector.shape_cast %parallel_loop3A_363 : vector<1x16xf32> to vector<16xf32>
          %parallel_loop3A_365 = vector.shape_cast %parallel_loop3A_360 : vector<16xf32> to vector<1x16xf32>
          tpu.vector_store %arg7[%parallel_loop3A_361, %parallel_loop3A_362], %parallel_loop3A_365 {strides = array<i32>} : memref<80x512xf32, #tpu.memory_space<vmem>>, vector<1x16xf32>,
          %parallel_loop3A_366 = arith.index_cast %parallel_loop3A_95 : i32 to index
          %parallel_loop3A_367 = arith.constant 480 : index
          %parallel_loop3A_368 = tpu.vector_load %arg5[%parallel_loop3A_366, %parallel_loop3A_367] {strides = array<i32>} : memref<87x512xf32, #tpu.memory_space<vmem>>, vector<1x16xf32>,
          %parallel_loop3A_369 = vector.shape_cast %parallel_loop3A_368 : vector<1x16xf32> to vector<16xf32>
          %parallel_loop3A_370 = arith.index_cast %parallel_loop3A_88 : i32 to index
          %parallel_loop3A_371 = arith.constant 480 : index
          %parallel_loop3A_372 = tpu.vector_load %arg7[%parallel_loop3A_370, %parallel_loop3A_371] {strides = array<i32>} : memref<80x512xf32, #tpu.memory_space<vmem>>, vector<1x16xf32>,
          %parallel_loop3A_373 = vector.shape_cast %parallel_loop3A_372 : vector<1x16xf32> to vector<16xf32>
          %parallel_loop3A_374 = vector.shape_cast %parallel_loop3A_369 : vector<16xf32> to vector<1x16xf32>
          tpu.vector_store %arg7[%parallel_loop3A_370, %parallel_loop3A_371], %parallel_loop3A_374 {strides = array<i32>} : memref<80x512xf32, #tpu.memory_space<vmem>>, vector<1x16xf32>,
          %parallel_loop3A_375 = arith.index_cast %parallel_loop3A_95 : i32 to index
          %parallel_loop3A_376 = arith.constant 496 : index
          %parallel_loop3A_377 = tpu.vector_load %arg5[%parallel_loop3A_375, %parallel_loop3A_376] {strides = array<i32>} : memref<87x512xf32, #tpu.memory_space<vmem>>, vector<1x16xf32>,
          %parallel_loop3A_378 = vector.shape_cast %parallel_loop3A_377 : vector<1x16xf32> to vector<16xf32>
          %parallel_loop3A_379 = arith.index_cast %parallel_loop3A_88 : i32 to index
          %parallel_loop3A_380 = arith.constant 496 : index
          %parallel_loop3A_381 = tpu.vector_load %arg7[%parallel_loop3A_379, %parallel_loop3A_380] {strides = array<i32>} : memref<80x512xf32, #tpu.memory_space<vmem>>, vector<1x16xf32>,
          %parallel_loop3A_382 = vector.shape_cast %parallel_loop3A_381 : vector<1x16xf32> to vector<16xf32>
          %parallel_loop3A_383 = vector.shape_cast %parallel_loop3A_378 : vector<16xf32> to vector<1x16xf32>
          tpu.vector_store %arg7[%parallel_loop3A_379, %parallel_loop3A_380], %parallel_loop3A_383 {strides = array<i32>} : memref<80x512xf32, #tpu.memory_space<vmem>>, vector<1x16xf32>,
        } {sc.loop_unroll_factor = 8 : i64, sc.parallel_access}
        %add3A_75 = arith.constant 2 : i32
        %add3A_76 = arith.addi %add3A_45, %add3A_75 : i32
        %mul3A_77 = arith.constant 32 : i32
        %mul3A_78 = arith.muli %add3A_76, %mul3A_77 : i32
        %add3A_79 = arith.addi %add3A, %mul3A_78 : i32
        %lt3A_80 = arith.constant 1250 : i32
        %lt3A_81 = arith.cmpi slt, %add3A_79, %lt3A_80 : i32
        %convert_element_type3A_82 = arith.extui %lt3A_81 : i1 to i32
        %cond3A_83 = arith.constant 0 : i32
        %cond3A_84 = arith.cmpi ne, %convert_element_type3A_82, %cond3A_83 : i32
        scf.if %cond3A_84 {
          %mul3A_88 = arith.constant 32 : i32
          %mul3A_89 = arith.muli %add3A_76, %mul3A_88 : i32
          %add3A_90 = arith.addi %add3A, %mul3A_89 : i32
          %mul3A_91 = arith.constant 80 : i32
          %mul3A_92 = arith.muli %add3A_90, %mul3A_91 : i32
          %dma_start3A_93 = arith.constant 1 : i32
          %dma_start3A_94 = arith.constant 0 : i32
          %dma_start3A_95 = tpu.memref_slice %arg8[%dma_start3A_93, %dma_start3A_94] : memref<2x96xi32, #tpu.memory_space<vmem>> -> memref<1x80xi32, #tpu.memory_space<vmem>>
          %dma_start3A_96 = tpu.memref_squeeze %dma_start3A_95 : memref<1x80xi32, #tpu.memory_space<vmem>> -> memref<80xi32, #tpu.memory_space<vmem>>
          %dma_start3A_97 = tpu.memref_slice %arg3[%mul3A_92] : memref<100000xi32, #tpu.memory_space<hbm>> -> memref<80xi32, #tpu.memory_space<hbm>>
          %dma_start3A_98 = arith.constant 0 : i32
          %dma_start3A_99 = tpu.memref_slice %arg8[%dma_start3A_93, %dma_start3A_98] : memref<2x96xi32, #tpu.memory_space<vmem>> -> memref<1x80xi32, #tpu.memory_space<vmem>>
          %dma_start3A_100 = tpu.memref_squeeze %dma_start3A_99 : memref<1x80xi32, #tpu.memory_space<vmem>> -> memref<80xi32, #tpu.memory_space<vmem>>
          %dma_start3A_101 = tpu.memref_slice %arg3[%mul3A_92] : memref<100000xi32, #tpu.memory_space<hbm>> -> memref<80xi32, #tpu.memory_space<hbm>>
          tpu.enqueue_dma source(%dma_start3A_101 : memref<80xi32, #tpu.memory_space<hbm>>) target(%dma_start3A_100 : memref<80xi32, #tpu.memory_space<vmem>>) target_semaphore(%arg12 : memref<!tpu.dma_semaphore, #tpu.memory_space<semaphore_mem>>)
        } else {
        }
        %dma_start3A = arith.constant 0 : i32
        %dma_start3A_85 = tpu.memref_slice %arg4[%mul3A_57, %dma_start3A] : memref<100000x512xf32, #tpu.memory_space<hbm>> -> memref<80x512xf32, #tpu.memory_space<hbm>>
        %dma_start3A_86 = arith.constant 0 : i32
        %dma_start3A_87 = tpu.memref_slice %arg4[%mul3A_57, %dma_start3A_86] : memref<100000x512xf32, #tpu.memory_space<hbm>> -> memref<80x512xf32, #tpu.memory_space<hbm>>
        tpu.enqueue_dma source(%arg7 : memref<80x512xf32, #tpu.memory_space<vmem>>) target(%dma_start3A_87 : memref<80x512xf32, #tpu.memory_space<hbm>>) target_semaphore(%arg10 : memref<!tpu.dma_semaphore, #tpu.memory_space<semaphore_mem>>)
      } else {
      }
    }
    %scan3A_16 = arith.constant 20 : i32
    %dma_wait3A = arith.constant 0 : i32
    %dma_wait3A_17 = arith.constant 0 : i32
    %dma_wait3A_18 = tpu.memref_slice %arg4[%dma_wait3A, %dma_wait3A_17] : memref<100000x512xf32, #tpu.memory_space<hbm>> -> memref<80x512xf32, #tpu.memory_space<hbm>>
    %dma_wait3A_19 = arith.constant 0 : i32
    %dma_wait3A_20 = arith.constant 0 : i32
    %dma_wait3A_21 = tpu.memref_slice %arg4[%dma_wait3A_19, %dma_wait3A_20] : memref<100000x512xf32, #tpu.memory_space<hbm>> -> memref<80x512xf32, #tpu.memory_space<hbm>>
    tpu.wait_dma2 semaphore(%arg9 : memref<!tpu.dma_semaphore, #tpu.memory_space<semaphore_mem>>) src(%arg6 : memref<80x512xf32, #tpu.memory_space<vmem>>) dst(%dma_wait3A_21 : memref<80x512xf32, #tpu.memory_space<hbm>>)
    %dma_wait3A_22 = arith.constant 0 : i32
    %dma_wait3A_23 = arith.constant 0 : i32
    %dma_wait3A_24 = tpu.memref_slice %arg4[%dma_wait3A_22, %dma_wait3A_23] : memref<100000x512xf32, #tpu.memory_space<hbm>> -> memref<80x512xf32, #tpu.memory_space<hbm>>
    %dma_wait3A_25 = arith.constant 0 : i32
    %dma_wait3A_26 = arith.constant 0 : i32
    %dma_wait3A_27 = tpu.memref_slice %arg4[%dma_wait3A_25, %dma_wait3A_26] : memref<100000x512xf32, #tpu.memory_space<hbm>> -> memref<80x512xf32, #tpu.memory_space<hbm>>
    tpu.wait_dma2 semaphore(%arg10 : memref<!tpu.dma_semaphore, #tpu.memory_space<semaphore_mem>>) src(%arg7 : memref<80x512xf32, #tpu.memory_space<vmem>>) dst(%dma_wait3A_27 : memref<80x512xf32, #tpu.memory_space<hbm>>)
    return
  }
}

module attributes {stable_mosaic.version = 14 : i64} {
  func.func @_table_body(%arg0: memref<87x512xf32, #tpu.memory_space<vmem>>, %arg1: memref<87x20xf32, #tpu.memory_space<vmem>>, %arg2: memref<512x20xf32, #tpu.memory_space<vmem>>, %arg3: memref<87x512xf32, #tpu.memory_space<vmem>>) attributes {dimension_semantics = [], scalar_prefetch = 0 : i64, scratch_operands = 0 : i64, tpu.core_type = #tpu.core_type<tc>} {
    %get3A = arith.constant 0 : index
    %get3A_0 = arith.constant 0 : index
    %get3A_1 = vector.load %arg0[%get3A, %get3A_0] : memref<87x512xf32, #tpu.memory_space<vmem>>, vector<87x512xf32>
    %get3A_2 = arith.constant 0 : index
    %get3A_3 = arith.constant 0 : index
    %get3A_4 = vector.load %arg1[%get3A_2, %get3A_3] : memref<87x20xf32, #tpu.memory_space<vmem>>, vector<87x20xf32>
    %get3A_5 = arith.constant 0 : index
    %get3A_6 = arith.constant 0 : index
    %get3A_7 = vector.load %arg2[%get3A_5, %get3A_6] : memref<512x20xf32, #tpu.memory_space<vmem>>, vector<512x20xf32>
    %dot_general3A = arith.constant dense<0.000000e+00> : vector<87x512xf32>
    %dot_general3A_8 = tpu.matmul %get3A_4, %get3A_7, %dot_general3A {dimension_numbers = #tpu.dot_dimension_numbers<[1], [1], [0], [0], [0, 0, 1, 0], [], []>, transpose_lhs_hint = false} : vector<87x20xf32>, vector<512x20xf32>, vector<87x512xf32> -> vector<87x512xf32>
    %add3A = arith.addf %get3A_1, %dot_general3A_8 : vector<87x512xf32>
    %swap3A = arith.constant 0 : index
    %swap3A_9 = arith.constant 0 : index
    %swap3A_10 = vector.load %arg3[%swap3A, %swap3A_9] : memref<87x512xf32, #tpu.memory_space<vmem>>, vector<87x512xf32>
    tpu.vector_store %arg3[%swap3A, %swap3A_9], %add3A {strides = array<i32>} : memref<87x512xf32, #tpu.memory_space<vmem>>, vector<87x512xf32>,
    return
  }
}

</mosaic_0001>

<sc_bundles>
// kernel: kernel.4.cloned.1.call-start
scs
__scs_entry_jumppad:
0x0: {  	(pc) =	sbr.rel $0x88, $3  }
0x1: {  	(tag) =	ssettag $0x0;
	lr =	simm.s32 $0x1  }
0x2: {  	[smem:$0x3F9D] =	sst lr;
	_ =	strace $0xD0000000  }
0x3: {  	_ = 	snop  }
0x4: {  	_ = 	snop  }
0x5: {  	_ = 	snop  }
0x6: {  	_ = 	snop  }
0x7: {  	_ = 	snop  }
__scs_overlays_trampoline_lowered:
0x8: {  	[smem:$0x3FAC] =	sst s0  }
0x9: {  	[smem:$0x3FAD] =	sst s1  }
0xa: {  	[smem:$0x3FAE] =	sst s2  }
0xb: {  	[smem:$0x3FAF] =	sst s3  }
0xc: {  	[smem:$0x3FB0] =	sst s4  }
0xd: {  	[smem:$0x3FB1] =	sst s5  }
0xe: {  	[smem:$0x3FB2] =	sst s6  }
0xf: {  	[smem:$0x3FB3] =	sst s7  }
0x10: {  	[smem:$0x3FB4] =	sst s8  }
0x11: {  	[smem:$0x3FB5] =	sst s9;
	s0 =	simm.s32 @!p0 $0x0  }
0x12: {  	s1 =	sld [smem:$0x3F9B];
	s0 =	simm.s32 @p0 $0x1  }
0x13: {  	[smem:$0x3FB6] =	sst s0;
	s0 =	simm.s32 @!p1 $0x0  }
0x14: {  	s2 =	sld [smem:$0x3F9A];
	s0 =	simm.s32 @p1 $0x1  }
0x15: {  	[smem:$0x3FB7] =	sst s0;
	s0 =	simm.s32 @!p2 $0x0  }
0x16: {  	s3 =	sld [smem:$0x3FDB];
	s0 =	simm.s32 @p2 $0x1  }
0x17: {  	s4 =	simm.s32 $0x1BF5;
	[smem:$0x3FB9] =	sst s0  }
0x18: {  	s0 =	sld [smem:$0x3F9C];
	_ =	swait.ge [sflag:s4], $0x0  }
0x19: {  	s7 =	sld [smem:$0x3F9D]  }
0x1a: {  	s8 =	sadd.s32 $0xFFFFE003, lr  }
0x1b: {  	s9 =	sadd.s32 $0xFFFFFEF7, lr;
	s5 =	simm.s32 $0xFFFFFFFF;
	p2 =	slt.u32 s8, $0xFFFFF086  }
0x1c: {  	p1 =	slt.u32 s9, $0xF7A;
	s5 =	simm.s32 @!p2 $0x0  }
0x1d: {  	s5 =	simm.s32 @p1 $0x1;
	p0 =	seq.s32 s7, s2  }
0x1e: {  	s7 =	smul.u32 @!p0 $0xF7A, s2;
	p2 =	seq.s32 @!p0 s5, $0x0  }
0x1f: {  	s9 =	smul.u32 $0xF7A, s1;
	s8 =	simm.s32 @!p0 $0x1BF5;
	p2 =	por !p2, p0  }
0x20: {  	[sflag:s8] =	ssyncset.s32 @!p0 $0xFFFFF086;
	s6 =	sadd.s32 @!p0 s3, s7;
	s7 =	simm.s32 @!p0 $0x108  }
0x21: {  	s3 =	sadd.s32 s3, s9;
	s6 =	sadd.s32 @!p0 $0x88, s6;
	s7 =	simm.s32 @p2 $0x1082  }
0x22: {  	[simem:s7], [sflag:s8] =	dma.local @!p0 [hbm:s6], $0xF7A  }
0x23: {  	s9 =	sor.u32 $0xD0000000, s2;
	s6 =	simm.s32 $0x108;
	_ =	swait.ge @!p0 [sflag:s8], $0x0  }
0x24: {  	s3 =	sadd.s32 $0x88, s3;
	s6 =	simm.s32 @!p1 $0x1082;
	[sflag:s4] =	ssyncset.s32 $0xFFFFF086  }
0x25: {  	[simem:s6], [sflag:s4] =	dma.local [hbm:s3], $0xF7A  }
0x26: {  	[smem:$0x3F9D] =	sst s1;
	(tag) =	ssettag s2;
	_ =	strace s9  }
0x27: {  	s1 =	sld [smem:$0x3FAD]  }
0x28: {  	s2 =	sld [smem:$0x3FAE]  }
0x29: {  	s4 =	sld [smem:$0x3FB0]  }
0x2a: {  	p0 =	seq.s32 s5, $0x0;
	s5 =	sld [smem:$0x3FB1]  }
0x2b: {  	s6 =	sld [smem:$0x3FB2]  }
0x2c: {  	s7 =	sld [smem:$0x3FB3]  }
0x2d: {  	s3 =	simm.s32 $0x108;
	s8 =	sld [smem:$0x3FB4]  }
0x2e: {  	s3 =	simm.s32 @!p0 $0x1082;
	s9 =	sld [smem:$0x3FB5]  }
0x2f: {  	lr =	sadd.s32 s0, s3;
	s0 =	sld [smem:$0x3FAC]  }
0x30: {  	s3 =	sld [smem:$0x3FAF]  }
0x31: {  	[smem:$0x3FB8] =	sst s10  }
0x32: {  	s10 =	sld [smem:$0x3FB6];
	_ =	sdelay $0x3  }
0x33: {  	p0 =	seq.s32 s10, $0x1;
	s10 =	sld [smem:$0x3FB8];
	_ =	sdelay $0x3  }
0x34: {  	[smem:$0x3FB8] =	sst s10  }
0x35: {  	s10 =	sld [smem:$0x3FB7];
	_ =	sdelay $0x3  }
0x36: {  	p1 =	seq.s32 s10, $0x1;
	s10 =	sld [smem:$0x3FB8];
	_ =	sdelay $0x3  }
0x37: {  	[smem:$0x3FB8] =	sst s10  }
0x38: {  	s10 =	sld [smem:$0x3FB9]  }
0x39: {  	_ = 	snop;
	(pc) =	sbr.ind lr, $3  }
0x3a: {  	_ = 	snop  }
0x3b: {  	_ = 	snop  }
0x3c: {  	p2 =	seq.s32 s10, $0x1;
	s10 =	sld [smem:$0x3FB8]  }
0x3d: {  	_ =	shalt  }
0x3e: {  	_ =	shalt  }
0x3f: {  	_ =	shalt  }
0x40: {  	_ =	shalt  }
0x41: {  	_ =	shalt  }
0x42: {  	_ =	shalt  }
0x43: {  	_ =	shalt  }
0x44: {  	_ =	shalt  }
0x45: {  	_ =	shalt  }
0x46: {  	_ =	shalt  }
0x47: {  	_ =	shalt  }
0x48: {  	_ =	shalt  }
0x49: {  	_ =	shalt  }
0x4a: {  	_ =	shalt  }
0x4b: {  	_ =	shalt  }
0x4c: {  	_ =	shalt  }
0x4d: {  	_ =	shalt  }
0x4e: {  	_ =	shalt  }
0x4f: {  	_ =	shalt  }
0x50: {  	_ =	shalt  }
0x51: {  	_ =	shalt  }
0x52: {  	_ =	shalt  }
0x53: {  	_ =	shalt  }
0x54: {  	_ =	shalt  }
0x55: {  	_ =	shalt  }
0x56: {  	_ =	shalt  }
0x57: {  	_ =	shalt  }
0x58: {  	_ =	shalt  }
0x59: {  	_ =	shalt  }
0x5a: {  	_ =	shalt  }
0x5b: {  	_ =	shalt  }
0x5c: {  	_ =	shalt  }
0x5d: {  	_ =	shalt  }
0x5e: {  	_ =	shalt  }
0x5f: {  	_ =	shalt  }
0x60: {  	_ =	shalt  }
0x61: {  	_ =	shalt  }
0x62: {  	_ =	shalt  }
0x63: {  	_ =	shalt  }
0x64: {  	_ =	shalt  }
0x65: {  	_ =	shalt  }
0x66: {  	_ =	shalt  }
0x67: {  	_ =	shalt  }
0x68: {  	_ =	shalt  }
0x69: {  	_ =	shalt  }
0x6a: {  	_ =	shalt  }
0x6b: {  	_ =	shalt  }
0x6c: {  	_ =	shalt  }
0x6d: {  	_ =	shalt  }
0x6e: {  	_ =	shalt  }
0x6f: {  	_ =	shalt  }
0x70: {  	_ =	shalt  }
0x71: {  	_ =	shalt  }
0x72: {  	_ =	shalt  }
0x73: {  	_ =	shalt  }
0x74: {  	_ =	shalt  }
0x75: {  	_ =	shalt  }
0x76: {  	_ =	shalt  }
0x77: {  	_ =	shalt  }
0x78: {  	_ =	shalt  }
0x79: {  	_ =	shalt  }
0x7a: {  	_ =	shalt  }
0x7b: {  	_ =	shalt  }
0x7c: {  	_ =	shalt  }
0x7d: {  	_ =	shalt  }
0x7e: {  	_ =	shalt  }
0x7f: {  	_ =	shalt  }
0x80: {  	_ =	shalt  }
0x81: {  	_ =	shalt  }
0x82: {  	_ =	shalt  }
0x83: {  	_ =	shalt  }
0x84: {  	_ =	shalt  }
0x85: {  	_ =	shalt  }
0x86: {  	_ =	shalt  }
0x87: {  	_ =	shalt  }
.Lfunc_end0:
.L_simem_size_0:
called_computation_lowered:
.L_overlay_start_0:
0x88: {  	s2 =	sld [smem:$0x3FD9]  }
0x89: {  	s3 =	sld [smem:$0x3FFE];
	_ =	sdelay $0x1  }
0x8a: {  	s1 =	srdreg.scid  }
0x8b: {  	s0 =	sand.u32 $0x1, s1  }
0x8c: {  	s17 =	sshll.u32 s0, $0xA;
	s2 =	sadd.s32 s3, s2  }
0x8d: {  	s2 =	sadd.s32 s2, s17  }
0x8e: {  	[smem:$0x3FC4] =	sst s2  }
0x8f: {  	_ = 	snop  }
0x90: {  	s2 =	sld [smem:$0x3FC9]  }
0x91: {  	s18 =	sld [smem:$0x3FD0];
	(tm) =	ssettm $0x1  }
0x92: {  	s4 =	sld [smem:$0x3FFB];
	_ =	sdelay $0x3  }
0x93: {  	_ =	strace s4  }
0x94: {  	s4 =	sld [smem:$0x3FFC];
	_ =	sdelay $0x3  }
0x95: {  	_ =	strace s4  }
0x96: {  	s4 =	sld [smem:$0x3FFD];
	_ =	sdelay $0x3  }
0x97: {  	_ =	strace s4  }
0x98: {  	_ =	strace $0x8FFFFFFF  }
0x99: {  	s19 =	sld [smem:$0x3FDB];
	_ =	sdelay $0x1  }
0x9a: {  	s5 =	simm.s32 $_scs_section_size  }
0x9b: {  	s6 =	simm.s32 $_size__tile_overlayer_lowered;
	s7 =	simm.s32 $_tile_overlayer_lowered  }
0x9c: {  	s22 =	simm.s32 $0x1BFF;
	s21 =	sshll.u32 s7, $0x1;
	s4 =	sadd.s32 s5, s19  }
0x9d: {  	s8 =	simm.s32 $0x0;
	s20 =	sshll.u32 s6, $0x1;
	s6 =	sadd.s32 s21, s4  }
0x9e: {  	[timem:s8], [sflag:s22] =	dma.local [hbm:s6], s20  }
0x9f: {  	_ =	swait.ge [sflag:s22], s20  }
0xa0: {  	s5 =	ssub.s32 $0x0, s20;
	[sflag:s22] =	ssyncset.done $0x0  }
0xa1: {  	[sflag:s22] =	ssyncadd.s32 s5;
	_ =	sdelay $0x1  }
0xa2: {  	s23 =	simm.s32 $0x1B8B  }
0xa3: {  	_ =	swait.ge [sflag:s23], $0x1  }
0xa4: {  	[sflag:s23] =	ssyncset.done $0x0  }
0xa5: {  	s25 =	simm.s32 $0x1B8E;
	s24 =	sld [smem:$0x3FFE];
	[sflag:s23] =	ssyncadd.s32 $0xFFFFFFFF  }
0xa6: {  	s26 =	simm.s32 $execute0_lowered;
	[smem:$0x3FD2] =	sst s25  }
0xa7: {  	s6 =	sshll.u32 s26, $0x1;
	_ =	strace $0x80000046;
	[dreg:$0x1] =	wrdreg $0xFFFFFFFF  }
0xa8: {  	s28 =	simm.s32 $_size_execute0_lowered;
	s4 =	sadd.s32 s4, s6;
	[dreg:$0x0] =	wrdreg $0x0  }
0xa9: {  	s6 =	sshll.u32 s28, $0x1;
	[dreg:$0x2] =	wrdreg s4  }
0xaa: {  	[dreg:$0x3] =	wrdreg s6  }
0xab: {  	[dreg:$0x4] =	wrdreg $0xC0  }
0xac: {  	_ =	task [dreg:s8], $0x5FFFF  }
0xad: {  	[dreg:$0x1] =	wrdreg $0xFFFFFFFF  }
0xae: {  	[dreg:$0x0] =	wrdreg $0x60  }
0xaf: {  	[dreg:$0x2] =	wrdreg s24  }
0xb0: {  	[dreg:$0x3] =	wrdreg s2  }
0xb1: {  	[dreg:$0x4] =	wrdreg s18  }
0xb2: {  	[dreg:$0x5] =	wrdreg $0x9  }
0xb3: {  	_ =	task.clear_ibuf [dreg:s8], $0x6FFFF;
	_ =	strace $0x90000046  }
0xb4: {  	s29 =	simm.s32 $0x9;
	_ =	strace $0x80000048  }
0xb5: {  	_ =	swait.ge [sflag:s29], $0x1  }
0xb6: {  	[sflag:s29] =	ssyncadd.s32 $0xFFFFFFFF  }
0xb7: {  	_ =	strace $0x90000048  }
0xb8: {  	_ =	sfence  }
0xb9: {  	s30 =	sld [smem:$0x0];
	_ =	sdelay $0x2  }
0xba: {  	s31 =	sshll.u32 s1, $0xD;
	s1 =	sshrl.u32 s1, $0x2  }
0xbb: {  	s3 =	sand.u32 $0x4000, s31;
	s1 =	sadd.s32 s1, s30  }
0xbc: {  	s0 =	sor.u32 s3, s0;
	s1 =	sshll.u32 s1, $0x11  }
0xbd: {  	s0 =	sor.u32 s1, s0  }
0xbe: {  	s0 =	sadd.s32 $0x8F2B, s0  }
0xbf: {  	[sflag:s0] =	ssyncadd.remote.s32 $0x1  }
0xc0: {  	_ =	sfence.sel $0xFFFF  }
0xc1: {  	[dreg:$0x0] =	wrdreg $0xFFFFFFFF;
	(pc) =	sbr.abs _section_cstart, $3  }
0xc2: {  	[dreg:$0x1] =	wrdreg $0xFFFFFFFF  }
0xc3: {  	_ =	task.clear_ibuf [dreg:s8], $0x2FFFF;
	_ =	strace $0x9FFFFFFF  }
0xc4: {  	(tm) =	ssettm $0x7FFFFFFF  }
0xc5: {  	_ =	shalt  }
tec
execute0_lowered:
.L_overlay_start_1:
0x0: {  	(tag) =	ssettag $0x1  }
0x1: {  	s0 =	rddreg [dreg:$0x0]  }
0x2: {  	s2 =	rddreg [dreg:$0x1]  }
0x3: {  	s1 =	srdreg.scid;
	s4 =	stileid.u32  }
0x4: {  	s3 =	rddreg [dreg:$0x2];
	s15 =	simm.s32 $0x3;
	s16 =	simm.s32 $0xB000  }
0x5: {  	s1 =	sand.u32 $0x1, s1;
	s5 =	sshll.u32 s4, $0x1;
	s4 =	simm.s32 $0x0  }
0x6: {  	s0 =	sadd.s32 $0x800, s0;
	s5 =	sor.u32 s1, s5;
	[smem:$0x7FF] =	sst s4  }
0x7: {  	s1 =	ssub.s32 $0x2, s1;
	s6 =	smul.u32 $0x50, s5;
	_ =	strace $0x80000047  }
0x8: {  	s7 =	sshrl.u32 s1, $0x1;
	s8 =	smul.u32 $0xA, s5;
	[dreg:$0x4] =	wrdreg s0  }
.Ltmp0:
0x9: {  	s31 =	sor.u32 $0x60, s5;
	s28 =	ssub.s32 s1, s7;
	(pc) =	sbr.rel .LBB2_1-.Ltmp0, $4  }
0xa: {  	[dreg:$0x7] =	wrdreg s31;
	s6 =	sshrl.u32 s6, $0x3;
	s30 =	sadd.s32 s2, s8  }
0xb: {  	s0 =	smax.u32 s28, $0x1;
	s29 =	sadd.s32 s2, s6;
	[dreg:$0x5] =	wrdreg s30  }
0xc: {  	s17 =	simm.s32 $0x4;
	[dreg:$0x8] =	wrdreg s0;
	s1 =	sadd.s32 $0x140, s29  }
0xd: {  	s9 =	sor.u32 $0x40, s5;
	s6 =	simm.s32 $0x0;
	[dreg:$0x6] =	wrdreg s1  }
.LBB2_9:
0xe: {  	s0 =	simm.s32 $0x1  }
0xf: {  	_ =	swait.ge [sflag:s0], $0xA000  }
0x10: {  	[sflag:s0] =	ssyncset.done $0x0  }
0x11: {  	s1 =	simm.s32 $0x2;
	[sflag:s0] =	ssyncadd.s32 $0xFFFF6000  }
0x12: {  	_ =	swait.ge [sflag:s1], $0xA000  }
0x13: {  	s6 =	rddreg [dreg:$0x9]  }
0x14: {  	s31 =	rddreg [dreg:$0x8];
	s6 =	sadd.s32 $0x1, s6  }
0x15: {  	p0 =	sne.s32 s6, s31  }
.Ltmp1:
0x16: {  	_ = 	snop;
	(pc) =	sbr.rel @!p0 .LBB2_10-.Ltmp1, $3  }
0x17: {  	_ =	sdelay $0x1  }
0x18: {  	[sflag:s1] =	ssyncset.done $0x0  }
0x19: {  	[sflag:s1] =	ssyncadd.s32 $0xFFFF6000  }
.LBB2_1:
0x1a: {  	[dreg:$0x9] =	wrdreg s6  }
0x1b: {  	s0 =	rddreg [dreg:$0x4]  }
0x1c: {  	s28 =	rddreg [dreg:$0x5]  }
0x1d: {  	[tilespmem:s4], [sflag:$0x5] =	stream.linear.gather [hbm4b:s0+s4], $0xB000, $0x38;
	[tilespmem:$0x1F100] =	vst v63  }
0x1e: {  	s1 =	simm.s32 $0x1F000;
	s29 =	rddreg [dreg:$0x6]  }
0x1f: {  	[tilespmem:s1], [sflag:$0x3] =	stream.linear.gather [hbm4b:s28+s4], $0x50, $0x38;
	[tilespmem:$0x1F100] =	vst v63  }
.Ltmp2:
0x20: {  	s30 =	simm.s32 $0x1F080;
	s31 =	simm.s32 $0x5;
	(pc) =	sbr.rel .LBB2_2-.Ltmp2, $4  }
0x21: {  	[tilespmem:s30], [sflag:$0x4] =	stream.linear.gather [hbm4b:s29+s4], $0x50, $0x38;
	[tilespmem:$0x1F100] =	vst v63  }
0x22: {  	_ =	swait.ge [sflag:s31], $0xB000  }
0x23: {  	[sflag:s31] =	ssyncset.done $0x0  }
0x24: {  	s22 =	simm.s32 $0x0;
	[sflag:s31] =	ssyncadd.s32 $0xFFFF5000  }
.LBB2_8:
0x25: {  	s22 =	sadd.s32 $0x1, s22  }
0x26: {  	p0 =	sne.s32 s22, $0x14  }
.Ltmp3:
0x27: {  	_ = 	snop;
	(pc) =	sbr.rel @!p0 .LBB2_9-.Ltmp3, $1  }
0x28: {  	_ =	sdelay $0x3  }
.LBB2_2:
0x29: {  	_ =	swait.ge [sflag:s15], $0x50  }
0x2a: {  	p0 =	seq.s32 s22, $0x0;
	[sflag:s15] =	ssyncset.done $0x0  }
0x2b: {  	s0 =	simm.s32 @!p0 $0x1;
	[sflag:s15] =	ssyncadd.s32 $0xFFFFFFB0  }
0x2c: {  	_ =	swait.ge @!p0 [sflag:s0], $0xA000  }
0x2d: {  	[sflag:s0] =	ssyncset.done @!p0 $0x0  }
0x2e: {  	s12 =	simm.s32 $0x0;
	[sflag:s0] =	ssyncadd.s32 @!p0 $0xFFFF6000  }
0x2f: {  	v0 =	vld [tilespmem:s12+$0x1F000];
	_ =	sdelay $0x4  }
0x30: {  	(v2sf) =	vpush v0, $0x0;
	_ =	sdelay $0xe  }
0x31: {  	s1 =	spop (v2sf)  }
0x32: {  	s6 =	sshll.u32 s1, $0x9;
	s1 =	sshll.u32 s1, $0x7  }
0x33: {  	s6 =	sand.u32 $0xFFFFF000, s6;
	s1 =	sand.u32 $0x380, s1  }
0x34: {  	s25 =	sor.u32 s1, s6  }
0x35: {  	v0 =	vld [tilespmem:s25+$0x0];
	_ =	sdelay $0x2  }
0x36: {  	s13 =	simm.s32 $0x0  }
0x37: {  	s24 =	sand.u32 $0x3FFFFE00, s13  }
0x38: {  	[tilespmem:s24+$0xB000] =	vst v0  }
0x39: {  	v0 =	vld [tilespmem:s25+$0x10];
	_ =	sdelay $0x4  }
0x3a: {  	[tilespmem:s24+$0xB010] =	vst v0  }
0x3b: {  	v0 =	vld [tilespmem:s25+$0x20];
	_ =	sdelay $0x4  }
0x3c: {  	[tilespmem:s24+$0xB020] =	vst v0  }
0x3d: {  	v0 =	vld [tilespmem:s25+$0x30];
	_ =	sdelay $0x4  }
0x3e: {  	[tilespmem:s24+$0xB030] =	vst v0  }
0x3f: {  	v0 =	vld [tilespmem:s25+$0x40];
	_ =	sdelay $0x4  }
0x40: {  	[tilespmem:s24+$0xB040] =	vst v0  }
0x41: {  	v0 =	vld [tilespmem:s25+$0x50];
	_ =	sdelay $0x4  }
0x42: {  	[tilespmem:s24+$0xB050] =	vst v0  }
0x43: {  	v0 =	vld [tilespmem:s25+$0x60];
	_ =	sdelay $0x4  }
0x44: {  	[tilespmem:s24+$0xB060] =	vst v0  }
0x45: {  	v0 =	vld [tilespmem:s25+$0x70];
	_ =	sdelay $0x4  }
0x46: {  	[tilespmem:s24+$0xB070] =	vst v0  }
0x47: {  	v0 =	vld [tilespmem:s25+$0x400];
	_ =	sdelay $0x3  }
0x48: {  	v1 =	vld [tilespmem:s12+$0x1F007]  }
0x49: {  	v2 =	vld [tilespmem:s12+$0x1F001];
	[tilespmem:s24+$0xB400] =	vst v0  }
0x4a: {  	v0 =	vld [tilespmem:s25+$0x410]  }
0x4b: {  	v3 =	vld [tilespmem:s12+$0x1F002];
	_ =	sdelay $0x1  }
0x4c: {  	(v2sf) =	vpush v1, $0x0;
	v1 =	vld [tilespmem:s12+$0x1F003];
	_ =	sdelay $0x1  }
0x4d: {  	(v2sf) =	vpush v2, $0x0;
	[tilespmem:s24+$0xB410] =	vst v0  }
0x4e: {  	(v2sf) =	vpush v3, $0x0;
	v4 =	vld [tilespmem:s25+$0x420]  }
0x4f: {  	v0 =	vld [tilespmem:s12+$0x1F004]  }
0x50: {  	(v2sf) =	vpush v1, $0x0;
	_ =	sdelay $0x1  }
0x51: {  	v5 =	vld [tilespmem:s12+$0x1F005]  }
0x52: {  	v2 =	vld [tilespmem:s12+$0x1F006];
	[tilespmem:s24+$0xB420] =	vst v4  }
0x53: {  	(v2sf) =	vpush v0, $0x0;
	v0 =	vld [tilespmem:s25+$0x430];
	_ =	sdelay $0x2  }
0x54: {  	(v2sf) =	vpush v5, $0x0  }
0x55: {  	(v2sf) =	vpush v2, $0x0  }
0x56: {  	[tilespmem:s24+$0xB430] =	vst v0  }
0x57: {  	s14 =	spop (v2sf);
	v0 =	vld [tilespmem:s25+$0x440]  }
0x58: {  	s18 =	sshll.u32 s14, $0x9;
	s0 =	sshll.u32 s14, $0x7  }
0x59: {  	s19 =	spop (v2sf);
	s1 =	sand.u32 $0xFFFFF000, s18;
	s0 =	sand.u32 $0x380, s0  }
0x5a: {  	s20 =	spop (v2sf);
	s12 =	sor.u32 s0, s1  }
0x5b: {  	s13 =	sshll.u32 s20, $0x9;
	v1 =	vld [tilespmem:s12+$0x0]  }
0x5c: {  	s13 =	sand.u32 $0xFFFFF000, s13;
	s7 =	spop (v2sf);
	s1 =	sshll.u32 s20, $0x7;
	[tilespmem:s24+$0xB440] =	vst v0  }
0x5d: {  	s26 =	sshll.u32 s7, $0x9;
	s7 =	sshll.u32 s7, $0x7;
	s1 =	sand.u32 $0x380, s1;
	v0 =	vld [tilespmem:s25+$0x450]  }
0x5e: {  	s10 =	sand.u32 $0xFFFFF000, s26;
	s14 =	sand.u32 $0x380, s7;
	s1 =	sor.u32 s1, s13  }
0x5f: {  	s30 =	sor.u32 s14, s10;
	v3 =	vld [tilespmem:s1+$0x0]  }
0x60: {  	[tilespmem:s24+$0xB380] =	vst v1;
	v4 =	vld [tilespmem:s30+$0x0]  }
0x61: {  	s21 =	sshll.u32 s19, $0x9;
	s0 =	sshll.u32 s19, $0x7;
	v1 =	vld [tilespmem:s12+$0x10]  }
0x62: {  	s6 =	sand.u32 $0xFFFFF000, s21;
	s0 =	sand.u32 $0x380, s0;
	s23 =	spop (v2sf);
	[tilespmem:s24+$0xB450] =	vst v0  }
0x63: {  	s31 =	sor.u32 s0, s6;
	s28 =	spop (v2sf);
	v0 =	vld [tilespmem:s25+$0x460]  }
0x64: {  	v2 =	vld [tilespmem:s31+$0x0];
	[tilespmem:s24+$0xB100] =	vst v3;
	s29 =	sshll.u32 s23, $0x9;
	s23 =	sshll.u32 s23, $0x7;
	s8 =	spop (v2sf)  }
0x65: {  	[tilespmem:s24+$0xB180] =	vst v4;
	s11 =	sshll.u32 s28, $0x9;
	s18 =	sshll.u32 s28, $0x7;
	s21 =	sand.u32 $0xFFFFF000, s29  }
0x66: {  	v4 =	vld [tilespmem:s1+$0x10];
	[tilespmem:s24+$0xB390] =	vst v1;
	s23 =	sand.u32 $0x380, s23;
	s19 =	sshll.u32 s8, $0x9;
	s20 =	sshll.u32 s8, $0x7  }
0x67: {  	v1 =	vld [tilespmem:s12+$0x20];
	s11 =	sand.u32 $0xFFFFF000, s11;
	s7 =	sand.u32 $0x380, s18;
	s28 =	sor.u32 s23, s21  }
0x68: {  	s26 =	sand.u32 $0xFFFFF000, s19;
	s0 =	sand.u32 $0x380, s20;
	s29 =	sor.u32 s7, s11;
	[tilespmem:s24+$0xB460] =	vst v0;
	v0 =	vld [tilespmem:s28+$0x0]  }
0x69: {  	[tilespmem:s24+$0xB080] =	vst v2;
	s26 =	sor.u32 s0, s26;
	v2 =	vld [tilespmem:s29+$0x0]  }
0x6a: {  	v3 =	vld [tilespmem:s26+$0x0]  }
0x6b: {  	v5 =	vld [tilespmem:s31+$0x10];
	[tilespmem:s24+$0xB110] =	vst v4  }
0x6c: {  	[tilespmem:s24+$0xB3A0] =	vst v1  }
0x6d: {  	[tilespmem:s24+$0xB200] =	vst v0;
	v0 =	vld [tilespmem:s12+$0x30]  }
0x6e: {  	v1 =	vld [tilespmem:s30+$0x10];
	[tilespmem:s24+$0xB280] =	vst v2  }
0x6f: {  	[tilespmem:s24+$0xB300] =	vst v3;
	v3 =	vld [tilespmem:s29+$0x10]  }
0x70: {  	[tilespmem:s24+$0xB090] =	vst v5;
	v4 =	vld [tilespmem:s26+$0x10]  }
0x71: {  	v5 =	vld [tilespmem:s31+$0x20]  }
0x72: {  	v2 =	vld [tilespmem:s28+$0x10];
	[tilespmem:s24+$0xB3B0] =	vst v0  }
0x73: {  	[tilespmem:s24+$0xB190] =	vst v1;
	v0 =	vld [tilespmem:s12+$0x40]  }
0x74: {  	v1 =	vld [tilespmem:s1+$0x20];
	[tilespmem:s24+$0xB290] =	vst v3  }
0x75: {  	[tilespmem:s24+$0xB310] =	vst v4;
	v4 =	vld [tilespmem:s29+$0x20]  }
0x76: {  	[tilespmem:s24+$0xB0A0] =	vst v5;
	v5 =	vld [tilespmem:s26+$0x20]  }
0x77: {  	[tilespmem:s24+$0xB210] =	vst v2;
	v2 =	vld [tilespmem:s30+$0x20]  }
0x78: {  	v3 =	vld [tilespmem:s28+$0x20];
	[tilespmem:s24+$0xB3C0] =	vst v0  }
0x79: {  	[tilespmem:s24+$0xB120] =	vst v1;
	v0 =	vld [tilespmem:s12+$0x50]  }
0x7a: {  	v1 =	vld [tilespmem:s31+$0x30];
	[tilespmem:s24+$0xB2A0] =	vst v4  }
0x7b: {  	[tilespmem:s24+$0xB320] =	vst v5;
	v5 =	vld [tilespmem:s29+$0x30]  }
0x7c: {  	[tilespmem:s24+$0xB1A0] =	vst v2;
	v2 =	vld [tilespmem:s1+$0x30]  }
0x7d: {  	[tilespmem:s24+$0xB220] =	vst v3;
	v3 =	vld [tilespmem:s30+$0x30]  }
0x7e: {  	v4 =	vld [tilespmem:s28+$0x30];
	[tilespmem:s24+$0xB3D0] =	vst v0  }
0x7f: {  	[tilespmem:s24+$0xB0B0] =	vst v1;
	v0 =	vld [tilespmem:s12+$0x60]  }
0x80: {  	v1 =	vld [tilespmem:s26+$0x30];
	[tilespmem:s24+$0xB2B0] =	vst v5  }
0x81: {  	[tilespmem:s24+$0xB130] =	vst v2;
	v2 =	vld [tilespmem:s31+$0x40]  }
0x82: {  	[tilespmem:s24+$0xB1B0] =	vst v3;
	v3 =	vld [tilespmem:s1+$0x40]  }
0x83: {  	[tilespmem:s24+$0xB230] =	vst v4;
	v4 =	vld [tilespmem:s30+$0x40]  }
0x84: {  	v5 =	vld [tilespmem:s28+$0x40];
	[tilespmem:s24+$0xB3E0] =	vst v0  }
0x85: {  	[tilespmem:s24+$0xB330] =	vst v1;
	v0 =	vld [tilespmem:s12+$0x70]  }
0x86: {  	v1 =	vld [tilespmem:s29+$0x40];
	[tilespmem:s24+$0xB0C0] =	vst v2  }
0x87: {  	v2 =	vld [tilespmem:s26+$0x40];
	[tilespmem:s24+$0xB140] =	vst v3  }
0x88: {  	v3 =	vld [tilespmem:s31+$0x50];
	[tilespmem:s24+$0xB1C0] =	vst v4  }
0x89: {  	v4 =	vld [tilespmem:s1+$0x50];
	[tilespmem:s24+$0xB240] =	vst v5  }
0x8a: {  	v5 =	vld [tilespmem:s30+$0x50];
	[tilespmem:s24+$0xB3F0] =	vst v0  }
0x8b: {  	[tilespmem:s24+$0xB2C0] =	vst v1;
	v0 =	vld [tilespmem:s12+$0x400]  }
0x8c: {  	v1 =	vld [tilespmem:s28+$0x50];
	[tilespmem:s24+$0xB340] =	vst v2  }
0x8d: {  	v2 =	vld [tilespmem:s29+$0x50];
	[tilespmem:s24+$0xB0D0] =	vst v3  }
0x8e: {  	v3 =	vld [tilespmem:s26+$0x50];
	[tilespmem:s24+$0xB150] =	vst v4  }
0x8f: {  	v4 =	vld [tilespmem:s31+$0x60];
	[tilespmem:s24+$0xB1D0] =	vst v5  }
0x90: {  	v5 =	vld [tilespmem:s1+$0x60];
	[tilespmem:s24+$0xB780] =	vst v0  }
0x91: {  	[tilespmem:s24+$0xB250] =	vst v1;
	v0 =	vld [tilespmem:s12+$0x410]  }
0x92: {  	v1 =	vld [tilespmem:s30+$0x60];
	[tilespmem:s24+$0xB2D0] =	vst v2  }
0x93: {  	v2 =	vld [tilespmem:s28+$0x60];
	[tilespmem:s24+$0xB350] =	vst v3  }
0x94: {  	v3 =	vld [tilespmem:s29+$0x60];
	[tilespmem:s24+$0xB0E0] =	vst v4  }
0x95: {  	v4 =	vld [tilespmem:s26+$0x60];
	[tilespmem:s24+$0xB160] =	vst v5  }
0x96: {  	v5 =	vld [tilespmem:s31+$0x70];
	[tilespmem:s24+$0xB790] =	vst v0  }
0x97: {  	[tilespmem:s24+$0xB1E0] =	vst v1;
	v0 =	vld [tilespmem:s12+$0x420]  }
0x98: {  	v1 =	vld [tilespmem:s1+$0x70];
	[tilespmem:s24+$0xB260] =	vst v2  }
0x99: {  	v2 =	vld [tilespmem:s30+$0x70];
	[tilespmem:s24+$0xB2E0] =	vst v3  }
0x9a: {  	v3 =	vld [tilespmem:s28+$0x70];
	[tilespmem:s24+$0xB360] =	vst v4  }
0x9b: {  	v4 =	vld [tilespmem:s29+$0x70];
	[tilespmem:s24+$0xB0F0] =	vst v5  }
0x9c: {  	v5 =	vld [tilespmem:s26+$0x70];
	[tilespmem:s24+$0xB7A0] =	vst v0  }
0x9d: {  	[tilespmem:s24+$0xB170] =	vst v1;
	v0 =	vld [tilespmem:s12+$0x430]  }
0x9e: {  	v1 =	vld [tilespmem:s31+$0x400];
	[tilespmem:s24+$0xB1F0] =	vst v2  }
0x9f: {  	v2 =	vld [tilespmem:s1+$0x400];
	[tilespmem:s24+$0xB270] =	vst v3  }
0xa0: {  	v3 =	vld [tilespmem:s30+$0x400];
	[tilespmem:s24+$0xB2F0] =	vst v4  }
0xa1: {  	v4 =	vld [tilespmem:s28+$0x400];
	[tilespmem:s24+$0xB370] =	vst v5  }
0xa2: {  	v5 =	vld [tilespmem:s29+$0x400];
	[tilespmem:s24+$0xB7B0] =	vst v0  }
0xa3: {  	[tilespmem:s24+$0xB480] =	vst v1;
	v0 =	vld [tilespmem:s12+$0x440]  }
0xa4: {  	v1 =	vld [tilespmem:s26+$0x400];
	[tilespmem:s24+$0xB500] =	vst v2  }
0xa5: {  	v2 =	vld [tilespmem:s31+$0x410];
	[tilespmem:s24+$0xB580] =	vst v3  }
0xa6: {  	v3 =	vld [tilespmem:s1+$0x410];
	[tilespmem:s24+$0xB600] =	vst v4  }
0xa7: {  	v4 =	vld [tilespmem:s30+$0x410];
	[tilespmem:s24+$0xB680] =	vst v5  }
0xa8: {  	v5 =	vld [tilespmem:s28+$0x410];
	[tilespmem:s24+$0xB7C0] =	vst v0  }
0xa9: {  	[tilespmem:s24+$0xB700] =	vst v1;
	v0 =	vld [tilespmem:s12+$0x450]  }
0xaa: {  	v1 =	vld [tilespmem:s29+$0x410];
	[tilespmem:s24+$0xB490] =	vst v2  }
0xab: {  	v2 =	vld [tilespmem:s26+$0x410];
	[tilespmem:s24+$0xB510] =	vst v3  }
0xac: {  	v3 =	vld [tilespmem:s31+$0x420];
	[tilespmem:s24+$0xB590] =	vst v4  }
0xad: {  	v4 =	vld [tilespmem:s1+$0x420];
	[tilespmem:s24+$0xB610] =	vst v5  }
0xae: {  	v5 =	vld [tilespmem:s30+$0x420];
	[tilespmem:s24+$0xB7D0] =	vst v0  }
0xaf: {  	[tilespmem:s24+$0xB690] =	vst v1;
	v0 =	vld [tilespmem:s12+$0x460]  }
0xb0: {  	v1 =	vld [tilespmem:s28+$0x420];
	[tilespmem:s24+$0xB710] =	vst v2  }
0xb1: {  	v2 =	vld [tilespmem:s29+$0x420];
	[tilespmem:s24+$0xB4A0] =	vst v3  }
0xb2: {  	v3 =	vld [tilespmem:s26+$0x420];
	[tilespmem:s24+$0xB520] =	vst v4  }
0xb3: {  	v4 =	vld [tilespmem:s31+$0x430];
	[tilespmem:s24+$0xB5A0] =	vst v5  }
0xb4: {  	v5 =	vld [tilespmem:s1+$0x430];
	[tilespmem:s24+$0xB7E0] =	vst v0  }
0xb5: {  	[tilespmem:s24+$0xB620] =	vst v1;
	v0 =	vld [tilespmem:s12+$0x470]  }
0xb6: {  	v1 =	vld [tilespmem:s30+$0x430];
	[tilespmem:s24+$0xB6A0] =	vst v2  }
0xb7: {  	v2 =	vld [tilespmem:s28+$0x430];
	[tilespmem:s24+$0xB720] =	vst v3  }
0xb8: {  	v3 =	vld [tilespmem:s29+$0x430];
	[tilespmem:s24+$0xB4B0] =	vst v4  }
0xb9: {  	v4 =	vld [tilespmem:s26+$0x430];
	[tilespmem:s24+$0xB530] =	vst v5  }
0xba: {  	v5 =	vld [tilespmem:s31+$0x440];
	[tilespmem:s24+$0xB7F0] =	vst v0  }
0xbb: {  	[tilespmem:s24+$0xB5B0] =	vst v1;
	v0 =	vld [tilespmem:s12+$0x800]  }
0xbc: {  	v1 =	vld [tilespmem:s1+$0x440];
	[tilespmem:s24+$0xB630] =	vst v2  }
0xbd: {  	v2 =	vld [tilespmem:s30+$0x440];
	[tilespmem:s24+$0xB6B0] =	vst v3  }
0xbe: {  	v3 =	vld [tilespmem:s28+$0x440];
	[tilespmem:s24+$0xB730] =	vst v4  }
0xbf: {  	v4 =	vld [tilespmem:s29+$0x440];
	[tilespmem:s24+$0xB4C0] =	vst v5  }
0xc0: {  	v5 =	vld [tilespmem:s26+$0x440];
	[tilespmem:s24+$0xBB80] =	vst v0  }
0xc1: {  	[tilespmem:s24+$0xB540] =	vst v1;
	v0 =	vld [tilespmem:s12+$0x810]  }
0xc2: {  	v1 =	vld [tilespmem:s31+$0x450];
	[tilespmem:s24+$0xB5C0] =	vst v2  }
0xc3: {  	v2 =	vld [tilespmem:s1+$0x450];
	[tilespmem:s24+$0xB640] =	vst v3  }
0xc4: {  	v3 =	vld [tilespmem:s30+$0x450];
	[tilespmem:s24+$0xB6C0] =	vst v4  }
0xc5: {  	v4 =	vld [tilespmem:s28+$0x450];
	[tilespmem:s24+$0xB740] =	vst v5  }
0xc6: {  	v5 =	vld [tilespmem:s29+$0x450];
	[tilespmem:s24+$0xBB90] =	vst v0  }
0xc7: {  	[tilespmem:s24+$0xB4D0] =	vst v1;
	v0 =	vld [tilespmem:s12+$0x820]  }
0xc8: {  	v1 =	vld [tilespmem:s26+$0x450];
	[tilespmem:s24+$0xB550] =	vst v2  }
0xc9: {  	v2 =	vld [tilespmem:s31+$0x460];
	[tilespmem:s24+$0xB5D0] =	vst v3  }
0xca: {  	v3 =	vld [tilespmem:s1+$0x460];
	[tilespmem:s24+$0xB650] =	vst v4  }
0xcb: {  	v4 =	vld [tilespmem:s30+$0x460];
	[tilespmem:s24+$0xB6D0] =	vst v5  }
0xcc: {  	v5 =	vld [tilespmem:s28+$0x460];
	[tilespmem:s24+$0xBBA0] =	vst v0  }
0xcd: {  	[tilespmem:s24+$0xB750] =	vst v1;
	v0 =	vld [tilespmem:s12+$0x830]  }
0xce: {  	v1 =	vld [tilespmem:s29+$0x460];
	[tilespmem:s24+$0xB4E0] =	vst v2  }
0xcf: {  	v2 =	vld [tilespmem:s26+$0x460];
	[tilespmem:s24+$0xB560] =	vst v3  }
0xd0: {  	v3 =	vld [tilespmem:s31+$0x470];
	[tilespmem:s24+$0xB5E0] =	vst v4  }
0xd1: {  	v4 =	vld [tilespmem:s1+$0x470];
	[tilespmem:s24+$0xB660] =	vst v5  }
0xd2: {  	v5 =	vld [tilespmem:s30+$0x470];
	[tilespmem:s24+$0xBBB0] =	vst v0  }
0xd3: {  	[tilespmem:s24+$0xB6E0] =	vst v1;
	v0 =	vld [tilespmem:s12+$0x840]  }
0xd4: {  	v1 =	vld [tilespmem:s28+$0x470];
	[tilespmem:s24+$0xB760] =	vst v2  }
0xd5: {  	v2 =	vld [tilespmem:s29+$0x470];
	[tilespmem:s24+$0xB4F0] =	vst v3  }
0xd6: {  	v3 =	vld [tilespmem:s26+$0x470];
	[tilespmem:s24+$0xB570] =	vst v4  }
0xd7: {  	v4 =	vld [tilespmem:s25+$0x470];
	[tilespmem:s24+$0xB5F0] =	vst v5  }
0xd8: {  	v5 =	vld [tilespmem:s31+$0x800];
	[tilespmem:s24+$0xBBC0] =	vst v0  }
0xd9: {  	[tilespmem:s24+$0xB670] =	vst v1;
	v0 =	vld [tilespmem:s12+$0x850]  }
0xda: {  	v1 =	vld [tilespmem:s1+$0x800];
	[tilespmem:s24+$0xB6F0] =	vst v2  }
0xdb: {  	v2 =	vld [tilespmem:s30+$0x800];
	[tilespmem:s24+$0xB770] =	vst v3  }
0xdc: {  	v3 =	vld [tilespmem:s28+$0x800];
	[tilespmem:s24+$0xB470] =	vst v4  }
0xdd: {  	v4 =	vld [tilespmem:s29+$0x800];
	[tilespmem:s24+$0xB880] =	vst v5  }
0xde: {  	v5 =	vld [tilespmem:s26+$0x800];
	[tilespmem:s24+$0xBBD0] =	vst v0  }
0xdf: {  	[tilespmem:s24+$0xB900] =	vst v1;
	v0 =	vld [tilespmem:s12+$0x860]  }
0xe0: {  	v1 =	vld [tilespmem:s25+$0x800];
	[tilespmem:s24+$0xB980] =	vst v2  }
0xe1: {  	v2 =	vld [tilespmem:s31+$0x810];
	[tilespmem:s24+$0xBA00] =	vst v3  }
0xe2: {  	v3 =	vld [tilespmem:s1+$0x810];
	[tilespmem:s24+$0xBA80] =	vst v4  }
0xe3: {  	v4 =	vld [tilespmem:s30+$0x810];
	[tilespmem:s24+$0xBB00] =	vst v5  }
0xe4: {  	v5 =	vld [tilespmem:s28+$0x810];
	[tilespmem:s24+$0xBBE0] =	vst v0  }
0xe5: {  	[tilespmem:s24+$0xB800] =	vst v1;
	v0 =	vld [tilespmem:s12+$0x870]  }
0xe6: {  	v1 =	vld [tilespmem:s29+$0x810];
	[tilespmem:s24+$0xB890] =	vst v2  }
0xe7: {  	v2 =	vld [tilespmem:s26+$0x810];
	[tilespmem:s24+$0xB910] =	vst v3  }
0xe8: {  	v3 =	vld [tilespmem:s25+$0x810];
	[tilespmem:s24+$0xB990] =	vst v4  }
0xe9: {  	v4 =	vld [tilespmem:s31+$0x820];
	[tilespmem:s24+$0xBA10] =	vst v5  }
0xea: {  	v5 =	vld [tilespmem:s1+$0x820];
	[tilespmem:s24+$0xBBF0] =	vst v0  }
0xeb: {  	[tilespmem:s24+$0xBA90] =	vst v1;
	v0 =	vld [tilespmem:s12+$0xC00]  }
0xec: {  	v1 =	vld [tilespmem:s30+$0x820];
	[tilespmem:s24+$0xBB10] =	vst v2  }
0xed: {  	v2 =	vld [tilespmem:s28+$0x820];
	[tilespmem:s24+$0xB810] =	vst v3  }
0xee: {  	v3 =	vld [tilespmem:s29+$0x820];
	[tilespmem:s24+$0xB8A0] =	vst v4  }
0xef: {  	v4 =	vld [tilespmem:s26+$0x820];
	[tilespmem:s24+$0xB920] =	vst v5  }
0xf0: {  	v5 =	vld [tilespmem:s25+$0x820];
	[tilespmem:s24+$0xBF80] =	vst v0  }
0xf1: {  	[tilespmem:s24+$0xB9A0] =	vst v1;
	v6 =	vld [tilespmem:s12+$0xC10]  }
0xf2: {  	v7 =	vld [tilespmem:s31+$0x830];
	[tilespmem:s24+$0xBA20] =	vst v2  }
0xf3: {  	v1 =	vld [tilespmem:s1+$0x830];
	[tilespmem:s24+$0xBAA0] =	vst v3  }
0xf4: {  	v3 =	vld [tilespmem:s30+$0x830];
	[tilespmem:s24+$0xBB20] =	vst v4  }
0xf5: {  	v2 =	vld [tilespmem:s28+$0x830];
	[tilespmem:s24+$0xB820] =	vst v5  }
0xf6: {  	s23 =	sshll.u32 s22, $0x6;
	v0 =	vld [tilespmem:s29+$0x830];
	[tilespmem:s24+$0xBF90] =	vst v6  }
0xf7: {  	s13 =	simm.s32 $0x8;
	s0 =	sor.u32 s5, s23;
	[tilespmem:s24+$0xB8B0] =	vst v7;
	v4 =	vld [tilespmem:s12+$0xC20]  }
.LBB2_3:
0xf8: {  	v5 =	vld [tilespmem:s13+$0x1F000];
	p1 =	slt.u32 s13, $0x48;
	[tilespmem:s24+$0xB930] =	vst v1  }
0xf9: {  	[tilespmem:s24+$0xB9B0] =	vst v3;
	v1 =	vld [tilespmem:s26+$0x830]  }
0xfa: {  	v3 =	vld [tilespmem:s25+$0x830];
	[tilespmem:s24+$0xBA30] =	vst v2  }
0xfb: {  	v2 =	vld [tilespmem:s31+$0x840];
	[tilespmem:s24+$0xBAB0] =	vst v0  }
0xfc: {  	v0 =	vld [tilespmem:s1+$0x840];
	[tilespmem:s24+$0xBFA0] =	vst v4  }
0xfd: {  	(v2sf) =	vpush v5, $0x0;
	v4 =	vld [tilespmem:s12+$0xC30]  }
0xfe: {  	v5 =	vld [tilespmem:s30+$0x840];
	[tilespmem:s24+$0xBB30] =	vst v1  }
0xff: {  	[tilespmem:s24+$0xB830] =	vst v3;
	v1 =	vld [tilespmem:s28+$0x840]  }
0x100: {  	[tilespmem:s24+$0xB8C0] =	vst v2;
	v2 =	vld [tilespmem:s29+$0x840]  }
0x101: {  	[tilespmem:s24+$0xB940] =	vst v0;
	v0 =	vld [tilespmem:s26+$0x840]  }
0x102: {  	v3 =	vld [tilespmem:s25+$0x840];
	[tilespmem:s24+$0xBFB0] =	vst v4  }
0x103: {  	[tilespmem:s24+$0xB9C0] =	vst v5;
	v4 =	vld [tilespmem:s12+$0xC40]  }
0x104: {  	v5 =	vld [tilespmem:s31+$0x850];
	[tilespmem:s24+$0xBA40] =	vst v1  }
0x105: {  	v1 =	vld [tilespmem:s1+$0x850];
	[tilespmem:s24+$0xBAC0] =	vst v2  }
0x106: {  	v2 =	vld [tilespmem:s30+$0x850];
	[tilespmem:s24+$0xBB40] =	vst v0  }
0x107: {  	[tilespmem:s24+$0xB840] =	vst v3;
	v0 =	vld [tilespmem:s28+$0x850]  }
0x108: {  	v3 =	vld [tilespmem:s29+$0x850];
	[tilespmem:s24+$0xBFC0] =	vst v4  }
0x109: {  	[tilespmem:s24+$0xB8D0] =	vst v5;
	v4 =	vld [tilespmem:s12+$0xC50]  }
0x10a: {  	[tilespmem:s24+$0xB950] =	vst v1  }
0x10b: {  	v1 =	vld [tilespmem:s26+$0x850]  }
0x10c: {  	v5 =	vld [tilespmem:s25+$0x850];
	[tilespmem:s24+$0xB9D0] =	vst v2  }
0x10d: {  	s6 =	spop (v2sf);
	v2 =	vld [tilespmem:s31+$0x860];
	[tilespmem:s24+$0xBA50] =	vst v0  }
0x10e: {  	s7 =	sshll.u32 s6, $0x9;
	s6 =	sshll.u32 s6, $0x7;
	v0 =	vld [tilespmem:s1+$0x860];
	[tilespmem:s24+$0xBAD0] =	vst v3  }
0x10f: {  	s7 =	sand.u32 $0xFFFFF000, s7;
	s6 =	sand.u32 $0x380, s6;
	v3 =	vld [tilespmem:s30+$0x860];
	[tilespmem:s24+$0xBFD0] =	vst v4  }
0x110: {  	s6 =	sor.u32 s6, s7;
	[tilespmem:s24+$0xBB50] =	vst v1;
	v1 =	vld [tilespmem:s12+$0xC60]  }
0x111: {  	v4 =	vld [tilespmem:s6+$0x0];
	[tilespmem:s24+$0xB850] =	vst v5  }
0x112: {  	[tilespmem:s24+$0xB8E0] =	vst v2;
	v2 =	vld [tilespmem:s28+$0x860]  }
0x113: {  	[tilespmem:s24+$0xB960] =	vst v0;
	v0 =	vld [tilespmem:s29+$0x860]  }
0x114: {  	s7 =	sshll.u32 s13, $0x9;
	[tilespmem:s24+$0xB9E0] =	vst v3;
	v3 =	vld [tilespmem:s26+$0x860]  }
0x115: {  	s7 =	sand.u32 $0x3FFFFE00, s7;
	v5 =	vld [tilespmem:s25+$0x860];
	[tilespmem:s24+$0xBFE0] =	vst v1  }
0x116: {  	[tilespmem:s7+$0xB000] =	vst v4;
	v1 =	vld [tilespmem:s12+$0xC70]  }
0x117: {  	v4 =	vld [tilespmem:s6+$0x10];
	[tilespmem:s24+$0xBA60] =	vst v2  }
0x118: {  	v2 =	vld [tilespmem:s31+$0x870];
	[tilespmem:s24+$0xBAE0] =	vst v0  }
0x119: {  	v0 =	vld [tilespmem:s1+$0x870];
	[tilespmem:s24+$0xBB60] =	vst v3  }
0x11a: {  	[tilespmem:s24+$0xB860] =	vst v5;
	v3 =	vld [tilespmem:s30+$0x870]  }
0x11b: {  	v5 =	vld [tilespmem:s28+$0x870];
	[tilespmem:s24+$0xBFF0] =	vst v1  }
0x11c: {  	[tilespmem:s7+$0xB010] =	vst v4;
	v1 =	vld [tilespmem:s29+$0x870]  }
0x11d: {  	v4 =	vld [tilespmem:s6+$0x20];
	[tilespmem:s24+$0xB8F0] =	vst v2  }
0x11e: {  	[tilespmem:s24+$0xB970] =	vst v0;
	v0 =	vld [tilespmem:s26+$0x870]  }
0x11f: {  	v2 =	vld [tilespmem:s25+$0x870];
	[tilespmem:s24+$0xB9F0] =	vst v3  }
0x120: {  	v3 =	vld [tilespmem:s31+$0xC00];
	[tilespmem:s24+$0xBA70] =	vst v5  }
0x121: {  	v5 =	vld [tilespmem:s1+$0xC00];
	[tilespmem:s24+$0xBAF0] =	vst v1  }
0x122: {  	[tilespmem:s7+$0xB020] =	vst v4;
	v1 =	vld [tilespmem:s30+$0xC00]  }
0x123: {  	v4 =	vld [tilespmem:s6+$0x30];
	[tilespmem:s24+$0xBB70] =	vst v0  }
0x124: {  	[tilespmem:s24+$0xB870] =	vst v2;
	v0 =	vld [tilespmem:s28+$0xC00]  }
0x125: {  	[tilespmem:s24+$0xBC80] =	vst v3;
	v2 =	vld [tilespmem:s29+$0xC00]  }
0x126: {  	[tilespmem:s24+$0xBD00] =	vst v5;
	v3 =	vld [tilespmem:s26+$0xC00]  }
0x127: {  	v5 =	vld [tilespmem:s25+$0xC00];
	[tilespmem:s24+$0xBD80] =	vst v1  }
0x128: {  	[tilespmem:s7+$0xB030] =	vst v4;
	v1 =	vld [tilespmem:s31+$0xC10]  }
0x129: {  	v4 =	vld [tilespmem:s6+$0x40];
	[tilespmem:s24+$0xBE00] =	vst v0  }
0x12a: {  	v0 =	vld [tilespmem:s1+$0xC10];
	[tilespmem:s24+$0xBE80] =	vst v2  }
0x12b: {  	v2 =	vld [tilespmem:s30+$0xC10];
	[tilespmem:s24+$0xBF00] =	vst v3  }
0x12c: {  	[tilespmem:s24+$0xBC00] =	vst v5;
	v3 =	vld [tilespmem:s28+$0xC10]  }
0x12d: {  	[tilespmem:s24+$0xBC90] =	vst v1;
	v1 =	vld [tilespmem:s29+$0xC10]  }
0x12e: {  	[tilespmem:s7+$0xB040] =	vst v4;
	v4 =	vld [tilespmem:s26+$0xC10]  }
0x12f: {  	v5 =	vld [tilespmem:s6+$0x50];
	[tilespmem:s24+$0xBD10] =	vst v0  }
0x130: {  	v0 =	vld [tilespmem:s25+$0xC10];
	[tilespmem:s24+$0xBD90] =	vst v2  }
0x131: {  	v2 =	vld [tilespmem:s31+$0xC20];
	[tilespmem:s24+$0xBE10] =	vst v3  }
0x132: {  	v3 =	vld [tilespmem:s1+$0xC20];
	[tilespmem:s24+$0xBE90] =	vst v1  }
0x133: {  	v1 =	vld [tilespmem:s30+$0xC20];
	[tilespmem:s24+$0xBF10] =	vst v4  }
0x134: {  	[tilespmem:s7+$0xB050] =	vst v5;
	v4 =	vld [tilespmem:s28+$0xC20]  }
0x135: {  	v5 =	vld [tilespmem:s6+$0x60];
	[tilespmem:s24+$0xBC10] =	vst v0  }
0x136: {  	[tilespmem:s24+$0xBCA0] =	vst v2;
	v0 =	vld [tilespmem:s29+$0xC20]  }
0x137: {  	[tilespmem:s24+$0xBD20] =	vst v3;
	v2 =	vld [tilespmem:s26+$0xC20]  }
0x138: {  	v3 =	vld [tilespmem:s25+$0xC20];
	[tilespmem:s24+$0xBDA0] =	vst v1  }
0x139: {  	v1 =	vld [tilespmem:s31+$0xC30];
	[tilespmem:s24+$0xBE20] =	vst v4  }
0x13a: {  	[tilespmem:s7+$0xB060] =	vst v5;
	v4 =	vld [tilespmem:s1+$0xC30]  }
0x13b: {  	v5 =	vld [tilespmem:s6+$0x70];
	[tilespmem:s24+$0xBEA0] =	vst v0  }
0x13c: {  	v0 =	vld [tilespmem:s30+$0xC30];
	[tilespmem:s24+$0xBF20] =	vst v2  }
0x13d: {  	[tilespmem:s24+$0xBC20] =	vst v3;
	v2 =	vld [tilespmem:s28+$0xC30]  }
0x13e: {  	[tilespmem:s24+$0xBCB0] =	vst v1;
	v1 =	vld [tilespmem:s29+$0xC30]  }
0x13f: {  	[tilespmem:s24+$0xBD30] =	vst v4;
	v3 =	vld [tilespmem:s26+$0xC30]  }
0x140: {  	[tilespmem:s7+$0xB070] =	vst v5;
	v4 =	vld [tilespmem:s25+$0xC30]  }
0x141: {  	v5 =	vld [tilespmem:s6+$0x400];
	[tilespmem:s24+$0xBDB0] =	vst v0  }
0x142: {  	v0 =	vld [tilespmem:s31+$0xC40];
	[tilespmem:s24+$0xBE30] =	vst v2  }
0x143: {  	v2 =	vld [tilespmem:s1+$0xC40];
	[tilespmem:s24+$0xBEB0] =	vst v1  }
0x144: {  	v1 =	vld [tilespmem:s30+$0xC40];
	[tilespmem:s24+$0xBF30] =	vst v3  }
0x145: {  	[tilespmem:s24+$0xBC30] =	vst v4;
	v3 =	vld [tilespmem:s28+$0xC40]  }
0x146: {  	[tilespmem:s7+$0xB400] =	vst v5;
	v4 =	vld [tilespmem:s29+$0xC40]  }
0x147: {  	v5 =	vld [tilespmem:s6+$0x410];
	[tilespmem:s24+$0xBCC0] =	vst v0  }
0x148: {  	[tilespmem:s24+$0xBD40] =	vst v2;
	v0 =	vld [tilespmem:s26+$0xC40]  }
0x149: {  	v2 =	vld [tilespmem:s25+$0xC40];
	[tilespmem:s24+$0xBDC0] =	vst v1  }
0x14a: {  	v1 =	vld [tilespmem:s31+$0xC50];
	[tilespmem:s24+$0xBE40] =	vst v3  }
0x14b: {  	v3 =	vld [tilespmem:s1+$0xC50];
	[tilespmem:s24+$0xBEC0] =	vst v4  }
0x14c: {  	[tilespmem:s7+$0xB410] =	vst v5;
	v4 =	vld [tilespmem:s30+$0xC50]  }
0x14d: {  	v5 =	vld [tilespmem:s13+$0x1F007];
	[tilespmem:s24+$0xBF40] =	vst v0  }
0x14e: {  	v0 =	vld [tilespmem:s13+$0x1F001];
	[tilespmem:s24+$0xBC40] =	vst v2  }
0x14f: {  	v2 =	vld [tilespmem:s13+$0x1F002];
	[tilespmem:s24+$0xBCD0] =	vst v1  }
0x150: {  	v1 =	vld [tilespmem:s13+$0x1F003];
	[tilespmem:s24+$0xBD50] =	vst v3  }
0x151: {  	v3 =	vld [tilespmem:s13+$0x1F004];
	[tilespmem:s24+$0xBDD0] =	vst v4  }
0x152: {  	v4 =	vld [tilespmem:s13+$0x1F005];
	(v2sf) =	vpush v5, $0x0  }
0x153: {  	v5 =	vld [tilespmem:s13+$0x1F006];
	(v2sf) =	vpush v0, $0x0  }
0x154: {  	v0 =	vld [tilespmem:s6+$0x420];
	(v2sf) =	vpush v2, $0x0  }
0x155: {  	(v2sf) =	vpush v1, $0x0;
	v1 =	vld [tilespmem:s28+$0xC50]  }
0x156: {  	(v2sf) =	vpush v3, $0x0;
	v2 =	vld [tilespmem:s29+$0xC50]  }
0x157: {  	(v2sf) =	vpush v4, $0x0;
	v3 =	vld [tilespmem:s26+$0xC50]  }
0x158: {  	(v2sf) =	vpush v5, $0x0;
	v4 =	vld [tilespmem:s25+$0xC50]  }
0x159: {  	[tilespmem:s7+$0xB420] =	vst v0;
	v0 =	vld [tilespmem:s31+$0xC60]  }
0x15a: {  	v5 =	vld [tilespmem:s6+$0x430];
	[tilespmem:s24+$0xBE50] =	vst v1  }
0x15b: {  	v1 =	vld [tilespmem:s1+$0xC60];
	[tilespmem:s24+$0xBED0] =	vst v2  }
0x15c: {  	v2 =	vld [tilespmem:s30+$0xC60];
	[tilespmem:s24+$0xBF50] =	vst v3  }
0x15d: {  	[tilespmem:s24+$0xBC50] =	vst v4;
	v3 =	vld [tilespmem:s28+$0xC60]  }
0x15e: {  	[tilespmem:s24+$0xBCE0] =	vst v0;
	v0 =	vld [tilespmem:s29+$0xC60]  }
0x15f: {  	[tilespmem:s7+$0xB430] =	vst v5;
	v4 =	vld [tilespmem:s26+$0xC60]  }
0x160: {  	v5 =	vld [tilespmem:s6+$0x440];
	[tilespmem:s24+$0xBD60] =	vst v1  }
0x161: {  	s8 =	spop (v2sf);
	v1 =	vld [tilespmem:s25+$0xC60];
	[tilespmem:s24+$0xBDE0] =	vst v2  }
0x162: {  	s11 =	sshll.u32 s8, $0x9;
	s8 =	sshll.u32 s8, $0x7;
	s14 =	spop (v2sf);
	v2 =	vld [tilespmem:s31+$0xC70];
	[tilespmem:s24+$0xBE60] =	vst v3  }
0x163: {  	s11 =	sand.u32 $0xFFFFF000, s11;
	s8 =	sand.u32 $0x380, s8;
	s31 =	spop (v2sf);
	v3 =	vld [tilespmem:s1+$0xC70];
	[tilespmem:s24+$0xBEE0] =	vst v0  }
0x164: {  	s1 =	sshll.u32 s14, $0x9;
	s12 =	sor.u32 s8, s11;
	s8 =	spop (v2sf);
	v0 =	vld [tilespmem:s30+$0xC70];
	[tilespmem:s24+$0xBF60] =	vst v4  }
0x165: {  	s11 =	sshll.u32 s14, $0x7;
	s14 =	sshll.u32 s31, $0x9;
	[tilespmem:s7+$0xB440] =	vst v5;
	v4 =	vld [tilespmem:s12+$0x0];
	s30 =	spop (v2sf)  }
0x166: {  	s31 =	sshll.u32 s31, $0x7;
	s19 =	sshll.u32 s8, $0x9;
	v5 =	vld [tilespmem:s6+$0x450];
	s20 =	spop (v2sf);
	[tilespmem:s24+$0xBC60] =	vst v1  }
0x167: {  	s8 =	sshll.u32 s8, $0x7;
	s21 =	sshll.u32 s30, $0x9;
	s18 =	spop (v2sf);
	[tilespmem:s24+$0xBCF0] =	vst v2;
	v1 =	vld [tilespmem:s28+$0xC70]  }
0x168: {  	s28 =	sshll.u32 s30, $0x7;
	s30 =	sshll.u32 s20, $0x9;
	s20 =	sshll.u32 s20, $0x7;
	[tilespmem:s24+$0xBD70] =	vst v3;
	v2 =	vld [tilespmem:s29+$0xC70]  }
0x169: {  	s1 =	sand.u32 $0xFFFFF000, s1;
	s29 =	sshll.u32 s18, $0x9;
	s18 =	sshll.u32 s18, $0x7;
	[tilespmem:s24+$0xBDF0] =	vst v0;
	v0 =	vld [tilespmem:s26+$0xC70]  }
0x16a: {  	s11 =	sand.u32 $0x380, s11;
	s14 =	sand.u32 $0xFFFFF000, s14;
	s26 =	sand.u32 $0x380, s31;
	[tilespmem:s7+$0xB380] =	vst v4;
	v3 =	vld [tilespmem:s25+$0xC70]  }
0x16b: {  	s19 =	sand.u32 $0xFFFFF000, s19;
	s8 =	sand.u32 $0x380, s8;
	s21 =	sand.u32 $0xFFFFF000, s21;
	[tilespmem:s7+$0xB450] =	vst v5;
	v4 =	vld [tilespmem:s12+$0x10]  }
0x16c: {  	s10 =	sand.u32 $0xFFFFF000, s30;
	s20 =	sand.u32 $0x380, s20;
	s25 =	sand.u32 $0x380, s28;
	v5 =	vld [tilespmem:s6+$0x460];
	[tilespmem:s24+$0xBE70] =	vst v1  }
0x16d: {  	s31 =	sor.u32 s11, s1;
	s11 =	sand.u32 $0xFFFFF000, s29;
	s18 =	sand.u32 $0x380, s18;
	[tilespmem:s24+$0xBEF0] =	vst v2  }
0x16e: {  	s30 =	sor.u32 s8, s19;
	s1 =	sor.u32 s26, s14;
	s28 =	sor.u32 s25, s21;
	v1 =	vld [tilespmem:s31+$0x0];
	[tilespmem:s24+$0xBF70] =	vst v0  }
0x16f: {  	s29 =	sor.u32 s20, s10;
	s26 =	sor.u32 s18, s11;
	s25 =	smov.u32 s6;
	v0 =	vld [tilespmem:s1+$0x0];
	[tilespmem:s24+$0xBC70] =	vst v3  }
0x170: {  	s24 =	smov.u32 s7;
	v2 =	vld [tilespmem:s30+$0x0];
	[tilespmem:s7+$0xB390] =	vst v4  }
0x171: {  	[tilespmem:s24+$0xB460] =	vst v5;
	v3 =	vld [tilespmem:s12+$0x20]  }
0x172: {  	v4 =	vld [tilespmem:s28+$0x0]  }
0x173: {  	[tilespmem:s24+$0xB080] =	vst v1;
	v1 =	vld [tilespmem:s29+$0x0]  }
0x174: {  	[tilespmem:s24+$0xB100] =	vst v0;
	v0 =	vld [tilespmem:s26+$0x0]  }
0x175: {  	v5 =	vld [tilespmem:s31+$0x10];
	[tilespmem:s24+$0xB180] =	vst v2  }
0x176: {  	v2 =	vld [tilespmem:s1+$0x10];
	[tilespmem:s24+$0xB3A0] =	vst v3  }
0x177: {  	[tilespmem:s24+$0xB200] =	vst v4;
	v3 =	vld [tilespmem:s12+$0x30]  }
0x178: {  	v4 =	vld [tilespmem:s30+$0x10];
	[tilespmem:s24+$0xB280] =	vst v1  }
0x179: {  	v1 =	vld [tilespmem:s28+$0x10];
	[tilespmem:s24+$0xB300] =	vst v0  }
0x17a: {  	[tilespmem:s24+$0xB090] =	vst v5;
	v0 =	vld [tilespmem:s29+$0x10]  }
0x17b: {  	[tilespmem:s24+$0xB110] =	vst v2;
	v2 =	vld [tilespmem:s26+$0x10]  }
0x17c: {  	v5 =	vld [tilespmem:s31+$0x20];
	[tilespmem:s24+$0xB3B0] =	vst v3  }
0x17d: {  	[tilespmem:s24+$0xB190] =	vst v4;
	v3 =	vld [tilespmem:s12+$0x40]  }
0x17e: {  	v4 =	vld [tilespmem:s1+$0x20];
	[tilespmem:s24+$0xB210] =	vst v1  }
0x17f: {  	v1 =	vld [tilespmem:s30+$0x20];
	[tilespmem:s24+$0xB290] =	vst v0  }
0x180: {  	v0 =	vld [tilespmem:s28+$0x20];
	[tilespmem:s24+$0xB310] =	vst v2  }
0x181: {  	[tilespmem:s24+$0xB0A0] =	vst v5;
	v2 =	vld [tilespmem:s29+$0x20]  }
0x182: {  	v5 =	vld [tilespmem:s26+$0x20];
	[tilespmem:s24+$0xB3C0] =	vst v3  }
0x183: {  	[tilespmem:s24+$0xB120] =	vst v4;
	v3 =	vld [tilespmem:s12+$0x50]  }
0x184: {  	v4 =	vld [tilespmem:s31+$0x30];
	[tilespmem:s24+$0xB1A0] =	vst v1  }
0x185: {  	v1 =	vld [tilespmem:s1+$0x30];
	[tilespmem:s24+$0xB220] =	vst v0  }
0x186: {  	v0 =	vld [tilespmem:s30+$0x30];
	[tilespmem:s24+$0xB2A0] =	vst v2  }
0x187: {  	v2 =	vld [tilespmem:s28+$0x30];
	[tilespmem:s24+$0xB320] =	vst v5  }
0x188: {  	v5 =	vld [tilespmem:s29+$0x30];
	[tilespmem:s24+$0xB3D0] =	vst v3  }
0x189: {  	[tilespmem:s24+$0xB0B0] =	vst v4;
	v3 =	vld [tilespmem:s12+$0x60]  }
0x18a: {  	[tilespmem:s24+$0xB130] =	vst v1;
	v1 =	vld [tilespmem:s26+$0x30]  }
0x18b: {  	v4 =	vld [tilespmem:s31+$0x40];
	[tilespmem:s24+$0xB1B0] =	vst v0  }
0x18c: {  	v0 =	vld [tilespmem:s1+$0x40];
	[tilespmem:s24+$0xB230] =	vst v2  }
0x18d: {  	v2 =	vld [tilespmem:s30+$0x40];
	[tilespmem:s24+$0xB2B0] =	vst v5  }
0x18e: {  	v5 =	vld [tilespmem:s28+$0x40];
	[tilespmem:s24+$0xB3E0] =	vst v3  }
0x18f: {  	[tilespmem:s24+$0xB330] =	vst v1;
	v1 =	vld [tilespmem:s12+$0x70]  }
0x190: {  	[tilespmem:s24+$0xB0C0] =	vst v4;
	v3 =	vld [tilespmem:s29+$0x40]  }
0x191: {  	[tilespmem:s24+$0xB140] =	vst v0;
	v0 =	vld [tilespmem:s26+$0x40]  }
0x192: {  	v4 =	vld [tilespmem:s31+$0x50];
	[tilespmem:s24+$0xB1C0] =	vst v2  }
0x193: {  	v2 =	vld [tilespmem:s1+$0x50];
	[tilespmem:s24+$0xB240] =	vst v5  }
0x194: {  	v5 =	vld [tilespmem:s30+$0x50];
	[tilespmem:s24+$0xB3F0] =	vst v1  }
0x195: {  	[tilespmem:s24+$0xB2C0] =	vst v3;
	v1 =	vld [tilespmem:s12+$0x400]  }
0x196: {  	v3 =	vld [tilespmem:s28+$0x50];
	[tilespmem:s24+$0xB340] =	vst v0  }
0x197: {  	[tilespmem:s24+$0xB0D0] =	vst v4;
	v0 =	vld [tilespmem:s29+$0x50]  }
0x198: {  	[tilespmem:s24+$0xB150] =	vst v2;
	v2 =	vld [tilespmem:s26+$0x50]  }
0x199: {  	v4 =	vld [tilespmem:s31+$0x60];
	[tilespmem:s24+$0xB1D0] =	vst v5  }
0x19a: {  	v5 =	vld [tilespmem:s1+$0x60];
	[tilespmem:s24+$0xB780] =	vst v1  }
0x19b: {  	[tilespmem:s24+$0xB250] =	vst v3;
	v1 =	vld [tilespmem:s12+$0x410]  }
0x19c: {  	v3 =	vld [tilespmem:s30+$0x60];
	[tilespmem:s24+$0xB2D0] =	vst v0  }
0x19d: {  	v0 =	vld [tilespmem:s28+$0x60];
	[tilespmem:s24+$0xB350] =	vst v2  }
0x19e: {  	[tilespmem:s24+$0xB0E0] =	vst v4;
	v2 =	vld [tilespmem:s29+$0x60]  }
0x19f: {  	[tilespmem:s24+$0xB160] =	vst v5;
	v4 =	vld [tilespmem:s26+$0x60]  }
0x1a0: {  	v5 =	vld [tilespmem:s31+$0x70];
	[tilespmem:s24+$0xB790] =	vst v1  }
0x1a1: {  	[tilespmem:s24+$0xB1E0] =	vst v3;
	v1 =	vld [tilespmem:s12+$0x420]  }
0x1a2: {  	v3 =	vld [tilespmem:s1+$0x70];
	[tilespmem:s24+$0xB260] =	vst v0  }
0x1a3: {  	v0 =	vld [tilespmem:s30+$0x70];
	[tilespmem:s24+$0xB2E0] =	vst v2  }
0x1a4: {  	v2 =	vld [tilespmem:s28+$0x70];
	[tilespmem:s24+$0xB360] =	vst v4  }
0x1a5: {  	[tilespmem:s24+$0xB0F0] =	vst v5;
	v4 =	vld [tilespmem:s29+$0x70]  }
0x1a6: {  	v5 =	vld [tilespmem:s26+$0x70];
	[tilespmem:s24+$0xB7A0] =	vst v1  }
0x1a7: {  	[tilespmem:s24+$0xB170] =	vst v3;
	v1 =	vld [tilespmem:s12+$0x430]  }
0x1a8: {  	v3 =	vld [tilespmem:s31+$0x400];
	[tilespmem:s24+$0xB1F0] =	vst v0  }
0x1a9: {  	v0 =	vld [tilespmem:s1+$0x400];
	[tilespmem:s24+$0xB270] =	vst v2  }
0x1aa: {  	v2 =	vld [tilespmem:s30+$0x400];
	[tilespmem:s24+$0xB2F0] =	vst v4  }
0x1ab: {  	v4 =	vld [tilespmem:s28+$0x400];
	[tilespmem:s24+$0xB370] =	vst v5  }
0x1ac: {  	v5 =	vld [tilespmem:s29+$0x400];
	[tilespmem:s24+$0xB7B0] =	vst v1  }
0x1ad: {  	[tilespmem:s24+$0xB480] =	vst v3;
	v1 =	vld [tilespmem:s12+$0x440]  }
0x1ae: {  	[tilespmem:s24+$0xB500] =	vst v0;
	v0 =	vld [tilespmem:s26+$0x400]  }
0x1af: {  	v3 =	vld [tilespmem:s31+$0x410];
	[tilespmem:s24+$0xB580] =	vst v2  }
0x1b0: {  	v2 =	vld [tilespmem:s1+$0x410];
	[tilespmem:s24+$0xB600] =	vst v4  }
0x1b1: {  	v4 =	vld [tilespmem:s30+$0x410];
	[tilespmem:s24+$0xB680] =	vst v5  }
0x1b2: {  	v5 =	vld [tilespmem:s28+$0x410];
	[tilespmem:s24+$0xB7C0] =	vst v1  }
0x1b3: {  	[tilespmem:s24+$0xB700] =	vst v0;
	v0 =	vld [tilespmem:s12+$0x450]  }
0x1b4: {  	[tilespmem:s24+$0xB490] =	vst v3;
	v1 =	vld [tilespmem:s29+$0x410]  }
0x1b5: {  	[tilespmem:s24+$0xB510] =	vst v2;
	v2 =	vld [tilespmem:s26+$0x410]  }
0x1b6: {  	v3 =	vld [tilespmem:s31+$0x420];
	[tilespmem:s24+$0xB590] =	vst v4  }
0x1b7: {  	v4 =	vld [tilespmem:s1+$0x420];
	[tilespmem:s24+$0xB610] =	vst v5  }
0x1b8: {  	v5 =	vld [tilespmem:s30+$0x420];
	[tilespmem:s24+$0xB7D0] =	vst v0  }
0x1b9: {  	[tilespmem:s24+$0xB690] =	vst v1;
	v0 =	vld [tilespmem:s12+$0x460]  }
0x1ba: {  	v1 =	vld [tilespmem:s28+$0x420];
	[tilespmem:s24+$0xB710] =	vst v2  }
0x1bb: {  	[tilespmem:s24+$0xB4A0] =	vst v3;
	v2 =	vld [tilespmem:s29+$0x420]  }
0x1bc: {  	[tilespmem:s24+$0xB520] =	vst v4;
	v3 =	vld [tilespmem:s26+$0x420]  }
0x1bd: {  	v4 =	vld [tilespmem:s31+$0x430];
	[tilespmem:s24+$0xB5A0] =	vst v5  }
0x1be: {  	v5 =	vld [tilespmem:s1+$0x430];
	[tilespmem:s24+$0xB7E0] =	vst v0  }
0x1bf: {  	[tilespmem:s24+$0xB620] =	vst v1;
	v0 =	vld [tilespmem:s12+$0x470]  }
0x1c0: {  	v1 =	vld [tilespmem:s30+$0x430];
	[tilespmem:s24+$0xB6A0] =	vst v2  }
0x1c1: {  	v2 =	vld [tilespmem:s28+$0x430];
	[tilespmem:s24+$0xB720] =	vst v3  }
0x1c2: {  	[tilespmem:s24+$0xB4B0] =	vst v4;
	v3 =	vld [tilespmem:s29+$0x430]  }
0x1c3: {  	[tilespmem:s24+$0xB530] =	vst v5;
	v4 =	vld [tilespmem:s26+$0x430]  }
0x1c4: {  	v5 =	vld [tilespmem:s31+$0x440];
	[tilespmem:s24+$0xB7F0] =	vst v0  }
0x1c5: {  	[tilespmem:s24+$0xB5B0] =	vst v1;
	v0 =	vld [tilespmem:s12+$0x800]  }
0x1c6: {  	v1 =	vld [tilespmem:s1+$0x440];
	[tilespmem:s24+$0xB630] =	vst v2  }
0x1c7: {  	v2 =	vld [tilespmem:s30+$0x440];
	[tilespmem:s24+$0xB6B0] =	vst v3  }
0x1c8: {  	v3 =	vld [tilespmem:s28+$0x440];
	[tilespmem:s24+$0xB730] =	vst v4  }
0x1c9: {  	[tilespmem:s24+$0xB4C0] =	vst v5;
	v4 =	vld [tilespmem:s29+$0x440]  }
0x1ca: {  	v5 =	vld [tilespmem:s26+$0x440];
	[tilespmem:s24+$0xBB80] =	vst v0  }
0x1cb: {  	[tilespmem:s24+$0xB540] =	vst v1;
	v0 =	vld [tilespmem:s12+$0x810]  }
0x1cc: {  	v1 =	vld [tilespmem:s31+$0x450];
	[tilespmem:s24+$0xB5C0] =	vst v2  }
0x1cd: {  	v2 =	vld [tilespmem:s1+$0x450];
	[tilespmem:s24+$0xB640] =	vst v3  }
0x1ce: {  	v3 =	vld [tilespmem:s30+$0x450];
	[tilespmem:s24+$0xB6C0] =	vst v4  }
0x1cf: {  	v4 =	vld [tilespmem:s28+$0x450];
	[tilespmem:s24+$0xB740] =	vst v5  }
0x1d0: {  	v5 =	vld [tilespmem:s29+$0x450];
	[tilespmem:s24+$0xBB90] =	vst v0  }
0x1d1: {  	[tilespmem:s24+$0xB4D0] =	vst v1;
	v0 =	vld [tilespmem:s12+$0x820]  }
0x1d2: {  	[tilespmem:s24+$0xB550] =	vst v2;
	v1 =	vld [tilespmem:s26+$0x450]  }
0x1d3: {  	v2 =	vld [tilespmem:s31+$0x460];
	[tilespmem:s24+$0xB5D0] =	vst v3  }
0x1d4: {  	v3 =	vld [tilespmem:s1+$0x460];
	[tilespmem:s24+$0xB650] =	vst v4  }
0x1d5: {  	v4 =	vld [tilespmem:s30+$0x460];
	[tilespmem:s24+$0xB6D0] =	vst v5  }
0x1d6: {  	v5 =	vld [tilespmem:s28+$0x460];
	[tilespmem:s24+$0xBBA0] =	vst v0  }
0x1d7: {  	[tilespmem:s24+$0xB750] =	vst v1;
	v0 =	vld [tilespmem:s12+$0x830]  }
0x1d8: {  	[tilespmem:s24+$0xB4E0] =	vst v2;
	v1 =	vld [tilespmem:s29+$0x460]  }
0x1d9: {  	[tilespmem:s24+$0xB560] =	vst v3;
	v2 =	vld [tilespmem:s26+$0x460]  }
0x1da: {  	v3 =	vld [tilespmem:s31+$0x470];
	[tilespmem:s24+$0xB5E0] =	vst v4  }
0x1db: {  	v4 =	vld [tilespmem:s1+$0x470];
	[tilespmem:s24+$0xB660] =	vst v5  }
0x1dc: {  	v5 =	vld [tilespmem:s30+$0x470];
	[tilespmem:s24+$0xBBB0] =	vst v0  }
0x1dd: {  	[tilespmem:s24+$0xB6E0] =	vst v1;
	v0 =	vld [tilespmem:s12+$0x840]  }
0x1de: {  	v1 =	vld [tilespmem:s28+$0x470];
	[tilespmem:s24+$0xB760] =	vst v2  }
0x1df: {  	[tilespmem:s24+$0xB4F0] =	vst v3;
	v2 =	vld [tilespmem:s29+$0x470]  }
0x1e0: {  	[tilespmem:s24+$0xB570] =	vst v4;
	v3 =	vld [tilespmem:s26+$0x470]  }
0x1e1: {  	v4 =	vld [tilespmem:s25+$0x470];
	[tilespmem:s24+$0xB5F0] =	vst v5  }
0x1e2: {  	v5 =	vld [tilespmem:s31+$0x800];
	[tilespmem:s24+$0xBBC0] =	vst v0  }
0x1e3: {  	[tilespmem:s24+$0xB670] =	vst v1;
	v0 =	vld [tilespmem:s12+$0x850]  }
0x1e4: {  	v1 =	vld [tilespmem:s1+$0x800];
	[tilespmem:s24+$0xB6F0] =	vst v2  }
0x1e5: {  	v2 =	vld [tilespmem:s30+$0x800];
	[tilespmem:s24+$0xB770] =	vst v3  }
0x1e6: {  	[tilespmem:s24+$0xB470] =	vst v4;
	v3 =	vld [tilespmem:s28+$0x800]  }
0x1e7: {  	[tilespmem:s24+$0xB880] =	vst v5;
	v4 =	vld [tilespmem:s29+$0x800]  }
0x1e8: {  	v5 =	vld [tilespmem:s26+$0x800];
	[tilespmem:s24+$0xBBD0] =	vst v0  }
0x1e9: {  	[tilespmem:s24+$0xB900] =	vst v1;
	v0 =	vld [tilespmem:s12+$0x860]  }
0x1ea: {  	v1 =	vld [tilespmem:s25+$0x800];
	[tilespmem:s24+$0xB980] =	vst v2  }
0x1eb: {  	v2 =	vld [tilespmem:s31+$0x810];
	[tilespmem:s24+$0xBA00] =	vst v3  }
0x1ec: {  	v3 =	vld [tilespmem:s1+$0x810];
	[tilespmem:s24+$0xBA80] =	vst v4  }
0x1ed: {  	v4 =	vld [tilespmem:s30+$0x810];
	[tilespmem:s24+$0xBB00] =	vst v5  }
0x1ee: {  	v5 =	vld [tilespmem:s28+$0x810];
	[tilespmem:s24+$0xBBE0] =	vst v0  }
0x1ef: {  	[tilespmem:s24+$0xB800] =	vst v1;
	v0 =	vld [tilespmem:s12+$0x870]  }
0x1f0: {  	[tilespmem:s24+$0xB890] =	vst v2;
	v1 =	vld [tilespmem:s29+$0x810]  }
0x1f1: {  	[tilespmem:s24+$0xB910] =	vst v3;
	v2 =	vld [tilespmem:s26+$0x810]  }
0x1f2: {  	v3 =	vld [tilespmem:s25+$0x810];
	[tilespmem:s24+$0xB990] =	vst v4  }
0x1f3: {  	v4 =	vld [tilespmem:s31+$0x820];
	[tilespmem:s24+$0xBA10] =	vst v5  }
0x1f4: {  	v5 =	vld [tilespmem:s1+$0x820];
	[tilespmem:s24+$0xBBF0] =	vst v0  }
0x1f5: {  	[tilespmem:s24+$0xBA90] =	vst v1;
	v0 =	vld [tilespmem:s12+$0xC00]  }
0x1f6: {  	v1 =	vld [tilespmem:s30+$0x820];
	[tilespmem:s24+$0xBB10] =	vst v2  }
0x1f7: {  	[tilespmem:s24+$0xB810] =	vst v3;
	v2 =	vld [tilespmem:s28+$0x820]  }
0x1f8: {  	[tilespmem:s24+$0xB8A0] =	vst v4;
	v3 =	vld [tilespmem:s29+$0x820]  }
0x1f9: {  	[tilespmem:s24+$0xB920] =	vst v5;
	v4 =	vld [tilespmem:s26+$0x820]  }
0x1fa: {  	v5 =	vld [tilespmem:s25+$0x820];
	[tilespmem:s24+$0xBF80] =	vst v0  }
0x1fb: {  	[tilespmem:s24+$0xB9A0] =	vst v1;
	v6 =	vld [tilespmem:s12+$0xC10]  }
0x1fc: {  	v7 =	vld [tilespmem:s31+$0x830];
	[tilespmem:s24+$0xBA20] =	vst v2  }
.Ltmp4:
0x1fd: {  	v1 =	vld [tilespmem:s1+$0x830];
	[tilespmem:s24+$0xBAA0] =	vst v3;
	(pc) =	sbr.rel @p1 .LBB2_3-.Ltmp4, $4  }
0x1fe: {  	v3 =	vld [tilespmem:s30+$0x830];
	[tilespmem:s24+$0xBB20] =	vst v4  }
0x1ff: {  	[tilespmem:s24+$0xB820] =	vst v5;
	v2 =	vld [tilespmem:s28+$0x830]  }
0x200: {  	v0 =	vld [tilespmem:s29+$0x830];
	[tilespmem:s24+$0xBF90] =	vst v6  }
0x201: {  	s13 =	sadd.s32 $0x8, s13;
	[tilespmem:s24+$0xB8B0] =	vst v7;
	v4 =	vld [tilespmem:s12+$0xC20]  }
0x202: {  	[tilespmem:s24+$0xB930] =	vst v1;
	v33 =	vld [tilespmem:s26+$0x830]  }
0x203: {  	v34 =	vld [tilespmem:s25+$0x830];
	[tilespmem:s24+$0xB9B0] =	vst v3  }
0x204: {  	v5 =	vld [tilespmem:s31+$0x840];
	[tilespmem:s24+$0xBA30] =	vst v2  }
0x205: {  	v36 =	vld [tilespmem:s1+$0x840];
	[tilespmem:s24+$0xBAB0] =	vst v0  }
0x206: {  	v37 =	vld [tilespmem:s30+$0x840];
	[tilespmem:s24+$0xBFA0] =	vst v4  }
0x207: {  	v38 =	vld [tilespmem:s28+$0x840];
	[tilespmem:s24+$0xBB30] =	vst v33  }
0x208: {  	v39 =	vld [tilespmem:s29+$0x840];
	[tilespmem:s24+$0xB830] =	vst v34  }
0x209: {  	v35 =	vld [tilespmem:s12+$0xC30];
	[tilespmem:s24+$0xB8C0] =	vst v5  }
0x20a: {  	v40 =	vld [tilespmem:s26+$0x840];
	[tilespmem:s24+$0xB940] =	vst v36  }
0x20b: {  	v42 =	vld [tilespmem:s25+$0x840];
	[tilespmem:s24+$0xB9C0] =	vst v37  }
0x20c: {  	v43 =	vld [tilespmem:s31+$0x850];
	[tilespmem:s24+$0xBA40] =	vst v38  }
0x20d: {  	v44 =	vld [tilespmem:s1+$0x850];
	[tilespmem:s24+$0xBAC0] =	vst v39  }
0x20e: {  	v45 =	vld [tilespmem:s30+$0x850];
	[tilespmem:s24+$0xBFB0] =	vst v35  }
0x20f: {  	v46 =	vld [tilespmem:s28+$0x850];
	[tilespmem:s24+$0xBB40] =	vst v40  }
0x210: {  	v47 =	vld [tilespmem:s29+$0x850];
	[tilespmem:s24+$0xB840] =	vst v42  }
0x211: {  	v41 =	vld [tilespmem:s12+$0xC40];
	[tilespmem:s24+$0xB8D0] =	vst v43  }
0x212: {  	[tilespmem:s24+$0xB950] =	vst v44;
	v48 =	vld [tilespmem:s26+$0x850]  }
0x213: {  	v49 =	vld [tilespmem:s25+$0x850];
	[tilespmem:s24+$0xB9D0] =	vst v45  }
0x214: {  	v50 =	vld [tilespmem:s31+$0x860];
	[tilespmem:s24+$0xBA50] =	vst v46  }
0x215: {  	v51 =	vld [tilespmem:s1+$0x860];
	[tilespmem:s24+$0xBAD0] =	vst v47  }
0x216: {  	v52 =	vld [tilespmem:s30+$0x860];
	[tilespmem:s24+$0xBFC0] =	vst v41  }
0x217: {  	v53 =	vld [tilespmem:s28+$0x860];
	[tilespmem:s24+$0xBB50] =	vst v48  }
0x218: {  	v54 =	vld [tilespmem:s29+$0x860];
	[tilespmem:s24+$0xB850] =	vst v49  }
0x219: {  	v0 =	vld [tilespmem:s12+$0xC50];
	[tilespmem:s24+$0xB8E0] =	vst v50  }
0x21a: {  	[tilespmem:s24+$0xB960] =	vst v51;
	v55 =	vld [tilespmem:s26+$0x860]  }
0x21b: {  	v56 =	vld [tilespmem:s25+$0x860];
	[tilespmem:s24+$0xB9E0] =	vst v52  }
0x21c: {  	v57 =	vld [tilespmem:s31+$0x870];
	[tilespmem:s24+$0xBA60] =	vst v53  }
0x21d: {  	v58 =	vld [tilespmem:s1+$0x870];
	[tilespmem:s24+$0xBAE0] =	vst v54  }
0x21e: {  	v59 =	vld [tilespmem:s30+$0x870];
	[tilespmem:s24+$0xBFD0] =	vst v0  }
0x21f: {  	v60 =	vld [tilespmem:s28+$0x870];
	[tilespmem:s24+$0xBB60] =	vst v55  }
0x220: {  	v61 =	vld [tilespmem:s29+$0x870];
	[tilespmem:s24+$0xB860] =	vst v56  }
0x221: {  	v0 =	vld [tilespmem:s12+$0xC60];
	[tilespmem:s24+$0xB8F0] =	vst v57  }
0x222: {  	v62 =	vld [tilespmem:s26+$0x870];
	[tilespmem:s24+$0xB970] =	vst v58  }
0x223: {  	v63 =	vld [tilespmem:s25+$0x870];
	[tilespmem:s24+$0xB9F0] =	vst v59  }
0x224: {  	v8 =	vld [tilespmem:s31+$0xC00];
	[tilespmem:s24+$0xBA70] =	vst v60  }
0x225: {  	v9 =	vld [tilespmem:s1+$0xC00];
	[tilespmem:s24+$0xBAF0] =	vst v61  }
0x226: {  	v10 =	vld [tilespmem:s30+$0xC00];
	[tilespmem:s24+$0xBFE0] =	vst v0  }
0x227: {  	v11 =	vld [tilespmem:s28+$0xC00];
	[tilespmem:s24+$0xBB70] =	vst v62  }
0x228: {  	v12 =	vld [tilespmem:s29+$0xC00];
	[tilespmem:s24+$0xB870] =	vst v63  }
0x229: {  	v0 =	vld [tilespmem:s12+$0xC70];
	[tilespmem:s24+$0xBC80] =	vst v8  }
0x22a: {  	v13 =	vld [tilespmem:s26+$0xC00];
	[tilespmem:s24+$0xBD00] =	vst v9  }
0x22b: {  	v14 =	vld [tilespmem:s25+$0xC00];
	[tilespmem:s24+$0xBD80] =	vst v10  }
0x22c: {  	v15 =	vld [tilespmem:s31+$0xC10];
	[tilespmem:s24+$0xBE00] =	vst v11  }
0x22d: {  	v16 =	vld [tilespmem:s1+$0xC10];
	[tilespmem:s24+$0xBE80] =	vst v12  }
0x22e: {  	v17 =	vld [tilespmem:s30+$0xC10];
	[tilespmem:s24+$0xBFF0] =	vst v0  }
0x22f: {  	v18 =	vld [tilespmem:s28+$0xC10];
	[tilespmem:s24+$0xBF00] =	vst v13  }
0x230: {  	v19 =	vld [tilespmem:s29+$0xC10];
	[tilespmem:s24+$0xBC00] =	vst v14  }
0x231: {  	[tilespmem:s24+$0xBC90] =	vst v15;
	v20 =	vld [tilespmem:s26+$0xC10]  }
0x232: {  	[tilespmem:s24+$0xBD10] =	vst v16;
	v21 =	vld [tilespmem:s25+$0xC10]  }
0x233: {  	v22 =	vld [tilespmem:s31+$0xC20];
	[tilespmem:s24+$0xBD90] =	vst v17  }
0x234: {  	v23 =	vld [tilespmem:s1+$0xC20];
	[tilespmem:s24+$0xBE10] =	vst v18  }
0x235: {  	v24 =	vld [tilespmem:s30+$0xC20];
	[tilespmem:s24+$0xBE90] =	vst v19  }
0x236: {  	v25 =	vld [tilespmem:s28+$0xC20];
	[tilespmem:s24+$0xBF10] =	vst v20  }
0x237: {  	v26 =	vld [tilespmem:s29+$0xC20];
	[tilespmem:s24+$0xBC10] =	vst v21  }
0x238: {  	[tilespmem:s24+$0xBCA0] =	vst v22;
	v27 =	vld [tilespmem:s26+$0xC20]  }
0x239: {  	[tilespmem:s24+$0xBD20] =	vst v23;
	v28 =	vld [tilespmem:s25+$0xC20]  }
0x23a: {  	v29 =	vld [tilespmem:s31+$0xC30];
	[tilespmem:s24+$0xBDA0] =	vst v24  }
0x23b: {  	v30 =	vld [tilespmem:s1+$0xC30];
	[tilespmem:s24+$0xBE20] =	vst v25  }
0x23c: {  	v31 =	vld [tilespmem:s30+$0xC30];
	[tilespmem:s24+$0xBEA0] =	vst v26  }
0x23d: {  	v32 =	vld [tilespmem:s28+$0xC30];
	[tilespmem:s24+$0xBF20] =	vst v27  }
0x23e: {  	v33 =	vld [tilespmem:s29+$0xC30];
	[tilespmem:s24+$0xBC20] =	vst v28  }
0x23f: {  	[tilespmem:s24+$0xBCB0] =	vst v29;
	v34 =	vld [tilespmem:s26+$0xC30]  }
0x240: {  	[tilespmem:s24+$0xBD30] =	vst v30;
	v35 =	vld [tilespmem:s25+$0xC30]  }
0x241: {  	v36 =	vld [tilespmem:s31+$0xC40];
	[tilespmem:s24+$0xBDB0] =	vst v31  }
0x242: {  	v37 =	vld [tilespmem:s1+$0xC40];
	[tilespmem:s24+$0xBE30] =	vst v32  }
0x243: {  	v38 =	vld [tilespmem:s30+$0xC40];
	[tilespmem:s24+$0xBEB0] =	vst v33  }
0x244: {  	v39 =	vld [tilespmem:s28+$0xC40];
	[tilespmem:s24+$0xBF30] =	vst v34  }
0x245: {  	v40 =	vld [tilespmem:s29+$0xC40];
	[tilespmem:s24+$0xBC30] =	vst v35  }
0x246: {  	[tilespmem:s24+$0xBCC0] =	vst v36;
	v41 =	vld [tilespmem:s26+$0xC40]  }
0x247: {  	[tilespmem:s24+$0xBD40] =	vst v37;
	v42 =	vld [tilespmem:s25+$0xC40]  }
0x248: {  	v43 =	vld [tilespmem:s31+$0xC50];
	[tilespmem:s24+$0xBDC0] =	vst v38  }
0x249: {  	v44 =	vld [tilespmem:s1+$0xC50];
	[tilespmem:s24+$0xBE40] =	vst v39  }
0x24a: {  	v45 =	vld [tilespmem:s30+$0xC50];
	[tilespmem:s24+$0xBEC0] =	vst v40  }
0x24b: {  	v46 =	vld [tilespmem:s28+$0xC50];
	[tilespmem:s24+$0xBF40] =	vst v41  }
0x24c: {  	v47 =	vld [tilespmem:s29+$0xC50];
	[tilespmem:s24+$0xBC40] =	vst v42  }
0x24d: {  	[tilespmem:s24+$0xBCD0] =	vst v43;
	v48 =	vld [tilespmem:s26+$0xC50]  }
0x24e: {  	[tilespmem:s24+$0xBD50] =	vst v44;
	v49 =	vld [tilespmem:s25+$0xC50]  }
0x24f: {  	v50 =	vld [tilespmem:s31+$0xC60];
	[tilespmem:s24+$0xBDD0] =	vst v45  }
0x250: {  	v51 =	vld [tilespmem:s1+$0xC60];
	[tilespmem:s24+$0xBE50] =	vst v46  }
0x251: {  	v52 =	vld [tilespmem:s30+$0xC60];
	[tilespmem:s24+$0xBED0] =	vst v47  }
0x252: {  	v53 =	vld [tilespmem:s28+$0xC60];
	[tilespmem:s24+$0xBF50] =	vst v48  }
0x253: {  	v54 =	vld [tilespmem:s29+$0xC60];
	[tilespmem:s24+$0xBC50] =	vst v49  }
0x254: {  	[tilespmem:s24+$0xBCE0] =	vst v50;
	v55 =	vld [tilespmem:s26+$0xC60]  }
0x255: {  	[tilespmem:s24+$0xBD60] =	vst v51;
	v56 =	vld [tilespmem:s25+$0xC60]  }
0x256: {  	v57 =	vld [tilespmem:s31+$0xC70];
	[tilespmem:s24+$0xBDE0] =	vst v52  }
0x257: {  	v58 =	vld [tilespmem:s1+$0xC70];
	[tilespmem:s24+$0xBE60] =	vst v53  }
0x258: {  	v59 =	vld [tilespmem:s30+$0xC70];
	[tilespmem:s24+$0xBEE0] =	vst v54  }
0x259: {  	v60 =	vld [tilespmem:s28+$0xC70];
	[tilespmem:s24+$0xBF60] =	vst v55  }
0x25a: {  	v61 =	vld [tilespmem:s29+$0xC70];
	[tilespmem:s24+$0xBC60] =	vst v56  }
0x25b: {  	[tilespmem:s24+$0xBCF0] =	vst v57;
	v62 =	vld [tilespmem:s26+$0xC70]  }
0x25c: {  	[tilespmem:s24+$0xBD70] =	vst v58;
	v63 =	vld [tilespmem:s25+$0xC70]  }
0x25d: {  	s1 =	sadd.s32 s9, s23;
	[tilespmem:s24+$0xBDF0] =	vst v59  }
0x25e: {  	p1 =	sgt.u32 s1, $0x4E1;
	[tilespmem:s24+$0xBE70] =	vst v60  }
0x25f: {  	s1 =	smul.u32 @!p1 $0xA, s1;
	[tilespmem:s24+$0xBEF0] =	vst v61  }
0x260: {  	s6 =	simm.s32 @!p1 $0x0;
	[tilespmem:s24+$0xBF70] =	vst v62  }
0x261: {  	s7 =	simm.s32 @!p1 $0x1F000;
	s1 =	sadd.s32 @!p1 s2, s1;
	[tilespmem:s24+$0xBC70] =	vst v63;
	s24 =	sor.u32 $0x20, s0  }
0x262: {  	[tilespmem:s7], [sflag:$0x3] =	stream.linear.gather @!p1 [hbm4b:s1+s6], $0x50, $0x38;
	[tilespmem:$0x1F100] =	vst v63  }
0x263: {  	p1 =	sgt.u32 s24, $0x4E1  }
.Ltmp5:
0x264: {  	_ = 	snop;
	(pc) =	sbr.rel @p1 .LBB2_8-.Ltmp5, $3  }
0x265: {  	s8 =	smul.u32 $0x1400, s0;
	_ =	sdelay $0x1  }
0x266: {  	s31 =	sadd.s32 s3, s8  }
0x267: {  	[hbm4b:s31+s4] =	stream.linear.scatter [tilespmem:s16], [sflag:$0x1], $0xA000, $0x38;
	[tilespmem:$0x1F100] =	vst v63  }
0x268: {  	_ =	swait.ge [sflag:s17], $0x50  }
0x269: {  	[sflag:s17] =	ssyncset.done $0x0  }
0x26a: {  	s0 =	simm.s32 @!p0 $0x2;
	[sflag:s17] =	ssyncadd.s32 $0xFFFFFFB0  }
0x26b: {  	_ =	swait.ge @!p0 [sflag:s0], $0xA000  }
0x26c: {  	[sflag:s0] =	ssyncset.done @!p0 $0x0  }
0x26d: {  	s12 =	simm.s32 $0x0;
	[sflag:s0] =	ssyncadd.s32 @!p0 $0xFFFF6000  }
0x26e: {  	v0 =	vld [tilespmem:s12+$0x1F080];
	_ =	sdelay $0x4  }
0x26f: {  	(v2sf) =	vpush v0, $0x0;
	_ =	sdelay $0xe  }
0x270: {  	s1 =	spop (v2sf)  }
0x271: {  	s6 =	sshll.u32 s1, $0x9;
	s1 =	sshll.u32 s1, $0x7  }
0x272: {  	s6 =	sand.u32 $0xFFFFF000, s6;
	s1 =	sand.u32 $0x380, s1  }
0x273: {  	s26 =	sor.u32 s1, s6  }
0x274: {  	v0 =	vld [tilespmem:s26+$0x0];
	_ =	sdelay $0x2  }
0x275: {  	s13 =	simm.s32 $0x0  }
0x276: {  	s25 =	sand.u32 $0x3FFFFE00, s13  }
0x277: {  	[tilespmem:s25+$0x15000] =	vst v0  }
0x278: {  	v0 =	vld [tilespmem:s26+$0x10];
	_ =	sdelay $0x4  }
0x279: {  	[tilespmem:s25+$0x15010] =	vst v0  }
0x27a: {  	v0 =	vld [tilespmem:s26+$0x20];
	_ =	sdelay $0x4  }
0x27b: {  	[tilespmem:s25+$0x15020] =	vst v0  }
0x27c: {  	v0 =	vld [tilespmem:s26+$0x30];
	_ =	sdelay $0x4  }
0x27d: {  	[tilespmem:s25+$0x15030] =	vst v0  }
0x27e: {  	v0 =	vld [tilespmem:s26+$0x40];
	_ =	sdelay $0x4  }
0x27f: {  	[tilespmem:s25+$0x15040] =	vst v0  }
0x280: {  	v0 =	vld [tilespmem:s26+$0x50];
	_ =	sdelay $0x4  }
0x281: {  	[tilespmem:s25+$0x15050] =	vst v0  }
0x282: {  	v0 =	vld [tilespmem:s26+$0x60];
	_ =	sdelay $0x4  }
0x283: {  	[tilespmem:s25+$0x15060] =	vst v0  }
0x284: {  	v0 =	vld [tilespmem:s26+$0x70];
	_ =	sdelay $0x4  }
0x285: {  	[tilespmem:s25+$0x15070] =	vst v0  }
0x286: {  	v0 =	vld [tilespmem:s26+$0x400];
	_ =	sdelay $0x1  }
0x287: {  	v1 =	vld [tilespmem:s12+$0x1F087];
	_ =	sdelay $0x1  }
0x288: {  	v2 =	vld [tilespmem:s12+$0x1F081]  }
0x289: {  	v3 =	vld [tilespmem:s12+$0x1F082];
	[tilespmem:s25+$0x15400] =	vst v0  }
0x28a: {  	v0 =	vld [tilespmem:s26+$0x410]  }
0x28b: {  	(v2sf) =	vpush v1, $0x0;
	v1 =	vld [tilespmem:s12+$0x1F083];
	_ =	sdelay $0x2  }
0x28c: {  	(v2sf) =	vpush v2, $0x0  }
0x28d: {  	(v2sf) =	vpush v3, $0x0;
	[tilespmem:s25+$0x15410] =	vst v0  }
0x28e: {  	(v2sf) =	vpush v1, $0x0;
	v4 =	vld [tilespmem:s26+$0x420]  }
0x28f: {  	v0 =	vld [tilespmem:s12+$0x1F084];
	_ =	sdelay $0x2  }
0x290: {  	v5 =	vld [tilespmem:s12+$0x1F085]  }
0x291: {  	v2 =	vld [tilespmem:s12+$0x1F086];
	[tilespmem:s25+$0x15420] =	vst v4  }
0x292: {  	(v2sf) =	vpush v0, $0x0;
	v0 =	vld [tilespmem:s26+$0x430];
	_ =	sdelay $0x2  }
0x293: {  	(v2sf) =	vpush v5, $0x0  }
0x294: {  	(v2sf) =	vpush v2, $0x0  }
0x295: {  	s14 =	spop (v2sf);
	[tilespmem:s25+$0x15430] =	vst v0  }
0x296: {  	s18 =	sshll.u32 s14, $0x9;
	v0 =	vld [tilespmem:s26+$0x440]  }
0x297: {  	s0 =	sshll.u32 s14, $0x7;
	s19 =	spop (v2sf);
	s1 =	sand.u32 $0xFFFFF000, s18  }
0x298: {  	s0 =	sand.u32 $0x380, s0;
	s20 =	spop (v2sf);
	s21 =	sshll.u32 s19, $0x9  }
0x299: {  	s8 =	sshll.u32 s20, $0x9;
	s7 =	spop (v2sf);
	s12 =	sor.u32 s0, s1  }
0x29a: {  	s6 =	sand.u32 $0xFFFFF000, s21;
	s8 =	sand.u32 $0xFFFFF000, s8;
	s11 =	sshll.u32 s7, $0x9;
	v1 =	vld [tilespmem:s12+$0x0]  }
0x29b: {  	s7 =	sshll.u32 s7, $0x7;
	s0 =	sshll.u32 s19, $0x7;
	s1 =	sshll.u32 s20, $0x7;
	[tilespmem:s25+$0x15440] =	vst v0  }
0x29c: {  	s7 =	sand.u32 $0x380, s7;
	s0 =	sand.u32 $0x380, s0;
	s20 =	sand.u32 $0x380, s1;
	v0 =	vld [tilespmem:s26+$0x450]  }
0x29d: {  	s1 =	sor.u32 s0, s6;
	s6 =	sand.u32 $0xFFFFF000, s11;
	s0 =	sor.u32 s20, s8  }
0x29e: {  	s31 =	sor.u32 s7, s6;
	v3 =	vld [tilespmem:s0+$0x0]  }
0x29f: {  	[tilespmem:s25+$0x15380] =	vst v1;
	v4 =	vld [tilespmem:s31+$0x0]  }
0x2a0: {  	v1 =	vld [tilespmem:s12+$0x10]  }
0x2a1: {  	s10 =	spop (v2sf);
	[tilespmem:s25+$0x15450] =	vst v0  }
0x2a2: {  	s13 =	spop (v2sf);
	v0 =	vld [tilespmem:s26+$0x460]  }
0x2a3: {  	v2 =	vld [tilespmem:s1+$0x0];
	[tilespmem:s25+$0x15100] =	vst v3;
	s14 =	sshll.u32 s10, $0x9;
	s10 =	sshll.u32 s10, $0x7;
	s18 =	spop (v2sf)  }
0x2a4: {  	[tilespmem:s25+$0x15180] =	vst v4;
	s19 =	sshll.u32 s13, $0x9;
	s11 =	sshll.u32 s13, $0x7;
	s10 =	sand.u32 $0x380, s10  }
0x2a5: {  	v4 =	vld [tilespmem:s0+$0x10];
	[tilespmem:s25+$0x15390] =	vst v1;
	s21 =	sshll.u32 s18, $0x9;
	s13 =	sshll.u32 s18, $0x7;
	s18 =	sand.u32 $0xFFFFF000, s14  }
0x2a6: {  	v1 =	vld [tilespmem:s12+$0x20];
	s20 =	sand.u32 $0xFFFFF000, s19;
	s8 =	sand.u32 $0x380, s11;
	s29 =	sor.u32 s10, s18  }
0x2a7: {  	s21 =	sand.u32 $0xFFFFF000, s21;
	s6 =	sand.u32 $0x380, s13;
	s30 =	sor.u32 s8, s20;
	[tilespmem:s25+$0x15460] =	vst v0;
	v0 =	vld [tilespmem:s29+$0x0]  }
0x2a8: {  	[tilespmem:s25+$0x15080] =	vst v2;
	s28 =	sor.u32 s6, s21;
	v2 =	vld [tilespmem:s30+$0x0]  }
0x2a9: {  	v3 =	vld [tilespmem:s28+$0x0]  }
0x2aa: {  	v5 =	vld [tilespmem:s1+$0x10];
	[tilespmem:s25+$0x15110] =	vst v4  }
0x2ab: {  	[tilespmem:s25+$0x153A0] =	vst v1  }
0x2ac: {  	[tilespmem:s25+$0x15200] =	vst v0;
	v0 =	vld [tilespmem:s12+$0x30]  }
0x2ad: {  	v1 =	vld [tilespmem:s31+$0x10];
	[tilespmem:s25+$0x15280] =	vst v2  }
0x2ae: {  	[tilespmem:s25+$0x15300] =	vst v3;
	v3 =	vld [tilespmem:s30+$0x10]  }
0x2af: {  	[tilespmem:s25+$0x15090] =	vst v5;
	v4 =	vld [tilespmem:s28+$0x10]  }
0x2b0: {  	v5 =	vld [tilespmem:s1+$0x20]  }
0x2b1: {  	v2 =	vld [tilespmem:s29+$0x10];
	[tilespmem:s25+$0x153B0] =	vst v0  }
0x2b2: {  	[tilespmem:s25+$0x15190] =	vst v1;
	v0 =	vld [tilespmem:s12+$0x40]  }
0x2b3: {  	v1 =	vld [tilespmem:s0+$0x20];
	[tilespmem:s25+$0x15290] =	vst v3  }
0x2b4: {  	[tilespmem:s25+$0x15310] =	vst v4;
	v4 =	vld [tilespmem:s30+$0x20]  }
0x2b5: {  	[tilespmem:s25+$0x150A0] =	vst v5;
	v5 =	vld [tilespmem:s28+$0x20]  }
0x2b6: {  	[tilespmem:s25+$0x15210] =	vst v2;
	v2 =	vld [tilespmem:s31+$0x20]  }
0x2b7: {  	v3 =	vld [tilespmem:s29+$0x20];
	[tilespmem:s25+$0x153C0] =	vst v0  }
0x2b8: {  	[tilespmem:s25+$0x15120] =	vst v1;
	v0 =	vld [tilespmem:s12+$0x50]  }
0x2b9: {  	v1 =	vld [tilespmem:s1+$0x30];
	[tilespmem:s25+$0x152A0] =	vst v4  }
0x2ba: {  	[tilespmem:s25+$0x15320] =	vst v5;
	v5 =	vld [tilespmem:s30+$0x30]  }
0x2bb: {  	[tilespmem:s25+$0x151A0] =	vst v2;
	v2 =	vld [tilespmem:s0+$0x30]  }
0x2bc: {  	[tilespmem:s25+$0x15220] =	vst v3;
	v3 =	vld [tilespmem:s31+$0x30]  }
0x2bd: {  	v4 =	vld [tilespmem:s29+$0x30];
	[tilespmem:s25+$0x153D0] =	vst v0  }
0x2be: {  	[tilespmem:s25+$0x150B0] =	vst v1;
	v0 =	vld [tilespmem:s12+$0x60]  }
0x2bf: {  	v1 =	vld [tilespmem:s28+$0x30];
	[tilespmem:s25+$0x152B0] =	vst v5  }
0x2c0: {  	[tilespmem:s25+$0x15130] =	vst v2;
	v2 =	vld [tilespmem:s1+$0x40]  }
0x2c1: {  	[tilespmem:s25+$0x151B0] =	vst v3;
	v3 =	vld [tilespmem:s0+$0x40]  }
0x2c2: {  	[tilespmem:s25+$0x15230] =	vst v4;
	v4 =	vld [tilespmem:s31+$0x40]  }
0x2c3: {  	v5 =	vld [tilespmem:s29+$0x40];
	[tilespmem:s25+$0x153E0] =	vst v0  }
0x2c4: {  	[tilespmem:s25+$0x15330] =	vst v1;
	v0 =	vld [tilespmem:s12+$0x70]  }
0x2c5: {  	v1 =	vld [tilespmem:s30+$0x40];
	[tilespmem:s25+$0x150C0] =	vst v2  }
0x2c6: {  	v2 =	vld [tilespmem:s28+$0x40];
	[tilespmem:s25+$0x15140] =	vst v3  }
0x2c7: {  	v3 =	vld [tilespmem:s1+$0x50];
	[tilespmem:s25+$0x151C0] =	vst v4  }
0x2c8: {  	v4 =	vld [tilespmem:s0+$0x50];
	[tilespmem:s25+$0x15240] =	vst v5  }
0x2c9: {  	v5 =	vld [tilespmem:s31+$0x50];
	[tilespmem:s25+$0x153F0] =	vst v0  }
0x2ca: {  	[tilespmem:s25+$0x152C0] =	vst v1;
	v0 =	vld [tilespmem:s12+$0x400]  }
0x2cb: {  	v1 =	vld [tilespmem:s29+$0x50];
	[tilespmem:s25+$0x15340] =	vst v2  }
0x2cc: {  	v2 =	vld [tilespmem:s30+$0x50];
	[tilespmem:s25+$0x150D0] =	vst v3  }
0x2cd: {  	v3 =	vld [tilespmem:s28+$0x50];
	[tilespmem:s25+$0x15150] =	vst v4  }
0x2ce: {  	v4 =	vld [tilespmem:s1+$0x60];
	[tilespmem:s25+$0x151D0] =	vst v5  }
0x2cf: {  	v5 =	vld [tilespmem:s0+$0x60];
	[tilespmem:s25+$0x15780] =	vst v0  }
0x2d0: {  	[tilespmem:s25+$0x15250] =	vst v1;
	v0 =	vld [tilespmem:s12+$0x410]  }
0x2d1: {  	v1 =	vld [tilespmem:s31+$0x60];
	[tilespmem:s25+$0x152D0] =	vst v2  }
0x2d2: {  	v2 =	vld [tilespmem:s29+$0x60];
	[tilespmem:s25+$0x15350] =	vst v3  }
0x2d3: {  	v3 =	vld [tilespmem:s30+$0x60];
	[tilespmem:s25+$0x150E0] =	vst v4  }
0x2d4: {  	v4 =	vld [tilespmem:s28+$0x60];
	[tilespmem:s25+$0x15160] =	vst v5  }
0x2d5: {  	v5 =	vld [tilespmem:s1+$0x70];
	[tilespmem:s25+$0x15790] =	vst v0  }
0x2d6: {  	[tilespmem:s25+$0x151E0] =	vst v1;
	v0 =	vld [tilespmem:s12+$0x420]  }
0x2d7: {  	v1 =	vld [tilespmem:s0+$0x70];
	[tilespmem:s25+$0x15260] =	vst v2  }
0x2d8: {  	v2 =	vld [tilespmem:s31+$0x70];
	[tilespmem:s25+$0x152E0] =	vst v3  }
0x2d9: {  	v3 =	vld [tilespmem:s29+$0x70];
	[tilespmem:s25+$0x15360] =	vst v4  }
0x2da: {  	v4 =	vld [tilespmem:s30+$0x70];
	[tilespmem:s25+$0x150F0] =	vst v5  }
0x2db: {  	v5 =	vld [tilespmem:s28+$0x70];
	[tilespmem:s25+$0x157A0] =	vst v0  }
0x2dc: {  	[tilespmem:s25+$0x15170] =	vst v1;
	v0 =	vld [tilespmem:s12+$0x430]  }
0x2dd: {  	v1 =	vld [tilespmem:s1+$0x400];
	[tilespmem:s25+$0x151F0] =	vst v2  }
0x2de: {  	v2 =	vld [tilespmem:s0+$0x400];
	[tilespmem:s25+$0x15270] =	vst v3  }
0x2df: {  	v3 =	vld [tilespmem:s31+$0x400];
	[tilespmem:s25+$0x152F0] =	vst v4  }
0x2e0: {  	v4 =	vld [tilespmem:s29+$0x400];
	[tilespmem:s25+$0x15370] =	vst v5  }
0x2e1: {  	v5 =	vld [tilespmem:s30+$0x400];
	[tilespmem:s25+$0x157B0] =	vst v0  }
0x2e2: {  	[tilespmem:s25+$0x15480] =	vst v1;
	v0 =	vld [tilespmem:s12+$0x440]  }
0x2e3: {  	v1 =	vld [tilespmem:s28+$0x400];
	[tilespmem:s25+$0x15500] =	vst v2  }
0x2e4: {  	v2 =	vld [tilespmem:s1+$0x410];
	[tilespmem:s25+$0x15580] =	vst v3  }
0x2e5: {  	v3 =	vld [tilespmem:s0+$0x410];
	[tilespmem:s25+$0x15600] =	vst v4  }
0x2e6: {  	v4 =	vld [tilespmem:s31+$0x410];
	[tilespmem:s25+$0x15680] =	vst v5  }
0x2e7: {  	v5 =	vld [tilespmem:s29+$0x410];
	[tilespmem:s25+$0x157C0] =	vst v0  }
0x2e8: {  	[tilespmem:s25+$0x15700] =	vst v1;
	v0 =	vld [tilespmem:s12+$0x450]  }
0x2e9: {  	v1 =	vld [tilespmem:s30+$0x410];
	[tilespmem:s25+$0x15490] =	vst v2  }
0x2ea: {  	v2 =	vld [tilespmem:s28+$0x410];
	[tilespmem:s25+$0x15510] =	vst v3  }
0x2eb: {  	v3 =	vld [tilespmem:s1+$0x420];
	[tilespmem:s25+$0x15590] =	vst v4  }
0x2ec: {  	v4 =	vld [tilespmem:s0+$0x420];
	[tilespmem:s25+$0x15610] =	vst v5  }
0x2ed: {  	v5 =	vld [tilespmem:s31+$0x420];
	[tilespmem:s25+$0x157D0] =	vst v0  }
0x2ee: {  	[tilespmem:s25+$0x15690] =	vst v1;
	v0 =	vld [tilespmem:s12+$0x460]  }
0x2ef: {  	v1 =	vld [tilespmem:s29+$0x420];
	[tilespmem:s25+$0x15710] =	vst v2  }
0x2f0: {  	v2 =	vld [tilespmem:s30+$0x420];
	[tilespmem:s25+$0x154A0] =	vst v3  }
0x2f1: {  	v3 =	vld [tilespmem:s28+$0x420];
	[tilespmem:s25+$0x15520] =	vst v4  }
0x2f2: {  	v4 =	vld [tilespmem:s1+$0x430];
	[tilespmem:s25+$0x155A0] =	vst v5  }
0x2f3: {  	v5 =	vld [tilespmem:s0+$0x430];
	[tilespmem:s25+$0x157E0] =	vst v0  }
0x2f4: {  	[tilespmem:s25+$0x15620] =	vst v1;
	v0 =	vld [tilespmem:s12+$0x470]  }
0x2f5: {  	v1 =	vld [tilespmem:s31+$0x430];
	[tilespmem:s25+$0x156A0] =	vst v2  }
0x2f6: {  	v2 =	vld [tilespmem:s29+$0x430];
	[tilespmem:s25+$0x15720] =	vst v3  }
0x2f7: {  	v3 =	vld [tilespmem:s30+$0x430];
	[tilespmem:s25+$0x154B0] =	vst v4  }
0x2f8: {  	v4 =	vld [tilespmem:s28+$0x430];
	[tilespmem:s25+$0x15530] =	vst v5  }
0x2f9: {  	v5 =	vld [tilespmem:s1+$0x440];
	[tilespmem:s25+$0x157F0] =	vst v0  }
0x2fa: {  	[tilespmem:s25+$0x155B0] =	vst v1;
	v0 =	vld [tilespmem:s12+$0x800]  }
0x2fb: {  	v1 =	vld [tilespmem:s0+$0x440];
	[tilespmem:s25+$0x15630] =	vst v2  }
0x2fc: {  	v2 =	vld [tilespmem:s31+$0x440];
	[tilespmem:s25+$0x156B0] =	vst v3  }
0x2fd: {  	v3 =	vld [tilespmem:s29+$0x440];
	[tilespmem:s25+$0x15730] =	vst v4  }
0x2fe: {  	v4 =	vld [tilespmem:s30+$0x440];
	[tilespmem:s25+$0x154C0] =	vst v5  }
0x2ff: {  	v5 =	vld [tilespmem:s28+$0x440];
	[tilespmem:s25+$0x15B80] =	vst v0  }
0x300: {  	[tilespmem:s25+$0x15540] =	vst v1;
	v0 =	vld [tilespmem:s12+$0x810]  }
0x301: {  	v1 =	vld [tilespmem:s1+$0x450];
	[tilespmem:s25+$0x155C0] =	vst v2  }
0x302: {  	v2 =	vld [tilespmem:s0+$0x450];
	[tilespmem:s25+$0x15640] =	vst v3  }
0x303: {  	v3 =	vld [tilespmem:s31+$0x450];
	[tilespmem:s25+$0x156C0] =	vst v4  }
0x304: {  	v4 =	vld [tilespmem:s29+$0x450];
	[tilespmem:s25+$0x15740] =	vst v5  }
0x305: {  	v5 =	vld [tilespmem:s30+$0x450];
	[tilespmem:s25+$0x15B90] =	vst v0  }
0x306: {  	[tilespmem:s25+$0x154D0] =	vst v1;
	v0 =	vld [tilespmem:s12+$0x820]  }
0x307: {  	v1 =	vld [tilespmem:s28+$0x450];
	[tilespmem:s25+$0x15550] =	vst v2  }
0x308: {  	v2 =	vld [tilespmem:s1+$0x460];
	[tilespmem:s25+$0x155D0] =	vst v3  }
0x309: {  	v3 =	vld [tilespmem:s0+$0x460];
	[tilespmem:s25+$0x15650] =	vst v4  }
0x30a: {  	v4 =	vld [tilespmem:s31+$0x460];
	[tilespmem:s25+$0x156D0] =	vst v5  }
0x30b: {  	v5 =	vld [tilespmem:s29+$0x460];
	[tilespmem:s25+$0x15BA0] =	vst v0  }
0x30c: {  	[tilespmem:s25+$0x15750] =	vst v1;
	v0 =	vld [tilespmem:s12+$0x830]  }
0x30d: {  	v1 =	vld [tilespmem:s30+$0x460];
	[tilespmem:s25+$0x154E0] =	vst v2  }
0x30e: {  	v2 =	vld [tilespmem:s28+$0x460];
	[tilespmem:s25+$0x15560] =	vst v3  }
0x30f: {  	v3 =	vld [tilespmem:s1+$0x470];
	[tilespmem:s25+$0x155E0] =	vst v4  }
0x310: {  	v4 =	vld [tilespmem:s0+$0x470];
	[tilespmem:s25+$0x15660] =	vst v5  }
0x311: {  	v5 =	vld [tilespmem:s31+$0x470];
	[tilespmem:s25+$0x15BB0] =	vst v0  }
0x312: {  	[tilespmem:s25+$0x156E0] =	vst v1;
	v0 =	vld [tilespmem:s12+$0x840]  }
0x313: {  	v1 =	vld [tilespmem:s29+$0x470];
	[tilespmem:s25+$0x15760] =	vst v2  }
0x314: {  	v2 =	vld [tilespmem:s30+$0x470];
	[tilespmem:s25+$0x154F0] =	vst v3  }
0x315: {  	v3 =	vld [tilespmem:s28+$0x470];
	[tilespmem:s25+$0x15570] =	vst v4  }
0x316: {  	v4 =	vld [tilespmem:s26+$0x470];
	[tilespmem:s25+$0x155F0] =	vst v5  }
0x317: {  	v5 =	vld [tilespmem:s1+$0x800];
	[tilespmem:s25+$0x15BC0] =	vst v0  }
0x318: {  	[tilespmem:s25+$0x15670] =	vst v1;
	v0 =	vld [tilespmem:s12+$0x850]  }
0x319: {  	v1 =	vld [tilespmem:s0+$0x800];
	[tilespmem:s25+$0x156F0] =	vst v2  }
0x31a: {  	v2 =	vld [tilespmem:s31+$0x800];
	[tilespmem:s25+$0x15770] =	vst v3  }
0x31b: {  	v3 =	vld [tilespmem:s29+$0x800];
	[tilespmem:s25+$0x15470] =	vst v4  }
0x31c: {  	v4 =	vld [tilespmem:s30+$0x800];
	[tilespmem:s25+$0x15880] =	vst v5  }
0x31d: {  	v5 =	vld [tilespmem:s28+$0x800];
	[tilespmem:s25+$0x15BD0] =	vst v0  }
0x31e: {  	[tilespmem:s25+$0x15900] =	vst v1;
	v0 =	vld [tilespmem:s12+$0x860]  }
0x31f: {  	v1 =	vld [tilespmem:s26+$0x800];
	[tilespmem:s25+$0x15980] =	vst v2  }
0x320: {  	v2 =	vld [tilespmem:s1+$0x810];
	[tilespmem:s25+$0x15A00] =	vst v3  }
0x321: {  	v3 =	vld [tilespmem:s0+$0x810];
	[tilespmem:s25+$0x15A80] =	vst v4  }
0x322: {  	v4 =	vld [tilespmem:s31+$0x810];
	[tilespmem:s25+$0x15B00] =	vst v5  }
0x323: {  	v5 =	vld [tilespmem:s29+$0x810];
	[tilespmem:s25+$0x15BE0] =	vst v0  }
0x324: {  	[tilespmem:s25+$0x15800] =	vst v1;
	v0 =	vld [tilespmem:s12+$0x870]  }
0x325: {  	v1 =	vld [tilespmem:s30+$0x810];
	[tilespmem:s25+$0x15890] =	vst v2  }
0x326: {  	v2 =	vld [tilespmem:s28+$0x810];
	[tilespmem:s25+$0x15910] =	vst v3  }
0x327: {  	v3 =	vld [tilespmem:s26+$0x810];
	[tilespmem:s25+$0x15990] =	vst v4  }
0x328: {  	v4 =	vld [tilespmem:s1+$0x820];
	[tilespmem:s25+$0x15A10] =	vst v5  }
0x329: {  	v5 =	vld [tilespmem:s0+$0x820];
	[tilespmem:s25+$0x15BF0] =	vst v0  }
0x32a: {  	[tilespmem:s25+$0x15A90] =	vst v1;
	v0 =	vld [tilespmem:s12+$0xC00]  }
0x32b: {  	v1 =	vld [tilespmem:s31+$0x820];
	[tilespmem:s25+$0x15B10] =	vst v2  }
0x32c: {  	v2 =	vld [tilespmem:s29+$0x820];
	[tilespmem:s25+$0x15810] =	vst v3  }
0x32d: {  	v3 =	vld [tilespmem:s30+$0x820];
	[tilespmem:s25+$0x158A0] =	vst v4  }
0x32e: {  	v4 =	vld [tilespmem:s28+$0x820];
	[tilespmem:s25+$0x15920] =	vst v5  }
0x32f: {  	v5 =	vld [tilespmem:s26+$0x820];
	[tilespmem:s25+$0x15F80] =	vst v0  }
0x330: {  	[tilespmem:s25+$0x159A0] =	vst v1;
	v6 =	vld [tilespmem:s12+$0xC10]  }
0x331: {  	v7 =	vld [tilespmem:s1+$0x830];
	[tilespmem:s25+$0x15A20] =	vst v2  }
0x332: {  	v1 =	vld [tilespmem:s0+$0x830];
	[tilespmem:s25+$0x15AA0] =	vst v3  }
0x333: {  	v3 =	vld [tilespmem:s31+$0x830];
	[tilespmem:s25+$0x15B20] =	vst v4  }
0x334: {  	v2 =	vld [tilespmem:s29+$0x830];
	[tilespmem:s25+$0x15820] =	vst v5  }
0x335: {  	v0 =	vld [tilespmem:s30+$0x830];
	[tilespmem:s25+$0x15F90] =	vst v6  }
0x336: {  	s13 =	simm.s32 $0x8;
	[tilespmem:s25+$0x158B0] =	vst v7;
	v4 =	vld [tilespmem:s12+$0xC20]  }
.LBB2_6:
0x337: {  	v5 =	vld [tilespmem:s13+$0x1F080];
	p0 =	slt.u32 s13, $0x48;
	[tilespmem:s25+$0x15930] =	vst v1  }
0x338: {  	[tilespmem:s25+$0x159B0] =	vst v3;
	v1 =	vld [tilespmem:s28+$0x830]  }
0x339: {  	v3 =	vld [tilespmem:s26+$0x830];
	[tilespmem:s25+$0x15A30] =	vst v2  }
0x33a: {  	v2 =	vld [tilespmem:s1+$0x840];
	[tilespmem:s25+$0x15AB0] =	vst v0  }
0x33b: {  	v0 =	vld [tilespmem:s0+$0x840];
	[tilespmem:s25+$0x15FA0] =	vst v4  }
0x33c: {  	(v2sf) =	vpush v5, $0x0;
	v4 =	vld [tilespmem:s12+$0xC30]  }
0x33d: {  	v5 =	vld [tilespmem:s31+$0x840];
	[tilespmem:s25+$0x15B30] =	vst v1  }
0x33e: {  	[tilespmem:s25+$0x15830] =	vst v3;
	v1 =	vld [tilespmem:s29+$0x840]  }
0x33f: {  	[tilespmem:s25+$0x158C0] =	vst v2;
	v2 =	vld [tilespmem:s30+$0x840]  }
0x340: {  	[tilespmem:s25+$0x15940] =	vst v0;
	v0 =	vld [tilespmem:s28+$0x840]  }
0x341: {  	v3 =	vld [tilespmem:s26+$0x840];
	[tilespmem:s25+$0x15FB0] =	vst v4  }
0x342: {  	[tilespmem:s25+$0x159C0] =	vst v5;
	v4 =	vld [tilespmem:s12+$0xC40]  }
0x343: {  	v5 =	vld [tilespmem:s1+$0x850];
	[tilespmem:s25+$0x15A40] =	vst v1  }
0x344: {  	v1 =	vld [tilespmem:s0+$0x850];
	[tilespmem:s25+$0x15AC0] =	vst v2  }
0x345: {  	v2 =	vld [tilespmem:s31+$0x850];
	[tilespmem:s25+$0x15B40] =	vst v0  }
0x346: {  	[tilespmem:s25+$0x15840] =	vst v3;
	v0 =	vld [tilespmem:s29+$0x850]  }
0x347: {  	v3 =	vld [tilespmem:s30+$0x850];
	[tilespmem:s25+$0x15FC0] =	vst v4  }
0x348: {  	[tilespmem:s25+$0x158D0] =	vst v5;
	v4 =	vld [tilespmem:s12+$0xC50]  }
0x349: {  	[tilespmem:s25+$0x15950] =	vst v1  }
0x34a: {  	v1 =	vld [tilespmem:s28+$0x850]  }
0x34b: {  	v5 =	vld [tilespmem:s26+$0x850];
	[tilespmem:s25+$0x159D0] =	vst v2  }
0x34c: {  	s6 =	spop (v2sf);
	v2 =	vld [tilespmem:s1+$0x860];
	[tilespmem:s25+$0x15A50] =	vst v0  }
0x34d: {  	s7 =	sshll.u32 s6, $0x9;
	s6 =	sshll.u32 s6, $0x7;
	v0 =	vld [tilespmem:s0+$0x860];
	[tilespmem:s25+$0x15AD0] =	vst v3  }
0x34e: {  	s7 =	sand.u32 $0xFFFFF000, s7;
	s6 =	sand.u32 $0x380, s6;
	v3 =	vld [tilespmem:s31+$0x860];
	[tilespmem:s25+$0x15FD0] =	vst v4  }
0x34f: {  	s6 =	sor.u32 s6, s7;
	[tilespmem:s25+$0x15B50] =	vst v1;
	v1 =	vld [tilespmem:s12+$0xC60]  }
0x350: {  	v4 =	vld [tilespmem:s6+$0x0];
	[tilespmem:s25+$0x15850] =	vst v5  }
0x351: {  	[tilespmem:s25+$0x158E0] =	vst v2;
	v2 =	vld [tilespmem:s29+$0x860]  }
0x352: {  	[tilespmem:s25+$0x15960] =	vst v0;
	v0 =	vld [tilespmem:s30+$0x860]  }
0x353: {  	s7 =	sshll.u32 s13, $0x9;
	[tilespmem:s25+$0x159E0] =	vst v3;
	v3 =	vld [tilespmem:s28+$0x860]  }
0x354: {  	s7 =	sand.u32 $0x3FFFFE00, s7;
	v5 =	vld [tilespmem:s26+$0x860];
	[tilespmem:s25+$0x15FE0] =	vst v1  }
0x355: {  	[tilespmem:s7+$0x15000] =	vst v4;
	v1 =	vld [tilespmem:s12+$0xC70]  }
0x356: {  	v4 =	vld [tilespmem:s6+$0x10];
	[tilespmem:s25+$0x15A60] =	vst v2  }
0x357: {  	v2 =	vld [tilespmem:s1+$0x870];
	[tilespmem:s25+$0x15AE0] =	vst v0  }
0x358: {  	v0 =	vld [tilespmem:s0+$0x870];
	[tilespmem:s25+$0x15B60] =	vst v3  }
0x359: {  	[tilespmem:s25+$0x15860] =	vst v5;
	v3 =	vld [tilespmem:s31+$0x870]  }
0x35a: {  	v5 =	vld [tilespmem:s29+$0x870];
	[tilespmem:s25+$0x15FF0] =	vst v1  }
0x35b: {  	[tilespmem:s7+$0x15010] =	vst v4;
	v1 =	vld [tilespmem:s30+$0x870]  }
0x35c: {  	v4 =	vld [tilespmem:s6+$0x20];
	[tilespmem:s25+$0x158F0] =	vst v2  }
0x35d: {  	[tilespmem:s25+$0x15970] =	vst v0;
	v0 =	vld [tilespmem:s28+$0x870]  }
0x35e: {  	v2 =	vld [tilespmem:s26+$0x870];
	[tilespmem:s25+$0x159F0] =	vst v3  }
0x35f: {  	v3 =	vld [tilespmem:s1+$0xC00];
	[tilespmem:s25+$0x15A70] =	vst v5  }
0x360: {  	v5 =	vld [tilespmem:s0+$0xC00];
	[tilespmem:s25+$0x15AF0] =	vst v1  }
0x361: {  	[tilespmem:s7+$0x15020] =	vst v4;
	v1 =	vld [tilespmem:s31+$0xC00]  }
0x362: {  	v4 =	vld [tilespmem:s6+$0x30];
	[tilespmem:s25+$0x15B70] =	vst v0  }
0x363: {  	[tilespmem:s25+$0x15870] =	vst v2;
	v0 =	vld [tilespmem:s29+$0xC00]  }
0x364: {  	[tilespmem:s25+$0x15C80] =	vst v3;
	v2 =	vld [tilespmem:s30+$0xC00]  }
0x365: {  	[tilespmem:s25+$0x15D00] =	vst v5;
	v3 =	vld [tilespmem:s28+$0xC00]  }
0x366: {  	v5 =	vld [tilespmem:s26+$0xC00];
	[tilespmem:s25+$0x15D80] =	vst v1  }
0x367: {  	[tilespmem:s7+$0x15030] =	vst v4;
	v1 =	vld [tilespmem:s1+$0xC10]  }
0x368: {  	v4 =	vld [tilespmem:s6+$0x40];
	[tilespmem:s25+$0x15E00] =	vst v0  }
0x369: {  	v0 =	vld [tilespmem:s0+$0xC10];
	[tilespmem:s25+$0x15E80] =	vst v2  }
0x36a: {  	v2 =	vld [tilespmem:s31+$0xC10];
	[tilespmem:s25+$0x15F00] =	vst v3  }
0x36b: {  	[tilespmem:s25+$0x15C00] =	vst v5;
	v3 =	vld [tilespmem:s29+$0xC10]  }
0x36c: {  	[tilespmem:s25+$0x15C90] =	vst v1;
	v1 =	vld [tilespmem:s30+$0xC10]  }
0x36d: {  	[tilespmem:s7+$0x15040] =	vst v4;
	v4 =	vld [tilespmem:s28+$0xC10]  }
0x36e: {  	v5 =	vld [tilespmem:s6+$0x50];
	[tilespmem:s25+$0x15D10] =	vst v0  }
0x36f: {  	v0 =	vld [tilespmem:s26+$0xC10];
	[tilespmem:s25+$0x15D90] =	vst v2  }
0x370: {  	v2 =	vld [tilespmem:s1+$0xC20];
	[tilespmem:s25+$0x15E10] =	vst v3  }
0x371: {  	v3 =	vld [tilespmem:s0+$0xC20];
	[tilespmem:s25+$0x15E90] =	vst v1  }
0x372: {  	v1 =	vld [tilespmem:s31+$0xC20];
	[tilespmem:s25+$0x15F10] =	vst v4  }
0x373: {  	[tilespmem:s7+$0x15050] =	vst v5;
	v4 =	vld [tilespmem:s29+$0xC20]  }
0x374: {  	v5 =	vld [tilespmem:s6+$0x60];
	[tilespmem:s25+$0x15C10] =	vst v0  }
0x375: {  	[tilespmem:s25+$0x15CA0] =	vst v2;
	v0 =	vld [tilespmem:s30+$0xC20]  }
0x376: {  	[tilespmem:s25+$0x15D20] =	vst v3;
	v2 =	vld [tilespmem:s28+$0xC20]  }
0x377: {  	v3 =	vld [tilespmem:s26+$0xC20];
	[tilespmem:s25+$0x15DA0] =	vst v1  }
0x378: {  	v1 =	vld [tilespmem:s1+$0xC30];
	[tilespmem:s25+$0x15E20] =	vst v4  }
0x379: {  	[tilespmem:s7+$0x15060] =	vst v5;
	v4 =	vld [tilespmem:s0+$0xC30]  }
0x37a: {  	v5 =	vld [tilespmem:s6+$0x70];
	[tilespmem:s25+$0x15EA0] =	vst v0  }
0x37b: {  	v0 =	vld [tilespmem:s31+$0xC30];
	[tilespmem:s25+$0x15F20] =	vst v2  }
0x37c: {  	[tilespmem:s25+$0x15C20] =	vst v3;
	v2 =	vld [tilespmem:s29+$0xC30]  }
0x37d: {  	[tilespmem:s25+$0x15CB0] =	vst v1;
	v1 =	vld [tilespmem:s30+$0xC30]  }
0x37e: {  	[tilespmem:s25+$0x15D30] =	vst v4;
	v3 =	vld [tilespmem:s28+$0xC30]  }
0x37f: {  	[tilespmem:s7+$0x15070] =	vst v5;
	v4 =	vld [tilespmem:s26+$0xC30]  }
0x380: {  	v5 =	vld [tilespmem:s6+$0x400];
	[tilespmem:s25+$0x15DB0] =	vst v0  }
0x381: {  	v0 =	vld [tilespmem:s1+$0xC40];
	[tilespmem:s25+$0x15E30] =	vst v2  }
0x382: {  	v2 =	vld [tilespmem:s0+$0xC40];
	[tilespmem:s25+$0x15EB0] =	vst v1  }
0x383: {  	v1 =	vld [tilespmem:s31+$0xC40];
	[tilespmem:s25+$0x15F30] =	vst v3  }
0x384: {  	[tilespmem:s25+$0x15C30] =	vst v4;
	v3 =	vld [tilespmem:s29+$0xC40]  }
0x385: {  	[tilespmem:s7+$0x15400] =	vst v5;
	v4 =	vld [tilespmem:s30+$0xC40]  }
0x386: {  	v5 =	vld [tilespmem:s6+$0x410];
	[tilespmem:s25+$0x15CC0] =	vst v0  }
0x387: {  	[tilespmem:s25+$0x15D40] =	vst v2;
	v0 =	vld [tilespmem:s28+$0xC40]  }
0x388: {  	v2 =	vld [tilespmem:s26+$0xC40];
	[tilespmem:s25+$0x15DC0] =	vst v1  }
0x389: {  	v1 =	vld [tilespmem:s1+$0xC50];
	[tilespmem:s25+$0x15E40] =	vst v3  }
0x38a: {  	v3 =	vld [tilespmem:s0+$0xC50];
	[tilespmem:s25+$0x15EC0] =	vst v4  }
0x38b: {  	[tilespmem:s7+$0x15410] =	vst v5;
	v4 =	vld [tilespmem:s31+$0xC50]  }
0x38c: {  	v5 =	vld [tilespmem:s13+$0x1F087];
	[tilespmem:s25+$0x15F40] =	vst v0  }
0x38d: {  	v0 =	vld [tilespmem:s13+$0x1F081];
	[tilespmem:s25+$0x15C40] =	vst v2  }
0x38e: {  	v2 =	vld [tilespmem:s13+$0x1F082];
	[tilespmem:s25+$0x15CD0] =	vst v1  }
0x38f: {  	v1 =	vld [tilespmem:s13+$0x1F083];
	[tilespmem:s25+$0x15D50] =	vst v3  }
0x390: {  	v3 =	vld [tilespmem:s13+$0x1F084];
	[tilespmem:s25+$0x15DD0] =	vst v4  }
0x391: {  	v4 =	vld [tilespmem:s13+$0x1F085];
	(v2sf) =	vpush v5, $0x0  }
0x392: {  	v5 =	vld [tilespmem:s13+$0x1F086];
	(v2sf) =	vpush v0, $0x0  }
0x393: {  	v0 =	vld [tilespmem:s6+$0x420];
	(v2sf) =	vpush v2, $0x0  }
0x394: {  	(v2sf) =	vpush v1, $0x0;
	v1 =	vld [tilespmem:s29+$0xC50]  }
0x395: {  	(v2sf) =	vpush v3, $0x0;
	v2 =	vld [tilespmem:s30+$0xC50]  }
0x396: {  	(v2sf) =	vpush v4, $0x0;
	v3 =	vld [tilespmem:s28+$0xC50]  }
0x397: {  	(v2sf) =	vpush v5, $0x0;
	v4 =	vld [tilespmem:s26+$0xC50]  }
0x398: {  	[tilespmem:s7+$0x15420] =	vst v0;
	v0 =	vld [tilespmem:s1+$0xC60]  }
0x399: {  	v5 =	vld [tilespmem:s6+$0x430];
	[tilespmem:s25+$0x15E50] =	vst v1  }
0x39a: {  	v1 =	vld [tilespmem:s0+$0xC60];
	[tilespmem:s25+$0x15ED0] =	vst v2  }
0x39b: {  	v2 =	vld [tilespmem:s31+$0xC60];
	[tilespmem:s25+$0x15F50] =	vst v3  }
0x39c: {  	[tilespmem:s25+$0x15C50] =	vst v4;
	v3 =	vld [tilespmem:s29+$0xC60]  }
0x39d: {  	[tilespmem:s25+$0x15CE0] =	vst v0;
	v0 =	vld [tilespmem:s30+$0xC60]  }
0x39e: {  	[tilespmem:s7+$0x15430] =	vst v5;
	v4 =	vld [tilespmem:s28+$0xC60]  }
0x39f: {  	v5 =	vld [tilespmem:s6+$0x440];
	[tilespmem:s25+$0x15D60] =	vst v1  }
0x3a0: {  	s8 =	spop (v2sf);
	v1 =	vld [tilespmem:s26+$0xC60];
	[tilespmem:s25+$0x15DE0] =	vst v2  }
0x3a1: {  	s10 =	sshll.u32 s8, $0x9;
	s8 =	sshll.u32 s8, $0x7;
	s11 =	spop (v2sf);
	v2 =	vld [tilespmem:s1+$0xC70];
	[tilespmem:s25+$0x15E60] =	vst v3  }
0x3a2: {  	s1 =	sand.u32 $0xFFFFF000, s10;
	s8 =	sand.u32 $0x380, s8;
	s10 =	spop (v2sf);
	v3 =	vld [tilespmem:s0+$0xC70];
	[tilespmem:s25+$0x15EE0] =	vst v0  }
0x3a3: {  	s0 =	sshll.u32 s11, $0x9;
	s12 =	sor.u32 s8, s1;
	s1 =	spop (v2sf);
	v0 =	vld [tilespmem:s31+$0xC70];
	[tilespmem:s25+$0x15F60] =	vst v4  }
0x3a4: {  	s8 =	sshll.u32 s11, $0x7;
	s11 =	sshll.u32 s10, $0x9;
	[tilespmem:s7+$0x15440] =	vst v5;
	v4 =	vld [tilespmem:s12+$0x0];
	s14 =	spop (v2sf)  }
0x3a5: {  	s10 =	sshll.u32 s10, $0x7;
	s18 =	sshll.u32 s1, $0x9;
	v5 =	vld [tilespmem:s6+$0x450];
	s19 =	spop (v2sf);
	[tilespmem:s25+$0x15C60] =	vst v1  }
0x3a6: {  	s1 =	sshll.u32 s1, $0x7;
	s20 =	sshll.u32 s14, $0x9;
	s21 =	spop (v2sf);
	[tilespmem:s25+$0x15CF0] =	vst v2;
	v1 =	vld [tilespmem:s29+$0xC70]  }
0x3a7: {  	s14 =	sshll.u32 s14, $0x7;
	s29 =	sshll.u32 s19, $0x9;
	s19 =	sshll.u32 s19, $0x7;
	[tilespmem:s25+$0x15D70] =	vst v3;
	v2 =	vld [tilespmem:s30+$0xC70]  }
0x3a8: {  	s0 =	sand.u32 $0xFFFFF000, s0;
	s30 =	sshll.u32 s21, $0x9;
	s21 =	sshll.u32 s21, $0x7;
	[tilespmem:s25+$0x15DF0] =	vst v0;
	v0 =	vld [tilespmem:s28+$0xC70]  }
0x3a9: {  	s8 =	sand.u32 $0x380, s8;
	s11 =	sand.u32 $0xFFFFF000, s11;
	s10 =	sand.u32 $0x380, s10;
	[tilespmem:s7+$0x15380] =	vst v4;
	v3 =	vld [tilespmem:s26+$0xC70]  }
0x3aa: {  	s18 =	sand.u32 $0xFFFFF000, s18;
	s20 =	sand.u32 $0xFFFFF000, s20;
	s26 =	sand.u32 $0x380, s1;
	[tilespmem:s7+$0x15450] =	vst v5;
	v4 =	vld [tilespmem:s12+$0x10]  }
0x3ab: {  	s14 =	sand.u32 $0x380, s14;
	s19 =	sand.u32 $0x380, s19;
	s28 =	sand.u32 $0xFFFFF000, s29;
	v5 =	vld [tilespmem:s6+$0x460];
	[tilespmem:s25+$0x15E70] =	vst v1  }
0x3ac: {  	s21 =	sand.u32 $0x380, s21;
	s1 =	sor.u32 s8, s0;
	s8 =	sand.u32 $0xFFFFF000, s30;
	[tilespmem:s25+$0x15EF0] =	vst v2  }
0x3ad: {  	s29 =	sor.u32 s14, s20;
	s0 =	sor.u32 s10, s11;
	s31 =	sor.u32 s26, s18;
	v1 =	vld [tilespmem:s1+$0x0];
	[tilespmem:s25+$0x15F70] =	vst v0  }
0x3ae: {  	s30 =	sor.u32 s19, s28;
	s28 =	sor.u32 s21, s8;
	s26 =	smov.u32 s6;
	v0 =	vld [tilespmem:s0+$0x0];
	[tilespmem:s25+$0x15C70] =	vst v3  }
0x3af: {  	s25 =	smov.u32 s7;
	v2 =	vld [tilespmem:s31+$0x0];
	[tilespmem:s7+$0x15390] =	vst v4  }
0x3b0: {  	[tilespmem:s25+$0x15460] =	vst v5;
	v3 =	vld [tilespmem:s12+$0x20]  }
0x3b1: {  	v4 =	vld [tilespmem:s29+$0x0]  }
0x3b2: {  	[tilespmem:s25+$0x15080] =	vst v1;
	v1 =	vld [tilespmem:s30+$0x0]  }
0x3b3: {  	[tilespmem:s25+$0x15100] =	vst v0;
	v0 =	vld [tilespmem:s28+$0x0]  }
0x3b4: {  	v5 =	vld [tilespmem:s1+$0x10];
	[tilespmem:s25+$0x15180] =	vst v2  }
0x3b5: {  	v2 =	vld [tilespmem:s0+$0x10];
	[tilespmem:s25+$0x153A0] =	vst v3  }
0x3b6: {  	[tilespmem:s25+$0x15200] =	vst v4;
	v3 =	vld [tilespmem:s12+$0x30]  }
0x3b7: {  	v4 =	vld [tilespmem:s31+$0x10];
	[tilespmem:s25+$0x15280] =	vst v1  }
0x3b8: {  	v1 =	vld [tilespmem:s29+$0x10];
	[tilespmem:s25+$0x15300] =	vst v0  }
0x3b9: {  	[tilespmem:s25+$0x15090] =	vst v5;
	v0 =	vld [tilespmem:s30+$0x10]  }
0x3ba: {  	[tilespmem:s25+$0x15110] =	vst v2;
	v2 =	vld [tilespmem:s28+$0x10]  }
0x3bb: {  	v5 =	vld [tilespmem:s1+$0x20];
	[tilespmem:s25+$0x153B0] =	vst v3  }
0x3bc: {  	[tilespmem:s25+$0x15190] =	vst v4;
	v3 =	vld [tilespmem:s12+$0x40]  }
0x3bd: {  	v4 =	vld [tilespmem:s0+$0x20];
	[tilespmem:s25+$0x15210] =	vst v1  }
0x3be: {  	v1 =	vld [tilespmem:s31+$0x20];
	[tilespmem:s25+$0x15290] =	vst v0  }
0x3bf: {  	v0 =	vld [tilespmem:s29+$0x20];
	[tilespmem:s25+$0x15310] =	vst v2  }
0x3c0: {  	[tilespmem:s25+$0x150A0] =	vst v5;
	v2 =	vld [tilespmem:s30+$0x20]  }
0x3c1: {  	v5 =	vld [tilespmem:s28+$0x20];
	[tilespmem:s25+$0x153C0] =	vst v3  }
0x3c2: {  	[tilespmem:s25+$0x15120] =	vst v4;
	v3 =	vld [tilespmem:s12+$0x50]  }
0x3c3: {  	v4 =	vld [tilespmem:s1+$0x30];
	[tilespmem:s25+$0x151A0] =	vst v1  }
0x3c4: {  	v1 =	vld [tilespmem:s0+$0x30];
	[tilespmem:s25+$0x15220] =	vst v0  }
0x3c5: {  	v0 =	vld [tilespmem:s31+$0x30];
	[tilespmem:s25+$0x152A0] =	vst v2  }
0x3c6: {  	v2 =	vld [tilespmem:s29+$0x30];
	[tilespmem:s25+$0x15320] =	vst v5  }
0x3c7: {  	v5 =	vld [tilespmem:s30+$0x30];
	[tilespmem:s25+$0x153D0] =	vst v3  }
0x3c8: {  	[tilespmem:s25+$0x150B0] =	vst v4;
	v3 =	vld [tilespmem:s12+$0x60]  }
0x3c9: {  	[tilespmem:s25+$0x15130] =	vst v1;
	v1 =	vld [tilespmem:s28+$0x30]  }
0x3ca: {  	v4 =	vld [tilespmem:s1+$0x40];
	[tilespmem:s25+$0x151B0] =	vst v0  }
0x3cb: {  	v0 =	vld [tilespmem:s0+$0x40];
	[tilespmem:s25+$0x15230] =	vst v2  }
0x3cc: {  	v2 =	vld [tilespmem:s31+$0x40];
	[tilespmem:s25+$0x152B0] =	vst v5  }
0x3cd: {  	v5 =	vld [tilespmem:s29+$0x40];
	[tilespmem:s25+$0x153E0] =	vst v3  }
0x3ce: {  	[tilespmem:s25+$0x15330] =	vst v1;
	v1 =	vld [tilespmem:s12+$0x70]  }
0x3cf: {  	[tilespmem:s25+$0x150C0] =	vst v4;
	v3 =	vld [tilespmem:s30+$0x40]  }
0x3d0: {  	[tilespmem:s25+$0x15140] =	vst v0;
	v0 =	vld [tilespmem:s28+$0x40]  }
0x3d1: {  	v4 =	vld [tilespmem:s1+$0x50];
	[tilespmem:s25+$0x151C0] =	vst v2  }
0x3d2: {  	v2 =	vld [tilespmem:s0+$0x50];
	[tilespmem:s25+$0x15240] =	vst v5  }
0x3d3: {  	v5 =	vld [tilespmem:s31+$0x50];
	[tilespmem:s25+$0x153F0] =	vst v1  }
0x3d4: {  	[tilespmem:s25+$0x152C0] =	vst v3;
	v1 =	vld [tilespmem:s12+$0x400]  }
0x3d5: {  	v3 =	vld [tilespmem:s29+$0x50];
	[tilespmem:s25+$0x15340] =	vst v0  }
0x3d6: {  	[tilespmem:s25+$0x150D0] =	vst v4;
	v0 =	vld [tilespmem:s30+$0x50]  }
0x3d7: {  	[tilespmem:s25+$0x15150] =	vst v2;
	v2 =	vld [tilespmem:s28+$0x50]  }
0x3d8: {  	v4 =	vld [tilespmem:s1+$0x60];
	[tilespmem:s25+$0x151D0] =	vst v5  }
0x3d9: {  	v5 =	vld [tilespmem:s0+$0x60];
	[tilespmem:s25+$0x15780] =	vst v1  }
0x3da: {  	[tilespmem:s25+$0x15250] =	vst v3;
	v1 =	vld [tilespmem:s12+$0x410]  }
0x3db: {  	v3 =	vld [tilespmem:s31+$0x60];
	[tilespmem:s25+$0x152D0] =	vst v0  }
0x3dc: {  	v0 =	vld [tilespmem:s29+$0x60];
	[tilespmem:s25+$0x15350] =	vst v2  }
0x3dd: {  	[tilespmem:s25+$0x150E0] =	vst v4;
	v2 =	vld [tilespmem:s30+$0x60]  }
0x3de: {  	[tilespmem:s25+$0x15160] =	vst v5;
	v4 =	vld [tilespmem:s28+$0x60]  }
0x3df: {  	v5 =	vld [tilespmem:s1+$0x70];
	[tilespmem:s25+$0x15790] =	vst v1  }
0x3e0: {  	[tilespmem:s25+$0x151E0] =	vst v3;
	v1 =	vld [tilespmem:s12+$0x420]  }
0x3e1: {  	v3 =	vld [tilespmem:s0+$0x70];
	[tilespmem:s25+$0x15260] =	vst v0  }
0x3e2: {  	v0 =	vld [tilespmem:s31+$0x70];
	[tilespmem:s25+$0x152E0] =	vst v2  }
0x3e3: {  	v2 =	vld [tilespmem:s29+$0x70];
	[tilespmem:s25+$0x15360] =	vst v4  }
0x3e4: {  	[tilespmem:s25+$0x150F0] =	vst v5;
	v4 =	vld [tilespmem:s30+$0x70]  }
0x3e5: {  	v5 =	vld [tilespmem:s28+$0x70];
	[tilespmem:s25+$0x157A0] =	vst v1  }
0x3e6: {  	[tilespmem:s25+$0x15170] =	vst v3;
	v1 =	vld [tilespmem:s12+$0x430]  }
0x3e7: {  	v3 =	vld [tilespmem:s1+$0x400];
	[tilespmem:s25+$0x151F0] =	vst v0  }
0x3e8: {  	v0 =	vld [tilespmem:s0+$0x400];
	[tilespmem:s25+$0x15270] =	vst v2  }
0x3e9: {  	v2 =	vld [tilespmem:s31+$0x400];
	[tilespmem:s25+$0x152F0] =	vst v4  }
0x3ea: {  	v4 =	vld [tilespmem:s29+$0x400];
	[tilespmem:s25+$0x15370] =	vst v5  }
0x3eb: {  	v5 =	vld [tilespmem:s30+$0x400];
	[tilespmem:s25+$0x157B0] =	vst v1  }
0x3ec: {  	[tilespmem:s25+$0x15480] =	vst v3;
	v1 =	vld [tilespmem:s12+$0x440]  }
0x3ed: {  	[tilespmem:s25+$0x15500] =	vst v0;
	v0 =	vld [tilespmem:s28+$0x400]  }
0x3ee: {  	v3 =	vld [tilespmem:s1+$0x410];
	[tilespmem:s25+$0x15580] =	vst v2  }
0x3ef: {  	v2 =	vld [tilespmem:s0+$0x410];
	[tilespmem:s25+$0x15600] =	vst v4  }
0x3f0: {  	v4 =	vld [tilespmem:s31+$0x410];
	[tilespmem:s25+$0x15680] =	vst v5  }
0x3f1: {  	v5 =	vld [tilespmem:s29+$0x410];
	[tilespmem:s25+$0x157C0] =	vst v1  }
0x3f2: {  	[tilespmem:s25+$0x15700] =	vst v0;
	v0 =	vld [tilespmem:s12+$0x450]  }
0x3f3: {  	[tilespmem:s25+$0x15490] =	vst v3;
	v1 =	vld [tilespmem:s30+$0x410]  }
0x3f4: {  	[tilespmem:s25+$0x15510] =	vst v2;
	v2 =	vld [tilespmem:s28+$0x410]  }
0x3f5: {  	v3 =	vld [tilespmem:s1+$0x420];
	[tilespmem:s25+$0x15590] =	vst v4  }
0x3f6: {  	v4 =	vld [tilespmem:s0+$0x420];
	[tilespmem:s25+$0x15610] =	vst v5  }
0x3f7: {  	v5 =	vld [tilespmem:s31+$0x420];
	[tilespmem:s25+$0x157D0] =	vst v0  }
0x3f8: {  	[tilespmem:s25+$0x15690] =	vst v1;
	v0 =	vld [tilespmem:s12+$0x460]  }
0x3f9: {  	v1 =	vld [tilespmem:s29+$0x420];
	[tilespmem:s25+$0x15710] =	vst v2  }
0x3fa: {  	[tilespmem:s25+$0x154A0] =	vst v3;
	v2 =	vld [tilespmem:s30+$0x420]  }
0x3fb: {  	[tilespmem:s25+$0x15520] =	vst v4;
	v3 =	vld [tilespmem:s28+$0x420]  }
0x3fc: {  	v4 =	vld [tilespmem:s1+$0x430];
	[tilespmem:s25+$0x155A0] =	vst v5  }
0x3fd: {  	v5 =	vld [tilespmem:s0+$0x430];
	[tilespmem:s25+$0x157E0] =	vst v0  }
0x3fe: {  	[tilespmem:s25+$0x15620] =	vst v1;
	v0 =	vld [tilespmem:s12+$0x470]  }
0x3ff: {  	v1 =	vld [tilespmem:s31+$0x430];
	[tilespmem:s25+$0x156A0] =	vst v2  }
0x400: {  	v2 =	vld [tilespmem:s29+$0x430];
	[tilespmem:s25+$0x15720] =	vst v3  }
0x401: {  	[tilespmem:s25+$0x154B0] =	vst v4;
	v3 =	vld [tilespmem:s30+$0x430]  }
0x402: {  	[tilespmem:s25+$0x15530] =	vst v5;
	v4 =	vld [tilespmem:s28+$0x430]  }
0x403: {  	v5 =	vld [tilespmem:s1+$0x440];
	[tilespmem:s25+$0x157F0] =	vst v0  }
0x404: {  	[tilespmem:s25+$0x155B0] =	vst v1;
	v0 =	vld [tilespmem:s12+$0x800]  }
0x405: {  	v1 =	vld [tilespmem:s0+$0x440];
	[tilespmem:s25+$0x15630] =	vst v2  }
0x406: {  	v2 =	vld [tilespmem:s31+$0x440];
	[tilespmem:s25+$0x156B0] =	vst v3  }
0x407: {  	v3 =	vld [tilespmem:s29+$0x440];
	[tilespmem:s25+$0x15730] =	vst v4  }
0x408: {  	[tilespmem:s25+$0x154C0] =	vst v5;
	v4 =	vld [tilespmem:s30+$0x440]  }
0x409: {  	v5 =	vld [tilespmem:s28+$0x440];
	[tilespmem:s25+$0x15B80] =	vst v0  }
0x40a: {  	[tilespmem:s25+$0x15540] =	vst v1;
	v0 =	vld [tilespmem:s12+$0x810]  }
0x40b: {  	v1 =	vld [tilespmem:s1+$0x450];
	[tilespmem:s25+$0x155C0] =	vst v2  }
0x40c: {  	v2 =	vld [tilespmem:s0+$0x450];
	[tilespmem:s25+$0x15640] =	vst v3  }
0x40d: {  	v3 =	vld [tilespmem:s31+$0x450];
	[tilespmem:s25+$0x156C0] =	vst v4  }
0x40e: {  	v4 =	vld [tilespmem:s29+$0x450];
	[tilespmem:s25+$0x15740] =	vst v5  }
0x40f: {  	v5 =	vld [tilespmem:s30+$0x450];
	[tilespmem:s25+$0x15B90] =	vst v0  }
0x410: {  	[tilespmem:s25+$0x154D0] =	vst v1;
	v0 =	vld [tilespmem:s12+$0x820]  }
0x411: {  	[tilespmem:s25+$0x15550] =	vst v2;
	v1 =	vld [tilespmem:s28+$0x450]  }
0x412: {  	v2 =	vld [tilespmem:s1+$0x460];
	[tilespmem:s25+$0x155D0] =	vst v3  }
0x413: {  	v3 =	vld [tilespmem:s0+$0x460];
	[tilespmem:s25+$0x15650] =	vst v4  }
0x414: {  	v4 =	vld [tilespmem:s31+$0x460];
	[tilespmem:s25+$0x156D0] =	vst v5  }
0x415: {  	v5 =	vld [tilespmem:s29+$0x460];
	[tilespmem:s25+$0x15BA0] =	vst v0  }
0x416: {  	[tilespmem:s25+$0x15750] =	vst v1;
	v0 =	vld [tilespmem:s12+$0x830]  }
0x417: {  	[tilespmem:s25+$0x154E0] =	vst v2;
	v1 =	vld [tilespmem:s30+$0x460]  }
0x418: {  	[tilespmem:s25+$0x15560] =	vst v3;
	v2 =	vld [tilespmem:s28+$0x460]  }
0x419: {  	v3 =	vld [tilespmem:s1+$0x470];
	[tilespmem:s25+$0x155E0] =	vst v4  }
0x41a: {  	v4 =	vld [tilespmem:s0+$0x470];
	[tilespmem:s25+$0x15660] =	vst v5  }
0x41b: {  	v5 =	vld [tilespmem:s31+$0x470];
	[tilespmem:s25+$0x15BB0] =	vst v0  }
0x41c: {  	[tilespmem:s25+$0x156E0] =	vst v1;
	v0 =	vld [tilespmem:s12+$0x840]  }
0x41d: {  	v1 =	vld [tilespmem:s29+$0x470];
	[tilespmem:s25+$0x15760] =	vst v2  }
0x41e: {  	[tilespmem:s25+$0x154F0] =	vst v3;
	v2 =	vld [tilespmem:s30+$0x470]  }
0x41f: {  	[tilespmem:s25+$0x15570] =	vst v4;
	v3 =	vld [tilespmem:s28+$0x470]  }
0x420: {  	v4 =	vld [tilespmem:s26+$0x470];
	[tilespmem:s25+$0x155F0] =	vst v5  }
0x421: {  	v5 =	vld [tilespmem:s1+$0x800];
	[tilespmem:s25+$0x15BC0] =	vst v0  }
0x422: {  	[tilespmem:s25+$0x15670] =	vst v1;
	v0 =	vld [tilespmem:s12+$0x850]  }
0x423: {  	v1 =	vld [tilespmem:s0+$0x800];
	[tilespmem:s25+$0x156F0] =	vst v2  }
0x424: {  	v2 =	vld [tilespmem:s31+$0x800];
	[tilespmem:s25+$0x15770] =	vst v3  }
0x425: {  	[tilespmem:s25+$0x15470] =	vst v4;
	v3 =	vld [tilespmem:s29+$0x800]  }
0x426: {  	[tilespmem:s25+$0x15880] =	vst v5;
	v4 =	vld [tilespmem:s30+$0x800]  }
0x427: {  	v5 =	vld [tilespmem:s28+$0x800];
	[tilespmem:s25+$0x15BD0] =	vst v0  }
0x428: {  	[tilespmem:s25+$0x15900] =	vst v1;
	v0 =	vld [tilespmem:s12+$0x860]  }
0x429: {  	v1 =	vld [tilespmem:s26+$0x800];
	[tilespmem:s25+$0x15980] =	vst v2  }
0x42a: {  	v2 =	vld [tilespmem:s1+$0x810];
	[tilespmem:s25+$0x15A00] =	vst v3  }
0x42b: {  	v3 =	vld [tilespmem:s0+$0x810];
	[tilespmem:s25+$0x15A80] =	vst v4  }
0x42c: {  	v4 =	vld [tilespmem:s31+$0x810];
	[tilespmem:s25+$0x15B00] =	vst v5  }
0x42d: {  	v5 =	vld [tilespmem:s29+$0x810];
	[tilespmem:s25+$0x15BE0] =	vst v0  }
0x42e: {  	[tilespmem:s25+$0x15800] =	vst v1;
	v0 =	vld [tilespmem:s12+$0x870]  }
0x42f: {  	[tilespmem:s25+$0x15890] =	vst v2;
	v1 =	vld [tilespmem:s30+$0x810]  }
0x430: {  	[tilespmem:s25+$0x15910] =	vst v3;
	v2 =	vld [tilespmem:s28+$0x810]  }
0x431: {  	v3 =	vld [tilespmem:s26+$0x810];
	[tilespmem:s25+$0x15990] =	vst v4  }
0x432: {  	v4 =	vld [tilespmem:s1+$0x820];
	[tilespmem:s25+$0x15A10] =	vst v5  }
0x433: {  	v5 =	vld [tilespmem:s0+$0x820];
	[tilespmem:s25+$0x15BF0] =	vst v0  }
0x434: {  	[tilespmem:s25+$0x15A90] =	vst v1;
	v0 =	vld [tilespmem:s12+$0xC00]  }
0x435: {  	v1 =	vld [tilespmem:s31+$0x820];
	[tilespmem:s25+$0x15B10] =	vst v2  }
0x436: {  	[tilespmem:s25+$0x15810] =	vst v3;
	v2 =	vld [tilespmem:s29+$0x820]  }
0x437: {  	[tilespmem:s25+$0x158A0] =	vst v4;
	v3 =	vld [tilespmem:s30+$0x820]  }
0x438: {  	[tilespmem:s25+$0x15920] =	vst v5;
	v4 =	vld [tilespmem:s28+$0x820]  }
0x439: {  	v5 =	vld [tilespmem:s26+$0x820];
	[tilespmem:s25+$0x15F80] =	vst v0  }
0x43a: {  	[tilespmem:s25+$0x159A0] =	vst v1;
	v6 =	vld [tilespmem:s12+$0xC10]  }
0x43b: {  	v7 =	vld [tilespmem:s1+$0x830];
	[tilespmem:s25+$0x15A20] =	vst v2  }
.Ltmp6:
0x43c: {  	v1 =	vld [tilespmem:s0+$0x830];
	[tilespmem:s25+$0x15AA0] =	vst v3;
	(pc) =	sbr.rel @p0 .LBB2_6-.Ltmp6, $4  }
0x43d: {  	v3 =	vld [tilespmem:s31+$0x830];
	[tilespmem:s25+$0x15B20] =	vst v4  }
0x43e: {  	[tilespmem:s25+$0x15820] =	vst v5;
	v2 =	vld [tilespmem:s29+$0x830]  }
0x43f: {  	v0 =	vld [tilespmem:s30+$0x830];
	[tilespmem:s25+$0x15F90] =	vst v6  }
0x440: {  	s13 =	sadd.s32 $0x8, s13;
	[tilespmem:s25+$0x158B0] =	vst v7;
	v4 =	vld [tilespmem:s12+$0xC20]  }
0x441: {  	[tilespmem:s25+$0x15930] =	vst v1;
	v33 =	vld [tilespmem:s28+$0x830]  }
0x442: {  	v34 =	vld [tilespmem:s26+$0x830];
	[tilespmem:s25+$0x159B0] =	vst v3  }
0x443: {  	v5 =	vld [tilespmem:s1+$0x840];
	[tilespmem:s25+$0x15A30] =	vst v2  }
0x444: {  	v36 =	vld [tilespmem:s0+$0x840];
	[tilespmem:s25+$0x15AB0] =	vst v0  }
0x445: {  	v37 =	vld [tilespmem:s31+$0x840];
	[tilespmem:s25+$0x15FA0] =	vst v4  }
0x446: {  	v38 =	vld [tilespmem:s29+$0x840];
	[tilespmem:s25+$0x15B30] =	vst v33  }
0x447: {  	v39 =	vld [tilespmem:s30+$0x840];
	[tilespmem:s25+$0x15830] =	vst v34  }
0x448: {  	v35 =	vld [tilespmem:s12+$0xC30];
	[tilespmem:s25+$0x158C0] =	vst v5  }
0x449: {  	v40 =	vld [tilespmem:s28+$0x840];
	[tilespmem:s25+$0x15940] =	vst v36  }
0x44a: {  	v42 =	vld [tilespmem:s26+$0x840];
	[tilespmem:s25+$0x159C0] =	vst v37  }
0x44b: {  	v43 =	vld [tilespmem:s1+$0x850];
	[tilespmem:s25+$0x15A40] =	vst v38  }
0x44c: {  	v44 =	vld [tilespmem:s0+$0x850];
	[tilespmem:s25+$0x15AC0] =	vst v39  }
0x44d: {  	v45 =	vld [tilespmem:s31+$0x850];
	[tilespmem:s25+$0x15FB0] =	vst v35  }
0x44e: {  	v46 =	vld [tilespmem:s29+$0x850];
	[tilespmem:s25+$0x15B40] =	vst v40  }
0x44f: {  	v47 =	vld [tilespmem:s30+$0x850];
	[tilespmem:s25+$0x15840] =	vst v42  }
0x450: {  	v41 =	vld [tilespmem:s12+$0xC40];
	[tilespmem:s25+$0x158D0] =	vst v43  }
0x451: {  	[tilespmem:s25+$0x15950] =	vst v44;
	v48 =	vld [tilespmem:s28+$0x850]  }
0x452: {  	v49 =	vld [tilespmem:s26+$0x850];
	[tilespmem:s25+$0x159D0] =	vst v45  }
0x453: {  	v50 =	vld [tilespmem:s1+$0x860];
	[tilespmem:s25+$0x15A50] =	vst v46  }
0x454: {  	v51 =	vld [tilespmem:s0+$0x860];
	[tilespmem:s25+$0x15AD0] =	vst v47  }
0x455: {  	v52 =	vld [tilespmem:s31+$0x860];
	[tilespmem:s25+$0x15FC0] =	vst v41  }
0x456: {  	v53 =	vld [tilespmem:s29+$0x860];
	[tilespmem:s25+$0x15B50] =	vst v48  }
0x457: {  	v54 =	vld [tilespmem:s30+$0x860];
	[tilespmem:s25+$0x15850] =	vst v49  }
0x458: {  	v0 =	vld [tilespmem:s12+$0xC50];
	[tilespmem:s25+$0x158E0] =	vst v50  }
0x459: {  	[tilespmem:s25+$0x15960] =	vst v51;
	v55 =	vld [tilespmem:s28+$0x860]  }
0x45a: {  	v56 =	vld [tilespmem:s26+$0x860];
	[tilespmem:s25+$0x159E0] =	vst v52  }
0x45b: {  	v57 =	vld [tilespmem:s1+$0x870];
	[tilespmem:s25+$0x15A60] =	vst v53  }
0x45c: {  	v58 =	vld [tilespmem:s0+$0x870];
	[tilespmem:s25+$0x15AE0] =	vst v54  }
0x45d: {  	v59 =	vld [tilespmem:s31+$0x870];
	[tilespmem:s25+$0x15FD0] =	vst v0  }
0x45e: {  	v60 =	vld [tilespmem:s29+$0x870];
	[tilespmem:s25+$0x15B60] =	vst v55  }
0x45f: {  	v61 =	vld [tilespmem:s30+$0x870];
	[tilespmem:s25+$0x15860] =	vst v56  }
0x460: {  	v0 =	vld [tilespmem:s12+$0xC60];
	[tilespmem:s25+$0x158F0] =	vst v57  }
0x461: {  	v62 =	vld [tilespmem:s28+$0x870];
	[tilespmem:s25+$0x15970] =	vst v58  }
0x462: {  	v63 =	vld [tilespmem:s26+$0x870];
	[tilespmem:s25+$0x159F0] =	vst v59  }
0x463: {  	v8 =	vld [tilespmem:s1+$0xC00];
	[tilespmem:s25+$0x15A70] =	vst v60  }
0x464: {  	v9 =	vld [tilespmem:s0+$0xC00];
	[tilespmem:s25+$0x15AF0] =	vst v61  }
0x465: {  	v10 =	vld [tilespmem:s31+$0xC00];
	[tilespmem:s25+$0x15FE0] =	vst v0  }
0x466: {  	v11 =	vld [tilespmem:s29+$0xC00];
	[tilespmem:s25+$0x15B70] =	vst v62  }
0x467: {  	v12 =	vld [tilespmem:s30+$0xC00];
	[tilespmem:s25+$0x15870] =	vst v63  }
0x468: {  	v0 =	vld [tilespmem:s12+$0xC70];
	[tilespmem:s25+$0x15C80] =	vst v8  }
0x469: {  	v13 =	vld [tilespmem:s28+$0xC00];
	[tilespmem:s25+$0x15D00] =	vst v9  }
0x46a: {  	v14 =	vld [tilespmem:s26+$0xC00];
	[tilespmem:s25+$0x15D80] =	vst v10  }
0x46b: {  	v15 =	vld [tilespmem:s1+$0xC10];
	[tilespmem:s25+$0x15E00] =	vst v11  }
0x46c: {  	v16 =	vld [tilespmem:s0+$0xC10];
	[tilespmem:s25+$0x15E80] =	vst v12  }
0x46d: {  	v17 =	vld [tilespmem:s31+$0xC10];
	[tilespmem:s25+$0x15FF0] =	vst v0  }
0x46e: {  	v18 =	vld [tilespmem:s29+$0xC10];
	[tilespmem:s25+$0x15F00] =	vst v13  }
0x46f: {  	v19 =	vld [tilespmem:s30+$0xC10];
	[tilespmem:s25+$0x15C00] =	vst v14  }
0x470: {  	[tilespmem:s25+$0x15C90] =	vst v15;
	v20 =	vld [tilespmem:s28+$0xC10]  }
0x471: {  	[tilespmem:s25+$0x15D10] =	vst v16;
	v21 =	vld [tilespmem:s26+$0xC10]  }
0x472: {  	v22 =	vld [tilespmem:s1+$0xC20];
	[tilespmem:s25+$0x15D90] =	vst v17  }
0x473: {  	v23 =	vld [tilespmem:s0+$0xC20];
	[tilespmem:s25+$0x15E10] =	vst v18  }
0x474: {  	v24 =	vld [tilespmem:s31+$0xC20];
	[tilespmem:s25+$0x15E90] =	vst v19  }
0x475: {  	v25 =	vld [tilespmem:s29+$0xC20];
	[tilespmem:s25+$0x15F10] =	vst v20  }
0x476: {  	v26 =	vld [tilespmem:s30+$0xC20];
	[tilespmem:s25+$0x15C10] =	vst v21  }
0x477: {  	[tilespmem:s25+$0x15CA0] =	vst v22;
	v27 =	vld [tilespmem:s28+$0xC20]  }
0x478: {  	[tilespmem:s25+$0x15D20] =	vst v23;
	v28 =	vld [tilespmem:s26+$0xC20]  }
0x479: {  	v29 =	vld [tilespmem:s1+$0xC30];
	[tilespmem:s25+$0x15DA0] =	vst v24  }
0x47a: {  	v30 =	vld [tilespmem:s0+$0xC30];
	[tilespmem:s25+$0x15E20] =	vst v25  }
0x47b: {  	v31 =	vld [tilespmem:s31+$0xC30];
	[tilespmem:s25+$0x15EA0] =	vst v26  }
0x47c: {  	v32 =	vld [tilespmem:s29+$0xC30];
	[tilespmem:s25+$0x15F20] =	vst v27  }
0x47d: {  	v33 =	vld [tilespmem:s30+$0xC30];
	[tilespmem:s25+$0x15C20] =	vst v28  }
0x47e: {  	[tilespmem:s25+$0x15CB0] =	vst v29;
	v34 =	vld [tilespmem:s28+$0xC30]  }
0x47f: {  	[tilespmem:s25+$0x15D30] =	vst v30;
	v35 =	vld [tilespmem:s26+$0xC30]  }
0x480: {  	v36 =	vld [tilespmem:s1+$0xC40];
	[tilespmem:s25+$0x15DB0] =	vst v31  }
0x481: {  	v37 =	vld [tilespmem:s0+$0xC40];
	[tilespmem:s25+$0x15E30] =	vst v32  }
0x482: {  	v38 =	vld [tilespmem:s31+$0xC40];
	[tilespmem:s25+$0x15EB0] =	vst v33  }
0x483: {  	v39 =	vld [tilespmem:s29+$0xC40];
	[tilespmem:s25+$0x15F30] =	vst v34  }
0x484: {  	v40 =	vld [tilespmem:s30+$0xC40];
	[tilespmem:s25+$0x15C30] =	vst v35  }
0x485: {  	[tilespmem:s25+$0x15CC0] =	vst v36;
	v41 =	vld [tilespmem:s28+$0xC40]  }
0x486: {  	[tilespmem:s25+$0x15D40] =	vst v37;
	v42 =	vld [tilespmem:s26+$0xC40]  }
0x487: {  	v43 =	vld [tilespmem:s1+$0xC50];
	[tilespmem:s25+$0x15DC0] =	vst v38  }
0x488: {  	v44 =	vld [tilespmem:s0+$0xC50];
	[tilespmem:s25+$0x15E40] =	vst v39  }
0x489: {  	v45 =	vld [tilespmem:s31+$0xC50];
	[tilespmem:s25+$0x15EC0] =	vst v40  }
0x48a: {  	v46 =	vld [tilespmem:s29+$0xC50];
	[tilespmem:s25+$0x15F40] =	vst v41  }
0x48b: {  	v47 =	vld [tilespmem:s30+$0xC50];
	[tilespmem:s25+$0x15C40] =	vst v42  }
0x48c: {  	[tilespmem:s25+$0x15CD0] =	vst v43;
	v48 =	vld [tilespmem:s28+$0xC50]  }
0x48d: {  	[tilespmem:s25+$0x15D50] =	vst v44;
	v49 =	vld [tilespmem:s26+$0xC50]  }
0x48e: {  	v50 =	vld [tilespmem:s1+$0xC60];
	[tilespmem:s25+$0x15DD0] =	vst v45  }
0x48f: {  	v51 =	vld [tilespmem:s0+$0xC60];
	[tilespmem:s25+$0x15E50] =	vst v46  }
0x490: {  	v52 =	vld [tilespmem:s31+$0xC60];
	[tilespmem:s25+$0x15ED0] =	vst v47  }
0x491: {  	v53 =	vld [tilespmem:s29+$0xC60];
	[tilespmem:s25+$0x15F50] =	vst v48  }
0x492: {  	v54 =	vld [tilespmem:s30+$0xC60];
	[tilespmem:s25+$0x15C50] =	vst v49  }
0x493: {  	[tilespmem:s25+$0x15CE0] =	vst v50;
	v55 =	vld [tilespmem:s28+$0xC60]  }
0x494: {  	[tilespmem:s25+$0x15D60] =	vst v51;
	v56 =	vld [tilespmem:s26+$0xC60]  }
0x495: {  	v57 =	vld [tilespmem:s1+$0xC70];
	[tilespmem:s25+$0x15DE0] =	vst v52  }
0x496: {  	v58 =	vld [tilespmem:s0+$0xC70];
	[tilespmem:s25+$0x15E60] =	vst v53  }
0x497: {  	[tilespmem:s25+$0x15EE0] =	vst v54  }
0x498: {  	v59 =	vld [tilespmem:s31+$0xC70];
	[tilespmem:s25+$0x15F60] =	vst v55  }
0x499: {  	v60 =	vld [tilespmem:s29+$0xC70];
	[tilespmem:s25+$0x15C60] =	vst v56  }
0x49a: {  	v61 =	vld [tilespmem:s30+$0xC70];
	[tilespmem:s25+$0x15CF0] =	vst v57  }
0x49b: {  	v62 =	vld [tilespmem:s28+$0xC70];
	[tilespmem:s25+$0x15D70] =	vst v58  }
0x49c: {  	v63 =	vld [tilespmem:s26+$0xC70];
	s29 =	rddreg [dreg:$0x7]  }
0x49d: {  	[tilespmem:s25+$0x15DF0] =	vst v59;
	s0 =	sadd.s32 s29, s23  }
0x49e: {  	s7 =	smul.u32 $0x1400, s24;
	[tilespmem:s25+$0x15E70] =	vst v60;
	p0 =	sgt.u32 s0, $0x4E1  }
0x49f: {  	[tilespmem:s25+$0x15EF0] =	vst v61;
	s0 =	smul.u32 @!p0 $0xA, s0  }
.Ltmp7:
0x4a0: {  	[tilespmem:s25+$0x15F70] =	vst v62;
	(pc) =	sbr.rel .LBB2_8-.Ltmp7, $4  }
0x4a1: {  	s1 =	simm.s32 @!p0 $0x0;
	s6 =	simm.s32 @!p0 $0x1F080;
	[tilespmem:s25+$0x15C70] =	vst v63;
	s0 =	sadd.s32 @!p0 s2, s0  }
0x4a2: {  	[tilespmem:s6], [sflag:$0x4] =	stream.linear.gather @!p0 [hbm4b:s0+s1], $0x50, $0x38;
	[tilespmem:$0x1F100] =	vst v63  }
0x4a3: {  	s31 =	simm.s32 $0x15000;
	s30 =	sadd.s32 s3, s7  }
0x4a4: {  	[hbm4b:s30+s4] =	stream.linear.scatter [tilespmem:s31], [sflag:$0x2], $0xA000, $0x38;
	[tilespmem:$0x1F100] =	vst v63  }
.LBB2_10:
0x4a5: {  	_ =	sfence.sel $0x180000  }
0x4a6: {  	[bflag:$0x0] =	sbarrier.arrive $0xFFFF  }
0x4a7: {  	_ =	strace $0x90000047  }
0x4a8: {  	s0 =	stileid.u32;
	[bflag:$0x2] =	sbarrier.arrive $0xFFFF  }
0x4a9: {  	p0 =	sne.s32 s0, $0x0;
	s0 =	rddreg [dreg:$0x3]  }
0x4aa: {  	s0 =	sadd.s32 @!p0 $0x100000, s0  }
0x4ab: {  	[sflag:s0] =	ssyncadd.tile.s32 @!p0 $0x1;
	_ =	shalt  }
.Lfunc_end2:
_tile_overlayer_lowered:
.L_overlay_start_2:
0x4ac: {  	(tag) =	ssettag $0x2  }
0x4ad: {  	s0 =	rddreg [dreg:$0x0];
	s2 =	stileid.u32  }
0x4ae: {  	s1 =	rddreg [dreg:$0x1];
	p0 =	sne.s32 s2, $0x0  }
0x4af: {  	s3 =	rddreg [dreg:$0x2];
	[bflag:$0x3] =	sbarrier.arrive $0xFFFF;
	s2 =	simm.s32 @!p0 $0x1C06  }
0x4b0: {  	[timem:s3], [sflag:s2] =	dma.local @!p0 [hbm:s0], s1  }
0x4b1: {  	s0 =	simm.s32 @!p0 $0x6  }
0x4b2: {  	_ =	swait.ge @!p0 [sflag:s0], s1  }
0x4b3: {  	s1 =	ssub.s32 @!p0 $0x0, s1;
	[sflag:s0] =	ssyncset.done @!p0 $0x0  }
0x4b4: {  	[sflag:s0] =	ssyncadd.s32 @!p0 s1  }
0x4b5: {  	[bflag:$0x3] =	sbarrier.arrive $0xFFFF  }
0x4b6: {  	_ =	shalt  }

</sc_bundles>
